<compile_context>
chip_gen: v7x
topology: tpu7x:2x2x1
jax: 0.10.2.dev20260603
libtpu: 0.0.44.dev20260713+nightly
codegen_flags: <defaults>
</compile_context>

<pallas_src>
import functools

import jax
import jax.numpy as jnp
from jax import lax
from jax.experimental import pallas as pl
from jax.experimental.pallas import tpu as pltpu
from jax.experimental.pallas import tpu_sc as plsc

B, C, H, W = 8, 96, 32, 32
K = 9
N = H * W
C2 = 2 * C
BN_EPS = 1e-5
BN_TOT = B * N

CP = 256
NW = 32
NPW = BN_TOT // NW
CH = 8
NCH = NPW // CH

_NEG = -3.0e38


def _tc1_body(x_ref, w1e_ref, b1e_ref, wat_ref, w2t_ref, gcb_ref,
              a_ref, bv_ref, idx_ref):
    b = pl.program_id(0)
    xb = x_ref[0]
    h = jnp.dot(w1e_ref[...], xb,
                preferred_element_type=jnp.float32) + b1e_ref[...]
    nrm2 = jnp.sum(h * h, axis=0, keepdims=True)
    denom = jnp.maximum(jnp.sqrt(nrm2), 1e-12)
    xn = h / denom
    d = lax.dot_general(xn, xn, (((0,), (0,)), ((), ())),
                        preferred_element_type=jnp.float32)
    sq = jnp.sum(xn * xn, axis=0, keepdims=True)
    cur = 2.0 * d - sq
    iota = lax.broadcasted_iota(jnp.int32, (N, N), 1)
    cols = []
    vp = None
    for t in range(K):
        if t == 0:
            masked = cur
        else:
            live = (cur < vp) | ((cur == vp) & (iota > jp))
            masked = jnp.where(live, cur, _NEG)
        vp = jnp.max(masked, axis=1, keepdims=True)
        jp = jnp.min(jnp.where(masked >= vp, iota, N), axis=1, keepdims=True)
        cols.append(jp)
    idx_ref[0] = jnp.concatenate(cols, axis=1) + b * N
    a_ref[0] = lax.dot_general(h, wat_ref[...], (((0,), (0,)), ((), ())),
                               preferred_element_type=jnp.float32) + gcb_ref[...]
    bv_ref[0, :, :C2] = lax.dot_general(h, w2t_ref[...],
                                        (((0,), (0,)), ((), ())),
                                        preferred_element_type=jnp.float32)


def _tc1_call(x3, w1e, b1e, wat, w2t, gcb, interpret=False):
    return pl.pallas_call(
        _tc1_body,
        grid=(B,),
        in_specs=[
            pl.BlockSpec((1, C, N), lambda b: (b, 0, 0)),
            pl.BlockSpec((C, C), lambda b: (0, 0)),
            pl.BlockSpec((C, 1), lambda b: (0, 0)),
            pl.BlockSpec((C, C2), lambda b: (0, 0)),
            pl.BlockSpec((C, C2), lambda b: (0, 0)),
            pl.BlockSpec((1, C2), lambda b: (0, 0)),
        ],
        out_specs=[
            pl.BlockSpec((1, N, C2), lambda b: (b, 0, 0)),
            pl.BlockSpec((1, N, CP), lambda b: (b, 0, 0)),
            pl.BlockSpec((1, N, K), lambda b: (b, 0, 0)),
        ],
        out_shape=[
            jax.ShapeDtypeStruct((B, N, C2), jnp.float32),
            jax.ShapeDtypeStruct((B, N, CP), jnp.float32),
            jax.ShapeDtypeStruct((B, N, K), jnp.int32),
        ],
        interpret=interpret,
    )(x3, w1e, b1e, wat, w2t, gcb)


def _sc_body(bv_hbm, idx_hbm, out_hbm, idx_v,
             rows0, rows1, m0, m1, semg0, semg1, semo0, semo1):
    wid = lax.axis_index("s") * 2 + lax.axis_index("c")
    base = wid * NPW
    pltpu.sync_copy(idx_hbm.at[wid], idx_v)
    rows = (rows0, rows1)
    mv = (m0, m1)
    semg = (semg0, semg1)
    semo = (semo0, semo1)
    pltpu.async_copy(bv_hbm.at[idx_v.at[0]], rows0, semg0)
    pltpu.async_copy(bv_hbm.at[idx_v.at[1]], rows1, semg1)

    def pair_body(p, carry):
        for par in range(2):
            ch = p * 2 + par
            pltpu.make_async_copy(bv_hbm.at[idx_v.at[ch]],
                                  rows[par], semg[par]).wait()

            @pl.when(p > 0)
            def _wait_out():
                pltpu.make_async_copy(mv[par],
                                      out_hbm.at[pl.ds(0, CH)],
                                      semo[par]).wait()

            def node_body(i, c2):
                for c in range(C2 // 16):
                    sl = pl.ds(c * 16, 16)
                    m = rows[par][i * K, sl]
                    for k2 in range(1, K):
                        m = jnp.maximum(m, rows[par][i * K + k2, sl])
                    mv[par][i, sl] = m
                return c2
            lax.fori_loop(0, CH, node_body, 0)
            pltpu.async_copy(mv[par], out_hbm.at[pl.ds(base + ch * CH, CH)],
                             semo[par])

            @pl.when(ch + 2 < NCH)
            def _next_gather():
                pltpu.async_copy(bv_hbm.at[idx_v.at[ch + 2]], rows[par],
                                 semg[par])
        return carry
    lax.fori_loop(0, NCH // 2, pair_body, 0)
    for par in range(2):
        pltpu.make_async_copy(mv[par], out_hbm.at[pl.ds(0, CH)],
                              semo[par]).wait()


def _sc_call(bv_flat, idx_3d, interpret=False):
    mesh = plsc.VectorSubcoreMesh(core_axis_name="c", subcore_axis_name="s")
    fn = functools.partial(
        pl.kernel,
        out_type=jax.ShapeDtypeStruct((BN_TOT, C2), jnp.float32),
        mesh=mesh,
        scratch_types=[
            pltpu.VMEM((NCH, CH * K), jnp.int32),
            pltpu.VMEM((CH * K, CP), jnp.float32),
            pltpu.VMEM((CH * K, CP), jnp.float32),
            pltpu.VMEM((CH, C2), jnp.float32),
            pltpu.VMEM((CH, C2), jnp.float32),
            pltpu.SemaphoreType.DMA,
            pltpu.SemaphoreType.DMA,
            pltpu.SemaphoreType.DMA,
            pltpu.SemaphoreType.DMA,
        ],
        interpret=interpret,
    )(_sc_body)
    return fn(bv_flat, idx_3d)


def _tc2_body(a_ref, m_ref, w2e_ref, b2e_ref, x_ref, o_ref):
    g = jnp.maximum(a_ref[0] + m_ref[0], 0.0)
    o = lax.dot_general(w2e_ref[...], g, (((1,), (1,)), ((), ())),
                        preferred_element_type=jnp.float32)
    o_ref[0] = o + b2e_ref[...] + x_ref[0]


def _tc2_call(apre, m, w2e, b2e, x3, interpret=False):
    return pl.pallas_call(
        _tc2_body,
        grid=(B,),
        in_specs=[
            pl.BlockSpec((1, N, C2), lambda b: (b, 0, 0)),
            pl.BlockSpec((1, N, C2), lambda b: (b, 0, 0)),
            pl.BlockSpec((C, C2), lambda b: (0, 0)),
            pl.BlockSpec((C, 1), lambda b: (0, 0)),
            pl.BlockSpec((1, C, N), lambda b: (b, 0, 0)),
        ],
        out_specs=pl.BlockSpec((1, C, N), lambda b: (b, 0, 0)),
        out_shape=jax.ShapeDtypeStruct((B, C, N), jnp.float32),
        interpret=interpret,
    )(apre, m, w2e, b2e, x3)


def _run(x, fc1_w, fc1_b, bn1_g, bn1_b, gc_w, gc_b, fc2_w, fc2_b, bn2_g, bn2_b,
         interpret=False, sc_interpret=False):
    x3 = x.reshape(B, C, N)
    s1 = bn1_g * lax.rsqrt(jnp.float32(1.0 + BN_EPS))
    w1e = fc1_w * s1[:, None]
    b1e = (fc1_b * s1 + bn1_b)[:, None]
    w1 = gc_w[:, :C]
    w2 = gc_w[:, C:]
    wat = (w1 - w2).T
    w2t = w2.T
    gcb = gc_b[None, :]
    s2 = bn2_g * lax.rsqrt(jnp.float32(1.0 + BN_EPS))
    w2e = fc2_w * s2[:, None]
    b2e = (fc2_b * s2 + bn2_b)[:, None]

    apre, bv, idx = _tc1_call(x3, w1e, b1e, wat, w2t, gcb, interpret=interpret)
    bv_flat = bv.reshape(BN_TOT, CP)
    idx_3d = idx.reshape(NW, NCH, CH * K)
    m = _sc_call(bv_flat, idx_3d, interpret=sc_interpret)
    m3 = m.reshape(B, N, C2)
    out = _tc2_call(apre, m3, w2e, b2e, x3, interpret=interpret)
    return out.reshape(B, C, H, W)


def kernel(x, fc1_w, fc1_b, bn1_g, bn1_b, gc_w, gc_b, fc2_w, fc2_b, bn2_g, bn2_b):
    return _run(x, fc1_w, fc1_b, bn1_g, bn1_b, gc_w, gc_b,
                fc2_w, fc2_b, bn2_g, bn2_b)

# --- scband reference (transcript-rebuilt; emitter-appended) ---
"""Pipeline reference for scband-grapher-42580305773110 (READ-ONLY COPY).

The authoritative reference and input builder live on the scoring server;
editing this copy changes nothing except your own understanding.
"""

import jax, jax.numpy as jnp
import numpy as np

B, C, H, W = 8, 96, 32, 32
K = 9
N = H * W
C2 = 2 * C
BN_EPS = 1e-5


def _conv1x1(x, w, b):
    # 1x1 conv as channel matmul: x [B, Cin, H, W], w [Cout, Cin], b [Cout]
    return jnp.einsum('oc,bchw->bohw', w, x) + b[None, :, None, None]


def _bn_inf(x, g, b):
    # inference-mode BatchNorm2d with running_mean=0, running_var=1
    return x * (g / jnp.sqrt(1.0 + BN_EPS))[None, :, None, None] + b[None, :, None, None]


def setup_inputs(seed: int = 0) -> dict:
    key = jax.random.key(seed)
    ks = jax.random.split(key, 8)
    return {
        'x': jax.random.normal(ks[0], (B, C, H, W), dtype=jnp.float32),
        'fc1_w': jax.random.normal(ks[1], (C, C), dtype=jnp.float32) * 0.05,
        'fc1_b': jnp.zeros((C,), jnp.float32),
        'bn1_g': jnp.ones((C,), jnp.float32),
        'bn1_b': jnp.zeros((C,), jnp.float32),
        'gc_w': jax.random.normal(ks[2], (C2, C2), dtype=jnp.float32) * 0.05,
        'gc_b': jnp.zeros((C2,), jnp.float32),
        'fc2_w': jax.random.normal(ks[3], (C, C2), dtype=jnp.float32) * 0.05,
        'fc2_b': jnp.zeros((C,), jnp.float32),
        'bn2_g': jnp.ones((C,), jnp.float32),
        'bn2_b': jnp.zeros((C,), jnp.float32),
    }


def reference(x, fc1_w, fc1_b, bn1_g, bn1_b, gc_w, gc_b, fc2_w, fc2_b, bn2_g, bn2_b):
    # Grapher.forward: fc1 -> DyGraphConv2d (dense kNN graph + EdgeConv2d) -> fc2 -> residual
    shortcut = x
    h = _bn_inf(_conv1x1(x, fc1_w, fc1_b), bn1_g, bn1_b)
    xf = h.reshape(B, C, N)  # [B, C, N] (N graph nodes, k.a. x.reshape(B,C,-1,1))
    # DenseDilatedKnnGraph: l2-normalize along channel dim, negative pairwise sq dist, top-k
    nrm = jnp.sqrt(jnp.sum(xf * xf, axis=1, keepdims=True))
    xn = xf / jnp.maximum(nrm, 1e-12)
    xt_n = jnp.transpose(xn, (0, 2, 1))  # [B, N, C]
    inner = -2.0 * jnp.einsum('bnc,bmc->bnm', xt_n, xt_n)
    sq = jnp.sum(xt_n * xt_n, axis=-1, keepdims=True)
    dist = -(sq + inner + jnp.swapaxes(sq, 1, 2))  # negative squared distance [B, N, N]
    _, nn_idx = jax.lax.top_k(dist, K)  # [B, N, K] neighbor indices (edge_index[0])
    # EdgeConv2d: x_i = gather at center idx, x_j = gather at neighbor idx
    xt = jnp.transpose(xf, (0, 2, 1))  # [B, N, C]
    x_j = jax.vmap(lambda t, i: t[i])(xt, nn_idx)  # [B, N, K, C] gather
    x_i = jnp.broadcast_to(xt[:, :, None, :], (B, N, K, C))
    feat = jnp.concatenate([x_i, x_j - x_i], axis=-1)  # [B, N, K, 2C]
    g = jax.nn.relu(jnp.einsum('oc,bnkc->bnko', gc_w, feat) + gc_b)
    g = jnp.max(g, axis=2)  # max over neighbors -> [B, N, 2C]
    g = jnp.transpose(g, (0, 2, 1)).reshape(B, C2, H, W)
    out = _bn_inf(_conv1x1(g, fc2_w, fc2_b), bn2_g, bn2_b)
    return out + shortcut

if __name__ == "__main__":
    import jax
    _d = setup_inputs()
    print(jax.jit(kernel)(*tuple(_d.values())))

</pallas_src>

<mosaic_0001>
#map = affine_map<(d0, d1) -> (0, 0)>
#map1 = affine_map<(d0, d1) -> (0, 0, 0)>
module attributes {stable_mosaic.version = 14 : i64} {
  func.func @_sc_body(%arg0: i32, %arg1: i32, %arg2: memref<8192x256xf32, #tpu.memory_space<hbm>>, %arg3: memref<32x32x72xi32, #tpu.memory_space<hbm>>, %arg4: memref<8192x192xf32, #tpu.memory_space<hbm>>, %arg5: memref<32x72xi32, #tpu.memory_space<vmem>>, %arg6: memref<72x256xf32, #tpu.memory_space<vmem>>, %arg7: memref<72x256xf32, #tpu.memory_space<vmem>>, %arg8: memref<8x192xf32, #tpu.memory_space<vmem>>, %arg9: memref<8x192xf32, #tpu.memory_space<vmem>>, %arg10: memref<!tpu.dma_semaphore, #tpu.memory_space<semaphore_mem>>, %arg11: memref<!tpu.dma_semaphore, #tpu.memory_space<semaphore_mem>>, %arg12: memref<!tpu.dma_semaphore, #tpu.memory_space<semaphore_mem>>, %arg13: memref<!tpu.dma_semaphore, #tpu.memory_space<semaphore_mem>>) attributes {dimension_semantics = [#tpu.dimension_semantics<core_parallel>, #tpu.dimension_semantics<subcore_parallel>], iteration_bounds = array<i64: 2, 16>, scalar_prefetch = 0 : i64, scratch_operands = 9 : i64, tpu.core_type = #tpu.core_type<sc_vector_subcore>, window_params = [{transform_indices = #map}, {transform_indices = #map1}, {transform_indices = #map}]} {
    %mul3A = arith.constant 2 : i32
    %mul3A_0 = arith.muli %arg1, %mul3A : i32
    %add3A = arith.addi %mul3A_0, %arg0 : i32
    %mul3A_1 = arith.constant 256 : i32
    %mul3A_2 = arith.muli %add3A, %mul3A_1 : i32
    "tpu.region"() ({
      %run_scoped3A = tpu.sem_alloc : memref<!tpu.dma_semaphore, #tpu.memory_space<semaphore_mem>>
      %dma_start3A_32 = arith.constant 0 : i32
      %dma_start3A_33 = arith.constant 0 : i32
      %dma_start3A_34 = tpu.memref_slice %arg3[%add3A, %dma_start3A_32, %dma_start3A_33] : memref<32x32x72xi32, #tpu.memory_space<hbm>> -> memref<1x32x72xi32, #tpu.memory_space<hbm>>
      %dma_start3A_35 = tpu.memref_squeeze %dma_start3A_34 : memref<1x32x72xi32, #tpu.memory_space<hbm>> -> memref<32x72xi32, #tpu.memory_space<hbm>>
      %dma_start3A_36 = arith.constant 0 : i32
      %dma_start3A_37 = arith.constant 0 : i32
      %dma_start3A_38 = tpu.memref_slice %arg3[%add3A, %dma_start3A_36, %dma_start3A_37] : memref<32x32x72xi32, #tpu.memory_space<hbm>> -> memref<1x32x72xi32, #tpu.memory_space<hbm>>
      %dma_start3A_39 = tpu.memref_squeeze %dma_start3A_38 : memref<1x32x72xi32, #tpu.memory_space<hbm>> -> memref<32x72xi32, #tpu.memory_space<hbm>>
      tpu.enqueue_dma source(%dma_start3A_39 : memref<32x72xi32, #tpu.memory_space<hbm>>) target(%arg5 : memref<32x72xi32, #tpu.memory_space<vmem>>) target_semaphore(%run_scoped3A : memref<!tpu.dma_semaphore, #tpu.memory_space<semaphore_mem>>)
      %dma_wait3A_40 = arith.constant 0 : i32
      %dma_wait3A_41 = arith.constant 0 : i32
      %dma_wait3A_42 = tpu.memref_slice %arg3[%add3A, %dma_wait3A_40, %dma_wait3A_41] : memref<32x32x72xi32, #tpu.memory_space<hbm>> -> memref<1x32x72xi32, #tpu.memory_space<hbm>>
      %dma_wait3A_43 = tpu.memref_squeeze %dma_wait3A_42 : memref<1x32x72xi32, #tpu.memory_space<hbm>> -> memref<32x72xi32, #tpu.memory_space<hbm>>
      %dma_wait3A_44 = arith.constant 0 : i32
      %dma_wait3A_45 = arith.constant 0 : i32
      %dma_wait3A_46 = tpu.memref_slice %arg3[%add3A, %dma_wait3A_44, %dma_wait3A_45] : memref<32x32x72xi32, #tpu.memory_space<hbm>> -> memref<1x32x72xi32, #tpu.memory_space<hbm>>
      %dma_wait3A_47 = tpu.memref_squeeze %dma_wait3A_46 : memref<1x32x72xi32, #tpu.memory_space<hbm>> -> memref<32x72xi32, #tpu.memory_space<hbm>>
      tpu.wait_dma2 semaphore(%run_scoped3A : memref<!tpu.dma_semaphore, #tpu.memory_space<semaphore_mem>>) src(%dma_wait3A_47 : memref<32x72xi32, #tpu.memory_space<hbm>>) dst(%arg5 : memref<32x72xi32, #tpu.memory_space<vmem>>)
      tpu.yield
    }) : () -> ()
    %dma_start3A = arith.constant 0 : i32
    %dma_start3A_3 = arith.constant 0 : i32
    %dma_start3A_4 = tpu.memref_slice %arg5[%dma_start3A, %dma_start3A_3] : memref<32x72xi32, #tpu.memory_space<vmem>> -> memref<1x72xi32, #tpu.memory_space<vmem>>
    %dma_start3A_5 = tpu.memref_squeeze %dma_start3A_4 : memref<1x72xi32, #tpu.memory_space<vmem>> -> memref<72xi32, #tpu.memory_space<vmem>>
    %dma_start3A_6 = arith.constant 0 : i32
    %dma_start3A_7 = arith.constant 0 : i32
    %dma_start3A_8 = tpu.memref_slice %arg2[%dma_start3A_6, %dma_start3A_7] : memref<8192x256xf32, #tpu.memory_space<hbm>> -> memref<8192x256xf32, #tpu.memory_space<hbm>>
    tpu.enqueue_indirect_dma source(%dma_start3A_8 : memref<8192x256xf32, #tpu.memory_space<hbm>>) target(%arg6 : memref<72x256xf32, #tpu.memory_space<vmem>>) offsets(%dma_start3A_5 : memref<72xi32, #tpu.memory_space<vmem>>) semaphore(%arg10 : memref<!tpu.dma_semaphore, #tpu.memory_space<semaphore_mem>>)
    %dma_start3A_9 = arith.constant 1 : i32
    %dma_start3A_10 = arith.constant 0 : i32
    %dma_start3A_11 = tpu.memref_slice %arg5[%dma_start3A_9, %dma_start3A_10] : memref<32x72xi32, #tpu.memory_space<vmem>> -> memref<1x72xi32, #tpu.memory_space<vmem>>
    %dma_start3A_12 = tpu.memref_squeeze %dma_start3A_11 : memref<1x72xi32, #tpu.memory_space<vmem>> -> memref<72xi32, #tpu.memory_space<vmem>>
    %dma_start3A_13 = arith.constant 0 : i32
    %dma_start3A_14 = arith.constant 0 : i32
    %dma_start3A_15 = tpu.memref_slice %arg2[%dma_start3A_13, %dma_start3A_14] : memref<8192x256xf32, #tpu.memory_space<hbm>> -> memref<8192x256xf32, #tpu.memory_space<hbm>>
    tpu.enqueue_indirect_dma source(%dma_start3A_15 : memref<8192x256xf32, #tpu.memory_space<hbm>>) target(%arg7 : memref<72x256xf32, #tpu.memory_space<vmem>>) offsets(%dma_start3A_12 : memref<72xi32, #tpu.memory_space<vmem>>) semaphore(%arg11 : memref<!tpu.dma_semaphore, #tpu.memory_space<semaphore_mem>>)
    %scan3A = arith.constant 0 : i32
    %scan3A_16 = arith.constant 0 : i32
    %scan3A_17 = arith.constant 16 : i32
    %scan3A_18 = arith.addi %scan3A_16, %scan3A_17 : i32
    %scan3A_19 = arith.constant 1 : i32
    scf.for %scan3A_32 = %scan3A_16 to %scan3A_18 step %scan3A_19  : i32 {
      %mul3A_33 = arith.constant 2 : i32
      %mul3A_34 = arith.muli %scan3A_32, %mul3A_33 : i32
      %add3A_35 = arith.constant 0 : i32
      %add3A_36 = arith.addi %mul3A_34, %add3A_35 : i32
      %dma_wait3A_37 = arith.constant 0 : i32
      %dma_wait3A_38 = tpu.memref_slice %arg5[%add3A_36, %dma_wait3A_37] : memref<32x72xi32, #tpu.memory_space<vmem>> -> memref<1x72xi32, #tpu.memory_space<vmem>>
      %dma_wait3A_39 = tpu.memref_squeeze %dma_wait3A_38 : memref<1x72xi32, #tpu.memory_space<vmem>> -> memref<72xi32, #tpu.memory_space<vmem>>
      %dma_wait3A_40 = arith.constant 0 : i32
      %dma_wait3A_41 = arith.constant 0 : i32
      %dma_wait3A_42 = tpu.memref_slice %arg2[%dma_wait3A_40, %dma_wait3A_41] : memref<8192x256xf32, #tpu.memory_space<hbm>> -> memref<8192x256xf32, #tpu.memory_space<hbm>>
      tpu.wait_indirect_dma semaphore(%arg10 : memref<!tpu.dma_semaphore, #tpu.memory_space<semaphore_mem>>) src(%dma_wait3A_42 : memref<8192x256xf32, #tpu.memory_space<hbm>>) dst(%arg6 : memref<72x256xf32, #tpu.memory_space<vmem>>)
      %gt3A = arith.constant 0 : i32
      %gt3A_43 = arith.cmpi sgt, %scan3A_32, %gt3A : i32
      %convert_element_type3A = arith.extui %gt3A_43 : i1 to i32
      %cond3A = arith.constant 0 : i32
      %cond3A_44 = arith.cmpi ne, %convert_element_type3A, %cond3A : i32
      scf.if %cond3A_44 {
        %dma_wait3A_99 = arith.constant 0 : i32
        %dma_wait3A_100 = arith.constant 0 : i32
        %dma_wait3A_101 = tpu.memref_slice %arg4[%dma_wait3A_99, %dma_wait3A_100] : memref<8192x192xf32, #tpu.memory_space<hbm>> -> memref<8x192xf32, #tpu.memory_space<hbm>>
        %dma_wait3A_102 = arith.constant 0 : i32
        %dma_wait3A_103 = arith.constant 0 : i32
        %dma_wait3A_104 = tpu.memref_slice %arg4[%dma_wait3A_102, %dma_wait3A_103] : memref<8192x192xf32, #tpu.memory_space<hbm>> -> memref<8x192xf32, #tpu.memory_space<hbm>>
        tpu.wait_dma2 semaphore(%arg12 : memref<!tpu.dma_semaphore, #tpu.memory_space<semaphore_mem>>) src(%arg8 : memref<8x192xf32, #tpu.memory_space<vmem>>) dst(%dma_wait3A_104 : memref<8x192xf32, #tpu.memory_space<hbm>>)
      } else {
      }
      %scan3A_45 = arith.constant 0 : i32
      %scan3A_46 = arith.constant 0 : i32
      %scan3A_47 = arith.constant 8 : i32
      %scan3A_48 = arith.addi %scan3A_46, %scan3A_47 : i32
      %scan3A_49 = arith.constant 1 : i32
      scf.for %scan3A_99 = %scan3A_46 to %scan3A_48 step %scan3A_49  : i32 {
        %mul3A_100 = arith.constant 9 : i32
        %mul3A_101 = arith.muli %scan3A_99, %mul3A_100 : i32
        %get3A = arith.index_cast %mul3A_101 : i32 to index
        %get3A_102 = arith.constant 0 : index
        %get3A_103 = tpu.vector_load %arg6[%get3A, %get3A_102] {strides = array<i32>} : memref<72x256xf32, #tpu.memory_space<vmem>>, vector<1x16xf32>,
        %get3A_104 = vector.shape_cast %get3A_103 : vector<1x16xf32> to vector<16xf32>
        %mul3A_105 = arith.constant 9 : i32
        %mul3A_106 = arith.muli %scan3A_99, %mul3A_105 : i32
        %add3A_107 = arith.constant 1 : i32
        %add3A_108 = arith.addi %mul3A_106, %add3A_107 : i32
        %get3A_109 = arith.index_cast %add3A_108 : i32 to index
        %get3A_110 = arith.constant 0 : index
        %get3A_111 = tpu.vector_load %arg6[%get3A_109, %get3A_110] {strides = array<i32>} : memref<72x256xf32, #tpu.memory_space<vmem>>, vector<1x16xf32>,
        %get3A_112 = vector.shape_cast %get3A_111 : vector<1x16xf32> to vector<16xf32>
        %max3A = arith.maximumf %get3A_104, %get3A_112 : vector<16xf32>
        %mul3A_113 = arith.constant 9 : i32
        %mul3A_114 = arith.muli %scan3A_99, %mul3A_113 : i32
        %add3A_115 = arith.constant 2 : i32
        %add3A_116 = arith.addi %mul3A_114, %add3A_115 : i32
        %get3A_117 = arith.index_cast %add3A_116 : i32 to index
        %get3A_118 = arith.constant 0 : index
        %get3A_119 = tpu.vector_load %arg6[%get3A_117, %get3A_118] {strides = array<i32>} : memref<72x256xf32, #tpu.memory_space<vmem>>, vector<1x16xf32>,
        %get3A_120 = vector.shape_cast %get3A_119 : vector<1x16xf32> to vector<16xf32>
        %max3A_121 = arith.maximumf %max3A, %get3A_120 : vector<16xf32>
        %mul3A_122 = arith.constant 9 : i32
        %mul3A_123 = arith.muli %scan3A_99, %mul3A_122 : i32
        %add3A_124 = arith.constant 3 : i32
        %add3A_125 = arith.addi %mul3A_123, %add3A_124 : i32
        %get3A_126 = arith.index_cast %add3A_125 : i32 to index
        %get3A_127 = arith.constant 0 : index
        %get3A_128 = tpu.vector_load %arg6[%get3A_126, %get3A_127] {strides = array<i32>} : memref<72x256xf32, #tpu.memory_space<vmem>>, vector<1x16xf32>,
        %get3A_129 = vector.shape_cast %get3A_128 : vector<1x16xf32> to vector<16xf32>
        %max3A_130 = arith.maximumf %max3A_121, %get3A_129 : vector<16xf32>
        %mul3A_131 = arith.constant 9 : i32
        %mul3A_132 = arith.muli %scan3A_99, %mul3A_131 : i32
        %add3A_133 = arith.constant 4 : i32
        %add3A_134 = arith.addi %mul3A_132, %add3A_133 : i32
        %get3A_135 = arith.index_cast %add3A_134 : i32 to index
        %get3A_136 = arith.constant 0 : index
        %get3A_137 = tpu.vector_load %arg6[%get3A_135, %get3A_136] {strides = array<i32>} : memref<72x256xf32, #tpu.memory_space<vmem>>, vector<1x16xf32>,
        %get3A_138 = vector.shape_cast %get3A_137 : vector<1x16xf32> to vector<16xf32>
        %max3A_139 = arith.maximumf %max3A_130, %get3A_138 : vector<16xf32>
        %mul3A_140 = arith.constant 9 : i32
        %mul3A_141 = arith.muli %scan3A_99, %mul3A_140 : i32
        %add3A_142 = arith.constant 5 : i32
        %add3A_143 = arith.addi %mul3A_141, %add3A_142 : i32
        %get3A_144 = arith.index_cast %add3A_143 : i32 to index
        %get3A_145 = arith.constant 0 : index
        %get3A_146 = tpu.vector_load %arg6[%get3A_144, %get3A_145] {strides = array<i32>} : memref<72x256xf32, #tpu.memory_space<vmem>>, vector<1x16xf32>,
        %get3A_147 = vector.shape_cast %get3A_146 : vector<1x16xf32> to vector<16xf32>
        %max3A_148 = arith.maximumf %max3A_139, %get3A_147 : vector<16xf32>
        %mul3A_149 = arith.constant 9 : i32
        %mul3A_150 = arith.muli %scan3A_99, %mul3A_149 : i32
        %add3A_151 = arith.constant 6 : i32
        %add3A_152 = arith.addi %mul3A_150, %add3A_151 : i32
        %get3A_153 = arith.index_cast %add3A_152 : i32 to index
        %get3A_154 = arith.constant 0 : index
        %get3A_155 = tpu.vector_load %arg6[%get3A_153, %get3A_154] {strides = array<i32>} : memref<72x256xf32, #tpu.memory_space<vmem>>, vector<1x16xf32>,
        %get3A_156 = vector.shape_cast %get3A_155 : vector<1x16xf32> to vector<16xf32>
        %max3A_157 = arith.maximumf %max3A_148, %get3A_156 : vector<16xf32>
        %mul3A_158 = arith.constant 9 : i32
        %mul3A_159 = arith.muli %scan3A_99, %mul3A_158 : i32
        %add3A_160 = arith.constant 7 : i32
        %add3A_161 = arith.addi %mul3A_159, %add3A_160 : i32
        %get3A_162 = arith.index_cast %add3A_161 : i32 to index
        %get3A_163 = arith.constant 0 : index
        %get3A_164 = tpu.vector_load %arg6[%get3A_162, %get3A_163] {strides = array<i32>} : memref<72x256xf32, #tpu.memory_space<vmem>>, vector<1x16xf32>,
        %get3A_165 = vector.shape_cast %get3A_164 : vector<1x16xf32> to vector<16xf32>
        %max3A_166 = arith.maximumf %max3A_157, %get3A_165 : vector<16xf32>
        %mul3A_167 = arith.constant 9 : i32
        %mul3A_168 = arith.muli %scan3A_99, %mul3A_167 : i32
        %add3A_169 = arith.constant 8 : i32
        %add3A_170 = arith.addi %mul3A_168, %add3A_169 : i32
        %get3A_171 = arith.index_cast %add3A_170 : i32 to index
        %get3A_172 = arith.constant 0 : index
        %get3A_173 = tpu.vector_load %arg6[%get3A_171, %get3A_172] {strides = array<i32>} : memref<72x256xf32, #tpu.memory_space<vmem>>, vector<1x16xf32>,
        %get3A_174 = vector.shape_cast %get3A_173 : vector<1x16xf32> to vector<16xf32>
        %max3A_175 = arith.maximumf %max3A_166, %get3A_174 : vector<16xf32>
        %swap3A = arith.index_cast %scan3A_99 : i32 to index
        %swap3A_176 = arith.constant 0 : index
        %swap3A_177 = tpu.vector_load %arg8[%swap3A, %swap3A_176] {strides = array<i32>} : memref<8x192xf32, #tpu.memory_space<vmem>>, vector<1x16xf32>,
        %swap3A_178 = vector.shape_cast %swap3A_177 : vector<1x16xf32> to vector<16xf32>
        %swap3A_179 = vector.shape_cast %max3A_175 : vector<16xf32> to vector<1x16xf32>
        tpu.vector_store %arg8[%swap3A, %swap3A_176], %swap3A_179 {strides = array<i32>} : memref<8x192xf32, #tpu.memory_space<vmem>>, vector<1x16xf32>,
        %mul3A_180 = arith.constant 9 : i32
        %mul3A_181 = arith.muli %scan3A_99, %mul3A_180 : i32
        %get3A_182 = arith.index_cast %mul3A_181 : i32 to index
        %get3A_183 = arith.constant 16 : index
        %get3A_184 = tpu.vector_load %arg6[%get3A_182, %get3A_183] {strides = array<i32>} : memref<72x256xf32, #tpu.memory_space<vmem>>, vector<1x16xf32>,
        %get3A_185 = vector.shape_cast %get3A_184 : vector<1x16xf32> to vector<16xf32>
        %mul3A_186 = arith.constant 9 : i32
        %mul3A_187 = arith.muli %scan3A_99, %mul3A_186 : i32
        %add3A_188 = arith.constant 1 : i32
        %add3A_189 = arith.addi %mul3A_187, %add3A_188 : i32
        %get3A_190 = arith.index_cast %add3A_189 : i32 to index
        %get3A_191 = arith.constant 16 : index
        %get3A_192 = tpu.vector_load %arg6[%get3A_190, %get3A_191] {strides = array<i32>} : memref<72x256xf32, #tpu.memory_space<vmem>>, vector<1x16xf32>,
        %get3A_193 = vector.shape_cast %get3A_192 : vector<1x16xf32> to vector<16xf32>
        %max3A_194 = arith.maximumf %get3A_185, %get3A_193 : vector<16xf32>
        %mul3A_195 = arith.constant 9 : i32
        %mul3A_196 = arith.muli %scan3A_99, %mul3A_195 : i32
        %add3A_197 = arith.constant 2 : i32
        %add3A_198 = arith.addi %mul3A_196, %add3A_197 : i32
        %get3A_199 = arith.index_cast %add3A_198 : i32 to index
        %get3A_200 = arith.constant 16 : index
        %get3A_201 = tpu.vector_load %arg6[%get3A_199, %get3A_200] {strides = array<i32>} : memref<72x256xf32, #tpu.memory_space<vmem>>, vector<1x16xf32>,
        %get3A_202 = vector.shape_cast %get3A_201 : vector<1x16xf32> to vector<16xf32>
        %max3A_203 = arith.maximumf %max3A_194, %get3A_202 : vector<16xf32>
        %mul3A_204 = arith.constant 9 : i32
        %mul3A_205 = arith.muli %scan3A_99, %mul3A_204 : i32
        %add3A_206 = arith.constant 3 : i32
        %add3A_207 = arith.addi %mul3A_205, %add3A_206 : i32
        %get3A_208 = arith.index_cast %add3A_207 : i32 to index
        %get3A_209 = arith.constant 16 : index
        %get3A_210 = tpu.vector_load %arg6[%get3A_208, %get3A_209] {strides = array<i32>} : memref<72x256xf32, #tpu.memory_space<vmem>>, vector<1x16xf32>,
        %get3A_211 = vector.shape_cast %get3A_210 : vector<1x16xf32> to vector<16xf32>
        %max3A_212 = arith.maximumf %max3A_203, %get3A_211 : vector<16xf32>
        %mul3A_213 = arith.constant 9 : i32
        %mul3A_214 = arith.muli %scan3A_99, %mul3A_213 : i32
        %add3A_215 = arith.constant 4 : i32
        %add3A_216 = arith.addi %mul3A_214, %add3A_215 : i32
        %get3A_217 = arith.index_cast %add3A_216 : i32 to index
        %get3A_218 = arith.constant 16 : index
        %get3A_219 = tpu.vector_load %arg6[%get3A_217, %get3A_218] {strides = array<i32>} : memref<72x256xf32, #tpu.memory_space<vmem>>, vector<1x16xf32>,
        %get3A_220 = vector.shape_cast %get3A_219 : vector<1x16xf32> to vector<16xf32>
        %max3A_221 = arith.maximumf %max3A_212, %get3A_220 : vector<16xf32>
        %mul3A_222 = arith.constant 9 : i32
        %mul3A_223 = arith.muli %scan3A_99, %mul3A_222 : i32
        %add3A_224 = arith.constant 5 : i32
        %add3A_225 = arith.addi %mul3A_223, %add3A_224 : i32
        %get3A_226 = arith.index_cast %add3A_225 : i32 to index
        %get3A_227 = arith.constant 16 : index
        %get3A_228 = tpu.vector_load %arg6[%get3A_226, %get3A_227] {strides = array<i32>} : memref<72x256xf32, #tpu.memory_space<vmem>>, vector<1x16xf32>,
        %get3A_229 = vector.shape_cast %get3A_228 : vector<1x16xf32> to vector<16xf32>
        %max3A_230 = arith.maximumf %max3A_221, %get3A_229 : vector<16xf32>
        %mul3A_231 = arith.constant 9 : i32
        %mul3A_232 = arith.muli %scan3A_99, %mul3A_231 : i32
        %add3A_233 = arith.constant 6 : i32
        %add3A_234 = arith.addi %mul3A_232, %add3A_233 : i32
        %get3A_235 = arith.index_cast %add3A_234 : i32 to index
        %get3A_236 = arith.constant 16 : index
        %get3A_237 = tpu.vector_load %arg6[%get3A_235, %get3A_236] {strides = array<i32>} : memref<72x256xf32, #tpu.memory_space<vmem>>, vector<1x16xf32>,
        %get3A_238 = vector.shape_cast %get3A_237 : vector<1x16xf32> to vector<16xf32>
        %max3A_239 = arith.maximumf %max3A_230, %get3A_238 : vector<16xf32>
        %mul3A_240 = arith.constant 9 : i32
        %mul3A_241 = arith.muli %scan3A_99, %mul3A_240 : i32
        %add3A_242 = arith.constant 7 : i32
        %add3A_243 = arith.addi %mul3A_241, %add3A_242 : i32
        %get3A_244 = arith.index_cast %add3A_243 : i32 to index
        %get3A_245 = arith.constant 16 : index
        %get3A_246 = tpu.vector_load %arg6[%get3A_244, %get3A_245] {strides = array<i32>} : memref<72x256xf32, #tpu.memory_space<vmem>>, vector<1x16xf32>,
        %get3A_247 = vector.shape_cast %get3A_246 : vector<1x16xf32> to vector<16xf32>
        %max3A_248 = arith.maximumf %max3A_239, %get3A_247 : vector<16xf32>
        %mul3A_249 = arith.constant 9 : i32
        %mul3A_250 = arith.muli %scan3A_99, %mul3A_249 : i32
        %add3A_251 = arith.constant 8 : i32
        %add3A_252 = arith.addi %mul3A_250, %add3A_251 : i32
        %get3A_253 = arith.index_cast %add3A_252 : i32 to index
        %get3A_254 = arith.constant 16 : index
        %get3A_255 = tpu.vector_load %arg6[%get3A_253, %get3A_254] {strides = array<i32>} : memref<72x256xf32, #tpu.memory_space<vmem>>, vector<1x16xf32>,
        %get3A_256 = vector.shape_cast %get3A_255 : vector<1x16xf32> to vector<16xf32>
        %max3A_257 = arith.maximumf %max3A_248, %get3A_256 : vector<16xf32>
        %swap3A_258 = arith.index_cast %scan3A_99 : i32 to index
        %swap3A_259 = arith.constant 16 : index
        %swap3A_260 = tpu.vector_load %arg8[%swap3A_258, %swap3A_259] {strides = array<i32>} : memref<8x192xf32, #tpu.memory_space<vmem>>, vector<1x16xf32>,
        %swap3A_261 = vector.shape_cast %swap3A_260 : vector<1x16xf32> to vector<16xf32>
        %swap3A_262 = vector.shape_cast %max3A_257 : vector<16xf32> to vector<1x16xf32>
        tpu.vector_store %arg8[%swap3A_258, %swap3A_259], %swap3A_262 {strides = array<i32>} : memref<8x192xf32, #tpu.memory_space<vmem>>, vector<1x16xf32>,
        %mul3A_263 = arith.constant 9 : i32
        %mul3A_264 = arith.muli %scan3A_99, %mul3A_263 : i32
        %get3A_265 = arith.index_cast %mul3A_264 : i32 to index
        %get3A_266 = arith.constant 32 : index
        %get3A_267 = tpu.vector_load %arg6[%get3A_265, %get3A_266] {strides = array<i32>} : memref<72x256xf32, #tpu.memory_space<vmem>>, vector<1x16xf32>,
        %get3A_268 = vector.shape_cast %get3A_267 : vector<1x16xf32> to vector<16xf32>
        %mul3A_269 = arith.constant 9 : i32
        %mul3A_270 = arith.muli %scan3A_99, %mul3A_269 : i32
        %add3A_271 = arith.constant 1 : i32
        %add3A_272 = arith.addi %mul3A_270, %add3A_271 : i32
        %get3A_273 = arith.index_cast %add3A_272 : i32 to index
        %get3A_274 = arith.constant 32 : index
        %get3A_275 = tpu.vector_load %arg6[%get3A_273, %get3A_274] {strides = array<i32>} : memref<72x256xf32, #tpu.memory_space<vmem>>, vector<1x16xf32>,
        %get3A_276 = vector.shape_cast %get3A_275 : vector<1x16xf32> to vector<16xf32>
        %max3A_277 = arith.maximumf %get3A_268, %get3A_276 : vector<16xf32>
        %mul3A_278 = arith.constant 9 : i32
        %mul3A_279 = arith.muli %scan3A_99, %mul3A_278 : i32
        %add3A_280 = arith.constant 2 : i32
        %add3A_281 = arith.addi %mul3A_279, %add3A_280 : i32
        %get3A_282 = arith.index_cast %add3A_281 : i32 to index
        %get3A_283 = arith.constant 32 : index
        %get3A_284 = tpu.vector_load %arg6[%get3A_282, %get3A_283] {strides = array<i32>} : memref<72x256xf32, #tpu.memory_space<vmem>>, vector<1x16xf32>,
        %get3A_285 = vector.shape_cast %get3A_284 : vector<1x16xf32> to vector<16xf32>
        %max3A_286 = arith.maximumf %max3A_277, %get3A_285 : vector<16xf32>
        %mul3A_287 = arith.constant 9 : i32
        %mul3A_288 = arith.muli %scan3A_99, %mul3A_287 : i32
        %add3A_289 = arith.constant 3 : i32
        %add3A_290 = arith.addi %mul3A_288, %add3A_289 : i32
        %get3A_291 = arith.index_cast %add3A_290 : i32 to index
        %get3A_292 = arith.constant 32 : index
        %get3A_293 = tpu.vector_load %arg6[%get3A_291, %get3A_292] {strides = array<i32>} : memref<72x256xf32, #tpu.memory_space<vmem>>, vector<1x16xf32>,
        %get3A_294 = vector.shape_cast %get3A_293 : vector<1x16xf32> to vector<16xf32>
        %max3A_295 = arith.maximumf %max3A_286, %get3A_294 : vector<16xf32>
        %mul3A_296 = arith.constant 9 : i32
        %mul3A_297 = arith.muli %scan3A_99, %mul3A_296 : i32
        %add3A_298 = arith.constant 4 : i32
        %add3A_299 = arith.addi %mul3A_297, %add3A_298 : i32
        %get3A_300 = arith.index_cast %add3A_299 : i32 to index
        %get3A_301 = arith.constant 32 : index
        %get3A_302 = tpu.vector_load %arg6[%get3A_300, %get3A_301] {strides = array<i32>} : memref<72x256xf32, #tpu.memory_space<vmem>>, vector<1x16xf32>,
        %get3A_303 = vector.shape_cast %get3A_302 : vector<1x16xf32> to vector<16xf32>
        %max3A_304 = arith.maximumf %max3A_295, %get3A_303 : vector<16xf32>
        %mul3A_305 = arith.constant 9 : i32
        %mul3A_306 = arith.muli %scan3A_99, %mul3A_305 : i32
        %add3A_307 = arith.constant 5 : i32
        %add3A_308 = arith.addi %mul3A_306, %add3A_307 : i32
        %get3A_309 = arith.index_cast %add3A_308 : i32 to index
        %get3A_310 = arith.constant 32 : index
        %get3A_311 = tpu.vector_load %arg6[%get3A_309, %get3A_310] {strides = array<i32>} : memref<72x256xf32, #tpu.memory_space<vmem>>, vector<1x16xf32>,
        %get3A_312 = vector.shape_cast %get3A_311 : vector<1x16xf32> to vector<16xf32>
        %max3A_313 = arith.maximumf %max3A_304, %get3A_312 : vector<16xf32>
        %mul3A_314 = arith.constant 9 : i32
        %mul3A_315 = arith.muli %scan3A_99, %mul3A_314 : i32
        %add3A_316 = arith.constant 6 : i32
        %add3A_317 = arith.addi %mul3A_315, %add3A_316 : i32
        %get3A_318 = arith.index_cast %add3A_317 : i32 to index
        %get3A_319 = arith.constant 32 : index
        %get3A_320 = tpu.vector_load %arg6[%get3A_318, %get3A_319] {strides = array<i32>} : memref<72x256xf32, #tpu.memory_space<vmem>>, vector<1x16xf32>,
        %get3A_321 = vector.shape_cast %get3A_320 : vector<1x16xf32> to vector<16xf32>
        %max3A_322 = arith.maximumf %max3A_313, %get3A_321 : vector<16xf32>
        %mul3A_323 = arith.constant 9 : i32
        %mul3A_324 = arith.muli %scan3A_99, %mul3A_323 : i32
        %add3A_325 = arith.constant 7 : i32
        %add3A_326 = arith.addi %mul3A_324, %add3A_325 : i32
        %get3A_327 = arith.index_cast %add3A_326 : i32 to index
        %get3A_328 = arith.constant 32 : index
        %get3A_329 = tpu.vector_load %arg6[%get3A_327, %get3A_328] {strides = array<i32>} : memref<72x256xf32, #tpu.memory_space<vmem>>, vector<1x16xf32>,
        %get3A_330 = vector.shape_cast %get3A_329 : vector<1x16xf32> to vector<16xf32>
        %max3A_331 = arith.maximumf %max3A_322, %get3A_330 : vector<16xf32>
        %mul3A_332 = arith.constant 9 : i32
        %mul3A_333 = arith.muli %scan3A_99, %mul3A_332 : i32
        %add3A_334 = arith.constant 8 : i32
        %add3A_335 = arith.addi %mul3A_333, %add3A_334 : i32
        %get3A_336 = arith.index_cast %add3A_335 : i32 to index
        %get3A_337 = arith.constant 32 : index
        %get3A_338 = tpu.vector_load %arg6[%get3A_336, %get3A_337] {strides = array<i32>} : memref<72x256xf32, #tpu.memory_space<vmem>>, vector<1x16xf32>,
        %get3A_339 = vector.shape_cast %get3A_338 : vector<1x16xf32> to vector<16xf32>
        %max3A_340 = arith.maximumf %max3A_331, %get3A_339 : vector<16xf32>
        %swap3A_341 = arith.index_cast %scan3A_99 : i32 to index
        %swap3A_342 = arith.constant 32 : index
        %swap3A_343 = tpu.vector_load %arg8[%swap3A_341, %swap3A_342] {strides = array<i32>} : memref<8x192xf32, #tpu.memory_space<vmem>>, vector<1x16xf32>,
        %swap3A_344 = vector.shape_cast %swap3A_343 : vector<1x16xf32> to vector<16xf32>
        %swap3A_345 = vector.shape_cast %max3A_340 : vector<16xf32> to vector<1x16xf32>
        tpu.vector_store %arg8[%swap3A_341, %swap3A_342], %swap3A_345 {strides = array<i32>} : memref<8x192xf32, #tpu.memory_space<vmem>>, vector<1x16xf32>,
        %mul3A_346 = arith.constant 9 : i32
        %mul3A_347 = arith.muli %scan3A_99, %mul3A_346 : i32
        %get3A_348 = arith.index_cast %mul3A_347 : i32 to index
        %get3A_349 = arith.constant 48 : index
        %get3A_350 = tpu.vector_load %arg6[%get3A_348, %get3A_349] {strides = array<i32>} : memref<72x256xf32, #tpu.memory_space<vmem>>, vector<1x16xf32>,
        %get3A_351 = vector.shape_cast %get3A_350 : vector<1x16xf32> to vector<16xf32>
        %mul3A_352 = arith.constant 9 : i32
        %mul3A_353 = arith.muli %scan3A_99, %mul3A_352 : i32
        %add3A_354 = arith.constant 1 : i32
        %add3A_355 = arith.addi %mul3A_353, %add3A_354 : i32
        %get3A_356 = arith.index_cast %add3A_355 : i32 to index
        %get3A_357 = arith.constant 48 : index
        %get3A_358 = tpu.vector_load %arg6[%get3A_356, %get3A_357] {strides = array<i32>} : memref<72x256xf32, #tpu.memory_space<vmem>>, vector<1x16xf32>,
        %get3A_359 = vector.shape_cast %get3A_358 : vector<1x16xf32> to vector<16xf32>
        %max3A_360 = arith.maximumf %get3A_351, %get3A_359 : vector<16xf32>
        %mul3A_361 = arith.constant 9 : i32
        %mul3A_362 = arith.muli %scan3A_99, %mul3A_361 : i32
        %add3A_363 = arith.constant 2 : i32
        %add3A_364 = arith.addi %mul3A_362, %add3A_363 : i32
        %get3A_365 = arith.index_cast %add3A_364 : i32 to index
        %get3A_366 = arith.constant 48 : index
        %get3A_367 = tpu.vector_load %arg6[%get3A_365, %get3A_366] {strides = array<i32>} : memref<72x256xf32, #tpu.memory_space<vmem>>, vector<1x16xf32>,
        %get3A_368 = vector.shape_cast %get3A_367 : vector<1x16xf32> to vector<16xf32>
        %max3A_369 = arith.maximumf %max3A_360, %get3A_368 : vector<16xf32>
        %mul3A_370 = arith.constant 9 : i32
        %mul3A_371 = arith.muli %scan3A_99, %mul3A_370 : i32
        %add3A_372 = arith.constant 3 : i32
        %add3A_373 = arith.addi %mul3A_371, %add3A_372 : i32
        %get3A_374 = arith.index_cast %add3A_373 : i32 to index
        %get3A_375 = arith.constant 48 : index
        %get3A_376 = tpu.vector_load %arg6[%get3A_374, %get3A_375] {strides = array<i32>} : memref<72x256xf32, #tpu.memory_space<vmem>>, vector<1x16xf32>,
        %get3A_377 = vector.shape_cast %get3A_376 : vector<1x16xf32> to vector<16xf32>
        %max3A_378 = arith.maximumf %max3A_369, %get3A_377 : vector<16xf32>
        %mul3A_379 = arith.constant 9 : i32
        %mul3A_380 = arith.muli %scan3A_99, %mul3A_379 : i32
        %add3A_381 = arith.constant 4 : i32
        %add3A_382 = arith.addi %mul3A_380, %add3A_381 : i32
        %get3A_383 = arith.index_cast %add3A_382 : i32 to index
        %get3A_384 = arith.constant 48 : index
        %get3A_385 = tpu.vector_load %arg6[%get3A_383, %get3A_384] {strides = array<i32>} : memref<72x256xf32, #tpu.memory_space<vmem>>, vector<1x16xf32>,
        %get3A_386 = vector.shape_cast %get3A_385 : vector<1x16xf32> to vector<16xf32>
        %max3A_387 = arith.maximumf %max3A_378, %get3A_386 : vector<16xf32>
        %mul3A_388 = arith.constant 9 : i32
        %mul3A_389 = arith.muli %scan3A_99, %mul3A_388 : i32
        %add3A_390 = arith.constant 5 : i32
        %add3A_391 = arith.addi %mul3A_389, %add3A_390 : i32
        %get3A_392 = arith.index_cast %add3A_391 : i32 to index
        %get3A_393 = arith.constant 48 : index
        %get3A_394 = tpu.vector_load %arg6[%get3A_392, %get3A_393] {strides = array<i32>} : memref<72x256xf32, #tpu.memory_space<vmem>>, vector<1x16xf32>,
        %get3A_395 = vector.shape_cast %get3A_394 : vector<1x16xf32> to vector<16xf32>
        %max3A_396 = arith.maximumf %max3A_387, %get3A_395 : vector<16xf32>
        %mul3A_397 = arith.constant 9 : i32
        %mul3A_398 = arith.muli %scan3A_99, %mul3A_397 : i32
        %add3A_399 = arith.constant 6 : i32
        %add3A_400 = arith.addi %mul3A_398, %add3A_399 : i32
        %get3A_401 = arith.index_cast %add3A_400 : i32 to index
        %get3A_402 = arith.constant 48 : index
        %get3A_403 = tpu.vector_load %arg6[%get3A_401, %get3A_402] {strides = array<i32>} : memref<72x256xf32, #tpu.memory_space<vmem>>, vector<1x16xf32>,
        %get3A_404 = vector.shape_cast %get3A_403 : vector<1x16xf32> to vector<16xf32>
        %max3A_405 = arith.maximumf %max3A_396, %get3A_404 : vector<16xf32>
        %mul3A_406 = arith.constant 9 : i32
        %mul3A_407 = arith.muli %scan3A_99, %mul3A_406 : i32
        %add3A_408 = arith.constant 7 : i32
        %add3A_409 = arith.addi %mul3A_407, %add3A_408 : i32
        %get3A_410 = arith.index_cast %add3A_409 : i32 to index
        %get3A_411 = arith.constant 48 : index
        %get3A_412 = tpu.vector_load %arg6[%get3A_410, %get3A_411] {strides = array<i32>} : memref<72x256xf32, #tpu.memory_space<vmem>>, vector<1x16xf32>,
        %get3A_413 = vector.shape_cast %get3A_412 : vector<1x16xf32> to vector<16xf32>
        %max3A_414 = arith.maximumf %max3A_405, %get3A_413 : vector<16xf32>
        %mul3A_415 = arith.constant 9 : i32
        %mul3A_416 = arith.muli %scan3A_99, %mul3A_415 : i32
        %add3A_417 = arith.constant 8 : i32
        %add3A_418 = arith.addi %mul3A_416, %add3A_417 : i32
        %get3A_419 = arith.index_cast %add3A_418 : i32 to index
        %get3A_420 = arith.constant 48 : index
        %get3A_421 = tpu.vector_load %arg6[%get3A_419, %get3A_420] {strides = array<i32>} : memref<72x256xf32, #tpu.memory_space<vmem>>, vector<1x16xf32>,
        %get3A_422 = vector.shape_cast %get3A_421 : vector<1x16xf32> to vector<16xf32>
        %max3A_423 = arith.maximumf %max3A_414, %get3A_422 : vector<16xf32>
        %swap3A_424 = arith.index_cast %scan3A_99 : i32 to index
        %swap3A_425 = arith.constant 48 : index
        %swap3A_426 = tpu.vector_load %arg8[%swap3A_424, %swap3A_425] {strides = array<i32>} : memref<8x192xf32, #tpu.memory_space<vmem>>, vector<1x16xf32>,
        %swap3A_427 = vector.shape_cast %swap3A_426 : vector<1x16xf32> to vector<16xf32>
        %swap3A_428 = vector.shape_cast %max3A_423 : vector<16xf32> to vector<1x16xf32>
        tpu.vector_store %arg8[%swap3A_424, %swap3A_425], %swap3A_428 {strides = array<i32>} : memref<8x192xf32, #tpu.memory_space<vmem>>, vector<1x16xf32>,
        %mul3A_429 = arith.constant 9 : i32
        %mul3A_430 = arith.muli %scan3A_99, %mul3A_429 : i32
        %get3A_431 = arith.index_cast %mul3A_430 : i32 to index
        %get3A_432 = arith.constant 64 : index
        %get3A_433 = tpu.vector_load %arg6[%get3A_431, %get3A_432] {strides = array<i32>} : memref<72x256xf32, #tpu.memory_space<vmem>>, vector<1x16xf32>,
        %get3A_434 = vector.shape_cast %get3A_433 : vector<1x16xf32> to vector<16xf32>
        %mul3A_435 = arith.constant 9 : i32
        %mul3A_436 = arith.muli %scan3A_99, %mul3A_435 : i32
        %add3A_437 = arith.constant 1 : i32
        %add3A_438 = arith.addi %mul3A_436, %add3A_437 : i32
        %get3A_439 = arith.index_cast %add3A_438 : i32 to index
        %get3A_440 = arith.constant 64 : index
        %get3A_441 = tpu.vector_load %arg6[%get3A_439, %get3A_440] {strides = array<i32>} : memref<72x256xf32, #tpu.memory_space<vmem>>, vector<1x16xf32>,
        %get3A_442 = vector.shape_cast %get3A_441 : vector<1x16xf32> to vector<16xf32>
        %max3A_443 = arith.maximumf %get3A_434, %get3A_442 : vector<16xf32>
        %mul3A_444 = arith.constant 9 : i32
        %mul3A_445 = arith.muli %scan3A_99, %mul3A_444 : i32
        %add3A_446 = arith.constant 2 : i32
        %add3A_447 = arith.addi %mul3A_445, %add3A_446 : i32
        %get3A_448 = arith.index_cast %add3A_447 : i32 to index
        %get3A_449 = arith.constant 64 : index
        %get3A_450 = tpu.vector_load %arg6[%get3A_448, %get3A_449] {strides = array<i32>} : memref<72x256xf32, #tpu.memory_space<vmem>>, vector<1x16xf32>,
        %get3A_451 = vector.shape_cast %get3A_450 : vector<1x16xf32> to vector<16xf32>
        %max3A_452 = arith.maximumf %max3A_443, %get3A_451 : vector<16xf32>
        %mul3A_453 = arith.constant 9 : i32
        %mul3A_454 = arith.muli %scan3A_99, %mul3A_453 : i32
        %add3A_455 = arith.constant 3 : i32
        %add3A_456 = arith.addi %mul3A_454, %add3A_455 : i32
        %get3A_457 = arith.index_cast %add3A_456 : i32 to index
        %get3A_458 = arith.constant 64 : index
        %get3A_459 = tpu.vector_load %arg6[%get3A_457, %get3A_458] {strides = array<i32>} : memref<72x256xf32, #tpu.memory_space<vmem>>, vector<1x16xf32>,
        %get3A_460 = vector.shape_cast %get3A_459 : vector<1x16xf32> to vector<16xf32>
        %max3A_461 = arith.maximumf %max3A_452, %get3A_460 : vector<16xf32>
        %mul3A_462 = arith.constant 9 : i32
        %mul3A_463 = arith.muli %scan3A_99, %mul3A_462 : i32
        %add3A_464 = arith.constant 4 : i32
        %add3A_465 = arith.addi %mul3A_463, %add3A_464 : i32
        %get3A_466 = arith.index_cast %add3A_465 : i32 to index
        %get3A_467 = arith.constant 64 : index
        %get3A_468 = tpu.vector_load %arg6[%get3A_466, %get3A_467] {strides = array<i32>} : memref<72x256xf32, #tpu.memory_space<vmem>>, vector<1x16xf32>,
        %get3A_469 = vector.shape_cast %get3A_468 : vector<1x16xf32> to vector<16xf32>
        %max3A_470 = arith.maximumf %max3A_461, %get3A_469 : vector<16xf32>
        %mul3A_471 = arith.constant 9 : i32
        %mul3A_472 = arith.muli %scan3A_99, %mul3A_471 : i32
        %add3A_473 = arith.constant 5 : i32
        %add3A_474 = arith.addi %mul3A_472, %add3A_473 : i32
        %get3A_475 = arith.index_cast %add3A_474 : i32 to index
        %get3A_476 = arith.constant 64 : index
        %get3A_477 = tpu.vector_load %arg6[%get3A_475, %get3A_476] {strides = array<i32>} : memref<72x256xf32, #tpu.memory_space<vmem>>, vector<1x16xf32>,
        %get3A_478 = vector.shape_cast %get3A_477 : vector<1x16xf32> to vector<16xf32>
        %max3A_479 = arith.maximumf %max3A_470, %get3A_478 : vector<16xf32>
        %mul3A_480 = arith.constant 9 : i32
        %mul3A_481 = arith.muli %scan3A_99, %mul3A_480 : i32
        %add3A_482 = arith.constant 6 : i32
        %add3A_483 = arith.addi %mul3A_481, %add3A_482 : i32
        %get3A_484 = arith.index_cast %add3A_483 : i32 to index
        %get3A_485 = arith.constant 64 : index
        %get3A_486 = tpu.vector_load %arg6[%get3A_484, %get3A_485] {strides = array<i32>} : memref<72x256xf32, #tpu.memory_space<vmem>>, vector<1x16xf32>,
        %get3A_487 = vector.shape_cast %get3A_486 : vector<1x16xf32> to vector<16xf32>
        %max3A_488 = arith.maximumf %max3A_479, %get3A_487 : vector<16xf32>
        %mul3A_489 = arith.constant 9 : i32
        %mul3A_490 = arith.muli %scan3A_99, %mul3A_489 : i32
        %add3A_491 = arith.constant 7 : i32
        %add3A_492 = arith.addi %mul3A_490, %add3A_491 : i32
        %get3A_493 = arith.index_cast %add3A_492 : i32 to index
        %get3A_494 = arith.constant 64 : index
        %get3A_495 = tpu.vector_load %arg6[%get3A_493, %get3A_494] {strides = array<i32>} : memref<72x256xf32, #tpu.memory_space<vmem>>, vector<1x16xf32>,
        %get3A_496 = vector.shape_cast %get3A_495 : vector<1x16xf32> to vector<16xf32>
        %max3A_497 = arith.maximumf %max3A_488, %get3A_496 : vector<16xf32>
        %mul3A_498 = arith.constant 9 : i32
        %mul3A_499 = arith.muli %scan3A_99, %mul3A_498 : i32
        %add3A_500 = arith.constant 8 : i32
        %add3A_501 = arith.addi %mul3A_499, %add3A_500 : i32
        %get3A_502 = arith.index_cast %add3A_501 : i32 to index
        %get3A_503 = arith.constant 64 : index
        %get3A_504 = tpu.vector_load %arg6[%get3A_502, %get3A_503] {strides = array<i32>} : memref<72x256xf32, #tpu.memory_space<vmem>>, vector<1x16xf32>,
        %get3A_505 = vector.shape_cast %get3A_504 : vector<1x16xf32> to vector<16xf32>
        %max3A_506 = arith.maximumf %max3A_497, %get3A_505 : vector<16xf32>
        %swap3A_507 = arith.index_cast %scan3A_99 : i32 to index
        %swap3A_508 = arith.constant 64 : index
        %swap3A_509 = tpu.vector_load %arg8[%swap3A_507, %swap3A_508] {strides = array<i32>} : memref<8x192xf32, #tpu.memory_space<vmem>>, vector<1x16xf32>,
        %swap3A_510 = vector.shape_cast %swap3A_509 : vector<1x16xf32> to vector<16xf32>
        %swap3A_511 = vector.shape_cast %max3A_506 : vector<16xf32> to vector<1x16xf32>
        tpu.vector_store %arg8[%swap3A_507, %swap3A_508], %swap3A_511 {strides = array<i32>} : memref<8x192xf32, #tpu.memory_space<vmem>>, vector<1x16xf32>,
        %mul3A_512 = arith.constant 9 : i32
        %mul3A_513 = arith.muli %scan3A_99, %mul3A_512 : i32
        %get3A_514 = arith.index_cast %mul3A_513 : i32 to index
        %get3A_515 = arith.constant 80 : index
        %get3A_516 = tpu.vector_load %arg6[%get3A_514, %get3A_515] {strides = array<i32>} : memref<72x256xf32, #tpu.memory_space<vmem>>, vector<1x16xf32>,
        %get3A_517 = vector.shape_cast %get3A_516 : vector<1x16xf32> to vector<16xf32>
        %mul3A_518 = arith.constant 9 : i32
        %mul3A_519 = arith.muli %scan3A_99, %mul3A_518 : i32
        %add3A_520 = arith.constant 1 : i32
        %add3A_521 = arith.addi %mul3A_519, %add3A_520 : i32
        %get3A_522 = arith.index_cast %add3A_521 : i32 to index
        %get3A_523 = arith.constant 80 : index
        %get3A_524 = tpu.vector_load %arg6[%get3A_522, %get3A_523] {strides = array<i32>} : memref<72x256xf32, #tpu.memory_space<vmem>>, vector<1x16xf32>,
        %get3A_525 = vector.shape_cast %get3A_524 : vector<1x16xf32> to vector<16xf32>
        %max3A_526 = arith.maximumf %get3A_517, %get3A_525 : vector<16xf32>
        %mul3A_527 = arith.constant 9 : i32
        %mul3A_528 = arith.muli %scan3A_99, %mul3A_527 : i32
        %add3A_529 = arith.constant 2 : i32
        %add3A_530 = arith.addi %mul3A_528, %add3A_529 : i32
        %get3A_531 = arith.index_cast %add3A_530 : i32 to index
        %get3A_532 = arith.constant 80 : index
        %get3A_533 = tpu.vector_load %arg6[%get3A_531, %get3A_532] {strides = array<i32>} : memref<72x256xf32, #tpu.memory_space<vmem>>, vector<1x16xf32>,
        %get3A_534 = vector.shape_cast %get3A_533 : vector<1x16xf32> to vector<16xf32>
        %max3A_535 = arith.maximumf %max3A_526, %get3A_534 : vector<16xf32>
        %mul3A_536 = arith.constant 9 : i32
        %mul3A_537 = arith.muli %scan3A_99, %mul3A_536 : i32
        %add3A_538 = arith.constant 3 : i32
        %add3A_539 = arith.addi %mul3A_537, %add3A_538 : i32
        %get3A_540 = arith.index_cast %add3A_539 : i32 to index
        %get3A_541 = arith.constant 80 : index
        %get3A_542 = tpu.vector_load %arg6[%get3A_540, %get3A_541] {strides = array<i32>} : memref<72x256xf32, #tpu.memory_space<vmem>>, vector<1x16xf32>,
        %get3A_543 = vector.shape_cast %get3A_542 : vector<1x16xf32> to vector<16xf32>
        %max3A_544 = arith.maximumf %max3A_535, %get3A_543 : vector<16xf32>
        %mul3A_545 = arith.constant 9 : i32
        %mul3A_546 = arith.muli %scan3A_99, %mul3A_545 : i32
        %add3A_547 = arith.constant 4 : i32
        %add3A_548 = arith.addi %mul3A_546, %add3A_547 : i32
        %get3A_549 = arith.index_cast %add3A_548 : i32 to index
        %get3A_550 = arith.constant 80 : index
        %get3A_551 = tpu.vector_load %arg6[%get3A_549, %get3A_550] {strides = array<i32>} : memref<72x256xf32, #tpu.memory_space<vmem>>, vector<1x16xf32>,
        %get3A_552 = vector.shape_cast %get3A_551 : vector<1x16xf32> to vector<16xf32>
        %max3A_553 = arith.maximumf %max3A_544, %get3A_552 : vector<16xf32>
        %mul3A_554 = arith.constant 9 : i32
        %mul3A_555 = arith.muli %scan3A_99, %mul3A_554 : i32
        %add3A_556 = arith.constant 5 : i32
        %add3A_557 = arith.addi %mul3A_555, %add3A_556 : i32
        %get3A_558 = arith.index_cast %add3A_557 : i32 to index
        %get3A_559 = arith.constant 80 : index
        %get3A_560 = tpu.vector_load %arg6[%get3A_558, %get3A_559] {strides = array<i32>} : memref<72x256xf32, #tpu.memory_space<vmem>>, vector<1x16xf32>,
        %get3A_561 = vector.shape_cast %get3A_560 : vector<1x16xf32> to vector<16xf32>
        %max3A_562 = arith.maximumf %max3A_553, %get3A_561 : vector<16xf32>
        %mul3A_563 = arith.constant 9 : i32
        %mul3A_564 = arith.muli %scan3A_99, %mul3A_563 : i32
        %add3A_565 = arith.constant 6 : i32
        %add3A_566 = arith.addi %mul3A_564, %add3A_565 : i32
        %get3A_567 = arith.index_cast %add3A_566 : i32 to index
        %get3A_568 = arith.constant 80 : index
        %get3A_569 = tpu.vector_load %arg6[%get3A_567, %get3A_568] {strides = array<i32>} : memref<72x256xf32, #tpu.memory_space<vmem>>, vector<1x16xf32>,
        %get3A_570 = vector.shape_cast %get3A_569 : vector<1x16xf32> to vector<16xf32>
        %max3A_571 = arith.maximumf %max3A_562, %get3A_570 : vector<16xf32>
        %mul3A_572 = arith.constant 9 : i32
        %mul3A_573 = arith.muli %scan3A_99, %mul3A_572 : i32
        %add3A_574 = arith.constant 7 : i32
        %add3A_575 = arith.addi %mul3A_573, %add3A_574 : i32
        %get3A_576 = arith.index_cast %add3A_575 : i32 to index
        %get3A_577 = arith.constant 80 : index
        %get3A_578 = tpu.vector_load %arg6[%get3A_576, %get3A_577] {strides = array<i32>} : memref<72x256xf32, #tpu.memory_space<vmem>>, vector<1x16xf32>,
        %get3A_579 = vector.shape_cast %get3A_578 : vector<1x16xf32> to vector<16xf32>
        %max3A_580 = arith.maximumf %max3A_571, %get3A_579 : vector<16xf32>
        %mul3A_581 = arith.constant 9 : i32
        %mul3A_582 = arith.muli %scan3A_99, %mul3A_581 : i32
        %add3A_583 = arith.constant 8 : i32
        %add3A_584 = arith.addi %mul3A_582, %add3A_583 : i32
        %get3A_585 = arith.index_cast %add3A_584 : i32 to index
        %get3A_586 = arith.constant 80 : index
        %get3A_587 = tpu.vector_load %arg6[%get3A_585, %get3A_586] {strides = array<i32>} : memref<72x256xf32, #tpu.memory_space<vmem>>, vector<1x16xf32>,
        %get3A_588 = vector.shape_cast %get3A_587 : vector<1x16xf32> to vector<16xf32>
        %max3A_589 = arith.maximumf %max3A_580, %get3A_588 : vector<16xf32>
        %swap3A_590 = arith.index_cast %scan3A_99 : i32 to index
        %swap3A_591 = arith.constant 80 : index
        %swap3A_592 = tpu.vector_load %arg8[%swap3A_590, %swap3A_591] {strides = array<i32>} : memref<8x192xf32, #tpu.memory_space<vmem>>, vector<1x16xf32>,
        %swap3A_593 = vector.shape_cast %swap3A_592 : vector<1x16xf32> to vector<16xf32>
        %swap3A_594 = vector.shape_cast %max3A_589 : vector<16xf32> to vector<1x16xf32>
        tpu.vector_store %arg8[%swap3A_590, %swap3A_591], %swap3A_594 {strides = array<i32>} : memref<8x192xf32, #tpu.memory_space<vmem>>, vector<1x16xf32>,
        %mul3A_595 = arith.constant 9 : i32
        %mul3A_596 = arith.muli %scan3A_99, %mul3A_595 : i32
        %get3A_597 = arith.index_cast %mul3A_596 : i32 to index
        %get3A_598 = arith.constant 96 : index
        %get3A_599 = tpu.vector_load %arg6[%get3A_597, %get3A_598] {strides = array<i32>} : memref<72x256xf32, #tpu.memory_space<vmem>>, vector<1x16xf32>,
        %get3A_600 = vector.shape_cast %get3A_599 : vector<1x16xf32> to vector<16xf32>
        %mul3A_601 = arith.constant 9 : i32
        %mul3A_602 = arith.muli %scan3A_99, %mul3A_601 : i32
        %add3A_603 = arith.constant 1 : i32
        %add3A_604 = arith.addi %mul3A_602, %add3A_603 : i32
        %get3A_605 = arith.index_cast %add3A_604 : i32 to index
        %get3A_606 = arith.constant 96 : index
        %get3A_607 = tpu.vector_load %arg6[%get3A_605, %get3A_606] {strides = array<i32>} : memref<72x256xf32, #tpu.memory_space<vmem>>, vector<1x16xf32>,
        %get3A_608 = vector.shape_cast %get3A_607 : vector<1x16xf32> to vector<16xf32>
        %max3A_609 = arith.maximumf %get3A_600, %get3A_608 : vector<16xf32>
        %mul3A_610 = arith.constant 9 : i32
        %mul3A_611 = arith.muli %scan3A_99, %mul3A_610 : i32
        %add3A_612 = arith.constant 2 : i32
        %add3A_613 = arith.addi %mul3A_611, %add3A_612 : i32
        %get3A_614 = arith.index_cast %add3A_613 : i32 to index
        %get3A_615 = arith.constant 96 : index
        %get3A_616 = tpu.vector_load %arg6[%get3A_614, %get3A_615] {strides = array<i32>} : memref<72x256xf32, #tpu.memory_space<vmem>>, vector<1x16xf32>,
        %get3A_617 = vector.shape_cast %get3A_616 : vector<1x16xf32> to vector<16xf32>
        %max3A_618 = arith.maximumf %max3A_609, %get3A_617 : vector<16xf32>
        %mul3A_619 = arith.constant 9 : i32
        %mul3A_620 = arith.muli %scan3A_99, %mul3A_619 : i32
        %add3A_621 = arith.constant 3 : i32
        %add3A_622 = arith.addi %mul3A_620, %add3A_621 : i32
        %get3A_623 = arith.index_cast %add3A_622 : i32 to index
        %get3A_624 = arith.constant 96 : index
        %get3A_625 = tpu.vector_load %arg6[%get3A_623, %get3A_624] {strides = array<i32>} : memref<72x256xf32, #tpu.memory_space<vmem>>, vector<1x16xf32>,
        %get3A_626 = vector.shape_cast %get3A_625 : vector<1x16xf32> to vector<16xf32>
        %max3A_627 = arith.maximumf %max3A_618, %get3A_626 : vector<16xf32>
        %mul3A_628 = arith.constant 9 : i32
        %mul3A_629 = arith.muli %scan3A_99, %mul3A_628 : i32
        %add3A_630 = arith.constant 4 : i32
        %add3A_631 = arith.addi %mul3A_629, %add3A_630 : i32
        %get3A_632 = arith.index_cast %add3A_631 : i32 to index
        %get3A_633 = arith.constant 96 : index
        %get3A_634 = tpu.vector_load %arg6[%get3A_632, %get3A_633] {strides = array<i32>} : memref<72x256xf32, #tpu.memory_space<vmem>>, vector<1x16xf32>,
        %get3A_635 = vector.shape_cast %get3A_634 : vector<1x16xf32> to vector<16xf32>
        %max3A_636 = arith.maximumf %max3A_627, %get3A_635 : vector<16xf32>
        %mul3A_637 = arith.constant 9 : i32
        %mul3A_638 = arith.muli %scan3A_99, %mul3A_637 : i32
        %add3A_639 = arith.constant 5 : i32
        %add3A_640 = arith.addi %mul3A_638, %add3A_639 : i32
        %get3A_641 = arith.index_cast %add3A_640 : i32 to index
        %get3A_642 = arith.constant 96 : index
        %get3A_643 = tpu.vector_load %arg6[%get3A_641, %get3A_642] {strides = array<i32>} : memref<72x256xf32, #tpu.memory_space<vmem>>, vector<1x16xf32>,
        %get3A_644 = vector.shape_cast %get3A_643 : vector<1x16xf32> to vector<16xf32>
        %max3A_645 = arith.maximumf %max3A_636, %get3A_644 : vector<16xf32>
        %mul3A_646 = arith.constant 9 : i32
        %mul3A_647 = arith.muli %scan3A_99, %mul3A_646 : i32
        %add3A_648 = arith.constant 6 : i32
        %add3A_649 = arith.addi %mul3A_647, %add3A_648 : i32
        %get3A_650 = arith.index_cast %add3A_649 : i32 to index
        %get3A_651 = arith.constant 96 : index
        %get3A_652 = tpu.vector_load %arg6[%get3A_650, %get3A_651] {strides = array<i32>} : memref<72x256xf32, #tpu.memory_space<vmem>>, vector<1x16xf32>,
        %get3A_653 = vector.shape_cast %get3A_652 : vector<1x16xf32> to vector<16xf32>
        %max3A_654 = arith.maximumf %max3A_645, %get3A_653 : vector<16xf32>
        %mul3A_655 = arith.constant 9 : i32
        %mul3A_656 = arith.muli %scan3A_99, %mul3A_655 : i32
        %add3A_657 = arith.constant 7 : i32
        %add3A_658 = arith.addi %mul3A_656, %add3A_657 : i32
        %get3A_659 = arith.index_cast %add3A_658 : i32 to index
        %get3A_660 = arith.constant 96 : index
        %get3A_661 = tpu.vector_load %arg6[%get3A_659, %get3A_660] {strides = array<i32>} : memref<72x256xf32, #tpu.memory_space<vmem>>, vector<1x16xf32>,
        %get3A_662 = vector.shape_cast %get3A_661 : vector<1x16xf32> to vector<16xf32>
        %max3A_663 = arith.maximumf %max3A_654, %get3A_662 : vector<16xf32>
        %mul3A_664 = arith.constant 9 : i32
        %mul3A_665 = arith.muli %scan3A_99, %mul3A_664 : i32
        %add3A_666 = arith.constant 8 : i32
        %add3A_667 = arith.addi %mul3A_665, %add3A_666 : i32
        %get3A_668 = arith.index_cast %add3A_667 : i32 to index
        %get3A_669 = arith.constant 96 : index
        %get3A_670 = tpu.vector_load %arg6[%get3A_668, %get3A_669] {strides = array<i32>} : memref<72x256xf32, #tpu.memory_space<vmem>>, vector<1x16xf32>,
        %get3A_671 = vector.shape_cast %get3A_670 : vector<1x16xf32> to vector<16xf32>
        %max3A_672 = arith.maximumf %max3A_663, %get3A_671 : vector<16xf32>
        %swap3A_673 = arith.index_cast %scan3A_99 : i32 to index
        %swap3A_674 = arith.constant 96 : index
        %swap3A_675 = tpu.vector_load %arg8[%swap3A_673, %swap3A_674] {strides = array<i32>} : memref<8x192xf32, #tpu.memory_space<vmem>>, vector<1x16xf32>,
        %swap3A_676 = vector.shape_cast %swap3A_675 : vector<1x16xf32> to vector<16xf32>
        %swap3A_677 = vector.shape_cast %max3A_672 : vector<16xf32> to vector<1x16xf32>
        tpu.vector_store %arg8[%swap3A_673, %swap3A_674], %swap3A_677 {strides = array<i32>} : memref<8x192xf32, #tpu.memory_space<vmem>>, vector<1x16xf32>,
        %mul3A_678 = arith.constant 9 : i32
        %mul3A_679 = arith.muli %scan3A_99, %mul3A_678 : i32
        %get3A_680 = arith.index_cast %mul3A_679 : i32 to index
        %get3A_681 = arith.constant 112 : index
        %get3A_682 = tpu.vector_load %arg6[%get3A_680, %get3A_681] {strides = array<i32>} : memref<72x256xf32, #tpu.memory_space<vmem>>, vector<1x16xf32>,
        %get3A_683 = vector.shape_cast %get3A_682 : vector<1x16xf32> to vector<16xf32>
        %mul3A_684 = arith.constant 9 : i32
        %mul3A_685 = arith.muli %scan3A_99, %mul3A_684 : i32
        %add3A_686 = arith.constant 1 : i32
        %add3A_687 = arith.addi %mul3A_685, %add3A_686 : i32
        %get3A_688 = arith.index_cast %add3A_687 : i32 to index
        %get3A_689 = arith.constant 112 : index
        %get3A_690 = tpu.vector_load %arg6[%get3A_688, %get3A_689] {strides = array<i32>} : memref<72x256xf32, #tpu.memory_space<vmem>>, vector<1x16xf32>,
        %get3A_691 = vector.shape_cast %get3A_690 : vector<1x16xf32> to vector<16xf32>
        %max3A_692 = arith.maximumf %get3A_683, %get3A_691 : vector<16xf32>
        %mul3A_693 = arith.constant 9 : i32
        %mul3A_694 = arith.muli %scan3A_99, %mul3A_693 : i32
        %add3A_695 = arith.constant 2 : i32
        %add3A_696 = arith.addi %mul3A_694, %add3A_695 : i32
        %get3A_697 = arith.index_cast %add3A_696 : i32 to index
        %get3A_698 = arith.constant 112 : index
        %get3A_699 = tpu.vector_load %arg6[%get3A_697, %get3A_698] {strides = array<i32>} : memref<72x256xf32, #tpu.memory_space<vmem>>, vector<1x16xf32>,
        %get3A_700 = vector.shape_cast %get3A_699 : vector<1x16xf32> to vector<16xf32>
        %max3A_701 = arith.maximumf %max3A_692, %get3A_700 : vector<16xf32>
        %mul3A_702 = arith.constant 9 : i32
        %mul3A_703 = arith.muli %scan3A_99, %mul3A_702 : i32
        %add3A_704 = arith.constant 3 : i32
        %add3A_705 = arith.addi %mul3A_703, %add3A_704 : i32
        %get3A_706 = arith.index_cast %add3A_705 : i32 to index
        %get3A_707 = arith.constant 112 : index
        %get3A_708 = tpu.vector_load %arg6[%get3A_706, %get3A_707] {strides = array<i32>} : memref<72x256xf32, #tpu.memory_space<vmem>>, vector<1x16xf32>,
        %get3A_709 = vector.shape_cast %get3A_708 : vector<1x16xf32> to vector<16xf32>
        %max3A_710 = arith.maximumf %max3A_701, %get3A_709 : vector<16xf32>
        %mul3A_711 = arith.constant 9 : i32
        %mul3A_712 = arith.muli %scan3A_99, %mul3A_711 : i32
        %add3A_713 = arith.constant 4 : i32
        %add3A_714 = arith.addi %mul3A_712, %add3A_713 : i32
        %get3A_715 = arith.index_cast %add3A_714 : i32 to index
        %get3A_716 = arith.constant 112 : index
        %get3A_717 = tpu.vector_load %arg6[%get3A_715, %get3A_716] {strides = array<i32>} : memref<72x256xf32, #tpu.memory_space<vmem>>, vector<1x16xf32>,
        %get3A_718 = vector.shape_cast %get3A_717 : vector<1x16xf32> to vector<16xf32>
        %max3A_719 = arith.maximumf %max3A_710, %get3A_718 : vector<16xf32>
        %mul3A_720 = arith.constant 9 : i32
        %mul3A_721 = arith.muli %scan3A_99, %mul3A_720 : i32
        %add3A_722 = arith.constant 5 : i32
        %add3A_723 = arith.addi %mul3A_721, %add3A_722 : i32
        %get3A_724 = arith.index_cast %add3A_723 : i32 to index
        %get3A_725 = arith.constant 112 : index
        %get3A_726 = tpu.vector_load %arg6[%get3A_724, %get3A_725] {strides = array<i32>} : memref<72x256xf32, #tpu.memory_space<vmem>>, vector<1x16xf32>,
        %get3A_727 = vector.shape_cast %get3A_726 : vector<1x16xf32> to vector<16xf32>
        %max3A_728 = arith.maximumf %max3A_719, %get3A_727 : vector<16xf32>
        %mul3A_729 = arith.constant 9 : i32
        %mul3A_730 = arith.muli %scan3A_99, %mul3A_729 : i32
        %add3A_731 = arith.constant 6 : i32
        %add3A_732 = arith.addi %mul3A_730, %add3A_731 : i32
        %get3A_733 = arith.index_cast %add3A_732 : i32 to index
        %get3A_734 = arith.constant 112 : index
        %get3A_735 = tpu.vector_load %arg6[%get3A_733, %get3A_734] {strides = array<i32>} : memref<72x256xf32, #tpu.memory_space<vmem>>, vector<1x16xf32>,
        %get3A_736 = vector.shape_cast %get3A_735 : vector<1x16xf32> to vector<16xf32>
        %max3A_737 = arith.maximumf %max3A_728, %get3A_736 : vector<16xf32>
        %mul3A_738 = arith.constant 9 : i32
        %mul3A_739 = arith.muli %scan3A_99, %mul3A_738 : i32
        %add3A_740 = arith.constant 7 : i32
        %add3A_741 = arith.addi %mul3A_739, %add3A_740 : i32
        %get3A_742 = arith.index_cast %add3A_741 : i32 to index
        %get3A_743 = arith.constant 112 : index
        %get3A_744 = tpu.vector_load %arg6[%get3A_742, %get3A_743] {strides = array<i32>} : memref<72x256xf32, #tpu.memory_space<vmem>>, vector<1x16xf32>,
        %get3A_745 = vector.shape_cast %get3A_744 : vector<1x16xf32> to vector<16xf32>
        %max3A_746 = arith.maximumf %max3A_737, %get3A_745 : vector<16xf32>
        %mul3A_747 = arith.constant 9 : i32
        %mul3A_748 = arith.muli %scan3A_99, %mul3A_747 : i32
        %add3A_749 = arith.constant 8 : i32
        %add3A_750 = arith.addi %mul3A_748, %add3A_749 : i32
        %get3A_751 = arith.index_cast %add3A_750 : i32 to index
        %get3A_752 = arith.constant 112 : index
        %get3A_753 = tpu.vector_load %arg6[%get3A_751, %get3A_752] {strides = array<i32>} : memref<72x256xf32, #tpu.memory_space<vmem>>, vector<1x16xf32>,
        %get3A_754 = vector.shape_cast %get3A_753 : vector<1x16xf32> to vector<16xf32>
        %max3A_755 = arith.maximumf %max3A_746, %get3A_754 : vector<16xf32>
        %swap3A_756 = arith.index_cast %scan3A_99 : i32 to index
        %swap3A_757 = arith.constant 112 : index
        %swap3A_758 = tpu.vector_load %arg8[%swap3A_756, %swap3A_757] {strides = array<i32>} : memref<8x192xf32, #tpu.memory_space<vmem>>, vector<1x16xf32>,
        %swap3A_759 = vector.shape_cast %swap3A_758 : vector<1x16xf32> to vector<16xf32>
        %swap3A_760 = vector.shape_cast %max3A_755 : vector<16xf32> to vector<1x16xf32>
        tpu.vector_store %arg8[%swap3A_756, %swap3A_757], %swap3A_760 {strides = array<i32>} : memref<8x192xf32, #tpu.memory_space<vmem>>, vector<1x16xf32>,
        %mul3A_761 = arith.constant 9 : i32
        %mul3A_762 = arith.muli %scan3A_99, %mul3A_761 : i32
        %get3A_763 = arith.index_cast %mul3A_762 : i32 to index
        %get3A_764 = arith.constant 128 : index
        %get3A_765 = tpu.vector_load %arg6[%get3A_763, %get3A_764] {strides = array<i32>} : memref<72x256xf32, #tpu.memory_space<vmem>>, vector<1x16xf32>,
        %get3A_766 = vector.shape_cast %get3A_765 : vector<1x16xf32> to vector<16xf32>
        %mul3A_767 = arith.constant 9 : i32
        %mul3A_768 = arith.muli %scan3A_99, %mul3A_767 : i32
        %add3A_769 = arith.constant 1 : i32
        %add3A_770 = arith.addi %mul3A_768, %add3A_769 : i32
        %get3A_771 = arith.index_cast %add3A_770 : i32 to index
        %get3A_772 = arith.constant 128 : index
        %get3A_773 = tpu.vector_load %arg6[%get3A_771, %get3A_772] {strides = array<i32>} : memref<72x256xf32, #tpu.memory_space<vmem>>, vector<1x16xf32>,
        %get3A_774 = vector.shape_cast %get3A_773 : vector<1x16xf32> to vector<16xf32>
        %max3A_775 = arith.maximumf %get3A_766, %get3A_774 : vector<16xf32>
        %mul3A_776 = arith.constant 9 : i32
        %mul3A_777 = arith.muli %scan3A_99, %mul3A_776 : i32
        %add3A_778 = arith.constant 2 : i32
        %add3A_779 = arith.addi %mul3A_777, %add3A_778 : i32
        %get3A_780 = arith.index_cast %add3A_779 : i32 to index
        %get3A_781 = arith.constant 128 : index
        %get3A_782 = tpu.vector_load %arg6[%get3A_780, %get3A_781] {strides = array<i32>} : memref<72x256xf32, #tpu.memory_space<vmem>>, vector<1x16xf32>,
        %get3A_783 = vector.shape_cast %get3A_782 : vector<1x16xf32> to vector<16xf32>
        %max3A_784 = arith.maximumf %max3A_775, %get3A_783 : vector<16xf32>
        %mul3A_785 = arith.constant 9 : i32
        %mul3A_786 = arith.muli %scan3A_99, %mul3A_785 : i32
        %add3A_787 = arith.constant 3 : i32
        %add3A_788 = arith.addi %mul3A_786, %add3A_787 : i32
        %get3A_789 = arith.index_cast %add3A_788 : i32 to index
        %get3A_790 = arith.constant 128 : index
        %get3A_791 = tpu.vector_load %arg6[%get3A_789, %get3A_790] {strides = array<i32>} : memref<72x256xf32, #tpu.memory_space<vmem>>, vector<1x16xf32>,
        %get3A_792 = vector.shape_cast %get3A_791 : vector<1x16xf32> to vector<16xf32>
        %max3A_793 = arith.maximumf %max3A_784, %get3A_792 : vector<16xf32>
        %mul3A_794 = arith.constant 9 : i32
        %mul3A_795 = arith.muli %scan3A_99, %mul3A_794 : i32
        %add3A_796 = arith.constant 4 : i32
        %add3A_797 = arith.addi %mul3A_795, %add3A_796 : i32
        %get3A_798 = arith.index_cast %add3A_797 : i32 to index
        %get3A_799 = arith.constant 128 : index
        %get3A_800 = tpu.vector_load %arg6[%get3A_798, %get3A_799] {strides = array<i32>} : memref<72x256xf32, #tpu.memory_space<vmem>>, vector<1x16xf32>,
        %get3A_801 = vector.shape_cast %get3A_800 : vector<1x16xf32> to vector<16xf32>
        %max3A_802 = arith.maximumf %max3A_793, %get3A_801 : vector<16xf32>
        %mul3A_803 = arith.constant 9 : i32
        %mul3A_804 = arith.muli %scan3A_99, %mul3A_803 : i32
        %add3A_805 = arith.constant 5 : i32
        %add3A_806 = arith.addi %mul3A_804, %add3A_805 : i32
        %get3A_807 = arith.index_cast %add3A_806 : i32 to index
        %get3A_808 = arith.constant 128 : index
        %get3A_809 = tpu.vector_load %arg6[%get3A_807, %get3A_808] {strides = array<i32>} : memref<72x256xf32, #tpu.memory_space<vmem>>, vector<1x16xf32>,
        %get3A_810 = vector.shape_cast %get3A_809 : vector<1x16xf32> to vector<16xf32>
        %max3A_811 = arith.maximumf %max3A_802, %get3A_810 : vector<16xf32>
        %mul3A_812 = arith.constant 9 : i32
        %mul3A_813 = arith.muli %scan3A_99, %mul3A_812 : i32
        %add3A_814 = arith.constant 6 : i32
        %add3A_815 = arith.addi %mul3A_813, %add3A_814 : i32
        %get3A_816 = arith.index_cast %add3A_815 : i32 to index
        %get3A_817 = arith.constant 128 : index
        %get3A_818 = tpu.vector_load %arg6[%get3A_816, %get3A_817] {strides = array<i32>} : memref<72x256xf32, #tpu.memory_space<vmem>>, vector<1x16xf32>,
        %get3A_819 = vector.shape_cast %get3A_818 : vector<1x16xf32> to vector<16xf32>
        %max3A_820 = arith.maximumf %max3A_811, %get3A_819 : vector<16xf32>
        %mul3A_821 = arith.constant 9 : i32
        %mul3A_822 = arith.muli %scan3A_99, %mul3A_821 : i32
        %add3A_823 = arith.constant 7 : i32
        %add3A_824 = arith.addi %mul3A_822, %add3A_823 : i32
        %get3A_825 = arith.index_cast %add3A_824 : i32 to index
        %get3A_826 = arith.constant 128 : index
        %get3A_827 = tpu.vector_load %arg6[%get3A_825, %get3A_826] {strides = array<i32>} : memref<72x256xf32, #tpu.memory_space<vmem>>, vector<1x16xf32>,
        %get3A_828 = vector.shape_cast %get3A_827 : vector<1x16xf32> to vector<16xf32>
        %max3A_829 = arith.maximumf %max3A_820, %get3A_828 : vector<16xf32>
        %mul3A_830 = arith.constant 9 : i32
        %mul3A_831 = arith.muli %scan3A_99, %mul3A_830 : i32
        %add3A_832 = arith.constant 8 : i32
        %add3A_833 = arith.addi %mul3A_831, %add3A_832 : i32
        %get3A_834 = arith.index_cast %add3A_833 : i32 to index
        %get3A_835 = arith.constant 128 : index
        %get3A_836 = tpu.vector_load %arg6[%get3A_834, %get3A_835] {strides = array<i32>} : memref<72x256xf32, #tpu.memory_space<vmem>>, vector<1x16xf32>,
        %get3A_837 = vector.shape_cast %get3A_836 : vector<1x16xf32> to vector<16xf32>
        %max3A_838 = arith.maximumf %max3A_829, %get3A_837 : vector<16xf32>
        %swap3A_839 = arith.index_cast %scan3A_99 : i32 to index
        %swap3A_840 = arith.constant 128 : index
        %swap3A_841 = tpu.vector_load %arg8[%swap3A_839, %swap3A_840] {strides = array<i32>} : memref<8x192xf32, #tpu.memory_space<vmem>>, vector<1x16xf32>,
        %swap3A_842 = vector.shape_cast %swap3A_841 : vector<1x16xf32> to vector<16xf32>
        %swap3A_843 = vector.shape_cast %max3A_838 : vector<16xf32> to vector<1x16xf32>
        tpu.vector_store %arg8[%swap3A_839, %swap3A_840], %swap3A_843 {strides = array<i32>} : memref<8x192xf32, #tpu.memory_space<vmem>>, vector<1x16xf32>,
        %mul3A_844 = arith.constant 9 : i32
        %mul3A_845 = arith.muli %scan3A_99, %mul3A_844 : i32
        %get3A_846 = arith.index_cast %mul3A_845 : i32 to index
        %get3A_847 = arith.constant 144 : index
        %get3A_848 = tpu.vector_load %arg6[%get3A_846, %get3A_847] {strides = array<i32>} : memref<72x256xf32, #tpu.memory_space<vmem>>, vector<1x16xf32>,
        %get3A_849 = vector.shape_cast %get3A_848 : vector<1x16xf32> to vector<16xf32>
        %mul3A_850 = arith.constant 9 : i32
        %mul3A_851 = arith.muli %scan3A_99, %mul3A_850 : i32
        %add3A_852 = arith.constant 1 : i32
        %add3A_853 = arith.addi %mul3A_851, %add3A_852 : i32
        %get3A_854 = arith.index_cast %add3A_853 : i32 to index
        %get3A_855 = arith.constant 144 : index
        %get3A_856 = tpu.vector_load %arg6[%get3A_854, %get3A_855] {strides = array<i32>} : memref<72x256xf32, #tpu.memory_space<vmem>>, vector<1x16xf32>,
        %get3A_857 = vector.shape_cast %get3A_856 : vector<1x16xf32> to vector<16xf32>
        %max3A_858 = arith.maximumf %get3A_849, %get3A_857 : vector<16xf32>
        %mul3A_859 = arith.constant 9 : i32
        %mul3A_860 = arith.muli %scan3A_99, %mul3A_859 : i32
        %add3A_861 = arith.constant 2 : i32
        %add3A_862 = arith.addi %mul3A_860, %add3A_861 : i32
        %get3A_863 = arith.index_cast %add3A_862 : i32 to index
        %get3A_864 = arith.constant 144 : index
        %get3A_865 = tpu.vector_load %arg6[%get3A_863, %get3A_864] {strides = array<i32>} : memref<72x256xf32, #tpu.memory_space<vmem>>, vector<1x16xf32>,
        %get3A_866 = vector.shape_cast %get3A_865 : vector<1x16xf32> to vector<16xf32>
        %max3A_867 = arith.maximumf %max3A_858, %get3A_866 : vector<16xf32>
        %mul3A_868 = arith.constant 9 : i32
        %mul3A_869 = arith.muli %scan3A_99, %mul3A_868 : i32
        %add3A_870 = arith.constant 3 : i32
        %add3A_871 = arith.addi %mul3A_869, %add3A_870 : i32
        %get3A_872 = arith.index_cast %add3A_871 : i32 to index
        %get3A_873 = arith.constant 144 : index
        %get3A_874 = tpu.vector_load %arg6[%get3A_872, %get3A_873] {strides = array<i32>} : memref<72x256xf32, #tpu.memory_space<vmem>>, vector<1x16xf32>,
        %get3A_875 = vector.shape_cast %get3A_874 : vector<1x16xf32> to vector<16xf32>
        %max3A_876 = arith.maximumf %max3A_867, %get3A_875 : vector<16xf32>
        %mul3A_877 = arith.constant 9 : i32
        %mul3A_878 = arith.muli %scan3A_99, %mul3A_877 : i32
        %add3A_879 = arith.constant 4 : i32
        %add3A_880 = arith.addi %mul3A_878, %add3A_879 : i32
        %get3A_881 = arith.index_cast %add3A_880 : i32 to index
        %get3A_882 = arith.constant 144 : index
        %get3A_883 = tpu.vector_load %arg6[%get3A_881, %get3A_882] {strides = array<i32>} : memref<72x256xf32, #tpu.memory_space<vmem>>, vector<1x16xf32>,
        %get3A_884 = vector.shape_cast %get3A_883 : vector<1x16xf32> to vector<16xf32>
        %max3A_885 = arith.maximumf %max3A_876, %get3A_884 : vector<16xf32>
        %mul3A_886 = arith.constant 9 : i32
        %mul3A_887 = arith.muli %scan3A_99, %mul3A_886 : i32
        %add3A_888 = arith.constant 5 : i32
        %add3A_889 = arith.addi %mul3A_887, %add3A_888 : i32
        %get3A_890 = arith.index_cast %add3A_889 : i32 to index
        %get3A_891 = arith.constant 144 : index
        %get3A_892 = tpu.vector_load %arg6[%get3A_890, %get3A_891] {strides = array<i32>} : memref<72x256xf32, #tpu.memory_space<vmem>>, vector<1x16xf32>,
        %get3A_893 = vector.shape_cast %get3A_892 : vector<1x16xf32> to vector<16xf32>
        %max3A_894 = arith.maximumf %max3A_885, %get3A_893 : vector<16xf32>
        %mul3A_895 = arith.constant 9 : i32
        %mul3A_896 = arith.muli %scan3A_99, %mul3A_895 : i32
        %add3A_897 = arith.constant 6 : i32
        %add3A_898 = arith.addi %mul3A_896, %add3A_897 : i32
        %get3A_899 = arith.index_cast %add3A_898 : i32 to index
        %get3A_900 = arith.constant 144 : index
        %get3A_901 = tpu.vector_load %arg6[%get3A_899, %get3A_900] {strides = array<i32>} : memref<72x256xf32, #tpu.memory_space<vmem>>, vector<1x16xf32>,
        %get3A_902 = vector.shape_cast %get3A_901 : vector<1x16xf32> to vector<16xf32>
        %max3A_903 = arith.maximumf %max3A_894, %get3A_902 : vector<16xf32>
        %mul3A_904 = arith.constant 9 : i32
        %mul3A_905 = arith.muli %scan3A_99, %mul3A_904 : i32
        %add3A_906 = arith.constant 7 : i32
        %add3A_907 = arith.addi %mul3A_905, %add3A_906 : i32
        %get3A_908 = arith.index_cast %add3A_907 : i32 to index
        %get3A_909 = arith.constant 144 : index
        %get3A_910 = tpu.vector_load %arg6[%get3A_908, %get3A_909] {strides = array<i32>} : memref<72x256xf32, #tpu.memory_space<vmem>>, vector<1x16xf32>,
        %get3A_911 = vector.shape_cast %get3A_910 : vector<1x16xf32> to vector<16xf32>
        %max3A_912 = arith.maximumf %max3A_903, %get3A_911 : vector<16xf32>
        %mul3A_913 = arith.constant 9 : i32
        %mul3A_914 = arith.muli %scan3A_99, %mul3A_913 : i32
        %add3A_915 = arith.constant 8 : i32
        %add3A_916 = arith.addi %mul3A_914, %add3A_915 : i32
        %get3A_917 = arith.index_cast %add3A_916 : i32 to index
        %get3A_918 = arith.constant 144 : index
        %get3A_919 = tpu.vector_load %arg6[%get3A_917, %get3A_918] {strides = array<i32>} : memref<72x256xf32, #tpu.memory_space<vmem>>, vector<1x16xf32>,
        %get3A_920 = vector.shape_cast %get3A_919 : vector<1x16xf32> to vector<16xf32>
        %max3A_921 = arith.maximumf %max3A_912, %get3A_920 : vector<16xf32>
        %swap3A_922 = arith.index_cast %scan3A_99 : i32 to index
        %swap3A_923 = arith.constant 144 : index
        %swap3A_924 = tpu.vector_load %arg8[%swap3A_922, %swap3A_923] {strides = array<i32>} : memref<8x192xf32, #tpu.memory_space<vmem>>, vector<1x16xf32>,
        %swap3A_925 = vector.shape_cast %swap3A_924 : vector<1x16xf32> to vector<16xf32>
        %swap3A_926 = vector.shape_cast %max3A_921 : vector<16xf32> to vector<1x16xf32>
        tpu.vector_store %arg8[%swap3A_922, %swap3A_923], %swap3A_926 {strides = array<i32>} : memref<8x192xf32, #tpu.memory_space<vmem>>, vector<1x16xf32>,
        %mul3A_927 = arith.constant 9 : i32
        %mul3A_928 = arith.muli %scan3A_99, %mul3A_927 : i32
        %get3A_929 = arith.index_cast %mul3A_928 : i32 to index
        %get3A_930 = arith.constant 160 : index
        %get3A_931 = tpu.vector_load %arg6[%get3A_929, %get3A_930] {strides = array<i32>} : memref<72x256xf32, #tpu.memory_space<vmem>>, vector<1x16xf32>,
        %get3A_932 = vector.shape_cast %get3A_931 : vector<1x16xf32> to vector<16xf32>
        %mul3A_933 = arith.constant 9 : i32
        %mul3A_934 = arith.muli %scan3A_99, %mul3A_933 : i32
        %add3A_935 = arith.constant 1 : i32
        %add3A_936 = arith.addi %mul3A_934, %add3A_935 : i32
        %get3A_937 = arith.index_cast %add3A_936 : i32 to index
        %get3A_938 = arith.constant 160 : index
        %get3A_939 = tpu.vector_load %arg6[%get3A_937, %get3A_938] {strides = array<i32>} : memref<72x256xf32, #tpu.memory_space<vmem>>, vector<1x16xf32>,
        %get3A_940 = vector.shape_cast %get3A_939 : vector<1x16xf32> to vector<16xf32>
        %max3A_941 = arith.maximumf %get3A_932, %get3A_940 : vector<16xf32>
        %mul3A_942 = arith.constant 9 : i32
        %mul3A_943 = arith.muli %scan3A_99, %mul3A_942 : i32
        %add3A_944 = arith.constant 2 : i32
        %add3A_945 = arith.addi %mul3A_943, %add3A_944 : i32
        %get3A_946 = arith.index_cast %add3A_945 : i32 to index
        %get3A_947 = arith.constant 160 : index
        %get3A_948 = tpu.vector_load %arg6[%get3A_946, %get3A_947] {strides = array<i32>} : memref<72x256xf32, #tpu.memory_space<vmem>>, vector<1x16xf32>,
        %get3A_949 = vector.shape_cast %get3A_948 : vector<1x16xf32> to vector<16xf32>
        %max3A_950 = arith.maximumf %max3A_941, %get3A_949 : vector<16xf32>
        %mul3A_951 = arith.constant 9 : i32
        %mul3A_952 = arith.muli %scan3A_99, %mul3A_951 : i32
        %add3A_953 = arith.constant 3 : i32
        %add3A_954 = arith.addi %mul3A_952, %add3A_953 : i32
        %get3A_955 = arith.index_cast %add3A_954 : i32 to index
        %get3A_956 = arith.constant 160 : index
        %get3A_957 = tpu.vector_load %arg6[%get3A_955, %get3A_956] {strides = array<i32>} : memref<72x256xf32, #tpu.memory_space<vmem>>, vector<1x16xf32>,
        %get3A_958 = vector.shape_cast %get3A_957 : vector<1x16xf32> to vector<16xf32>
        %max3A_959 = arith.maximumf %max3A_950, %get3A_958 : vector<16xf32>
        %mul3A_960 = arith.constant 9 : i32
        %mul3A_961 = arith.muli %scan3A_99, %mul3A_960 : i32
        %add3A_962 = arith.constant 4 : i32
        %add3A_963 = arith.addi %mul3A_961, %add3A_962 : i32
        %get3A_964 = arith.index_cast %add3A_963 : i32 to index
        %get3A_965 = arith.constant 160 : index
        %get3A_966 = tpu.vector_load %arg6[%get3A_964, %get3A_965] {strides = array<i32>} : memref<72x256xf32, #tpu.memory_space<vmem>>, vector<1x16xf32>,
        %get3A_967 = vector.shape_cast %get3A_966 : vector<1x16xf32> to vector<16xf32>
        %max3A_968 = arith.maximumf %max3A_959, %get3A_967 : vector<16xf32>
        %mul3A_969 = arith.constant 9 : i32
        %mul3A_970 = arith.muli %scan3A_99, %mul3A_969 : i32
        %add3A_971 = arith.constant 5 : i32
        %add3A_972 = arith.addi %mul3A_970, %add3A_971 : i32
        %get3A_973 = arith.index_cast %add3A_972 : i32 to index
        %get3A_974 = arith.constant 160 : index
        %get3A_975 = tpu.vector_load %arg6[%get3A_973, %get3A_974] {strides = array<i32>} : memref<72x256xf32, #tpu.memory_space<vmem>>, vector<1x16xf32>,
        %get3A_976 = vector.shape_cast %get3A_975 : vector<1x16xf32> to vector<16xf32>
        %max3A_977 = arith.maximumf %max3A_968, %get3A_976 : vector<16xf32>
        %mul3A_978 = arith.constant 9 : i32
        %mul3A_979 = arith.muli %scan3A_99, %mul3A_978 : i32
        %add3A_980 = arith.constant 6 : i32
        %add3A_981 = arith.addi %mul3A_979, %add3A_980 : i32
        %get3A_982 = arith.index_cast %add3A_981 : i32 to index
        %get3A_983 = arith.constant 160 : index
        %get3A_984 = tpu.vector_load %arg6[%get3A_982, %get3A_983] {strides = array<i32>} : memref<72x256xf32, #tpu.memory_space<vmem>>, vector<1x16xf32>,
        %get3A_985 = vector.shape_cast %get3A_984 : vector<1x16xf32> to vector<16xf32>
        %max3A_986 = arith.maximumf %max3A_977, %get3A_985 : vector<16xf32>
        %mul3A_987 = arith.constant 9 : i32
        %mul3A_988 = arith.muli %scan3A_99, %mul3A_987 : i32
        %add3A_989 = arith.constant 7 : i32
        %add3A_990 = arith.addi %mul3A_988, %add3A_989 : i32
        %get3A_991 = arith.index_cast %add3A_990 : i32 to index
        %get3A_992 = arith.constant 160 : index
        %get3A_993 = tpu.vector_load %arg6[%get3A_991, %get3A_992] {strides = array<i32>} : memref<72x256xf32, #tpu.memory_space<vmem>>, vector<1x16xf32>,
        %get3A_994 = vector.shape_cast %get3A_993 : vector<1x16xf32> to vector<16xf32>
        %max3A_995 = arith.maximumf %max3A_986, %get3A_994 : vector<16xf32>
        %mul3A_996 = arith.constant 9 : i32
        %mul3A_997 = arith.muli %scan3A_99, %mul3A_996 : i32
        %add3A_998 = arith.constant 8 : i32
        %add3A_999 = arith.addi %mul3A_997, %add3A_998 : i32
        %get3A_1000 = arith.index_cast %add3A_999 : i32 to index
        %get3A_1001 = arith.constant 160 : index
        %get3A_1002 = tpu.vector_load %arg6[%get3A_1000, %get3A_1001] {strides = array<i32>} : memref<72x256xf32, #tpu.memory_space<vmem>>, vector<1x16xf32>,
        %get3A_1003 = vector.shape_cast %get3A_1002 : vector<1x16xf32> to vector<16xf32>
        %max3A_1004 = arith.maximumf %max3A_995, %get3A_1003 : vector<16xf32>
        %swap3A_1005 = arith.index_cast %scan3A_99 : i32 to index
        %swap3A_1006 = arith.constant 160 : index
        %swap3A_1007 = tpu.vector_load %arg8[%swap3A_1005, %swap3A_1006] {strides = array<i32>} : memref<8x192xf32, #tpu.memory_space<vmem>>, vector<1x16xf32>,
        %swap3A_1008 = vector.shape_cast %swap3A_1007 : vector<1x16xf32> to vector<16xf32>
        %swap3A_1009 = vector.shape_cast %max3A_1004 : vector<16xf32> to vector<1x16xf32>
        tpu.vector_store %arg8[%swap3A_1005, %swap3A_1006], %swap3A_1009 {strides = array<i32>} : memref<8x192xf32, #tpu.memory_space<vmem>>, vector<1x16xf32>,
        %mul3A_1010 = arith.constant 9 : i32
        %mul3A_1011 = arith.muli %scan3A_99, %mul3A_1010 : i32
        %get3A_1012 = arith.index_cast %mul3A_1011 : i32 to index
        %get3A_1013 = arith.constant 176 : index
        %get3A_1014 = tpu.vector_load %arg6[%get3A_1012, %get3A_1013] {strides = array<i32>} : memref<72x256xf32, #tpu.memory_space<vmem>>, vector<1x16xf32>,
        %get3A_1015 = vector.shape_cast %get3A_1014 : vector<1x16xf32> to vector<16xf32>
        %mul3A_1016 = arith.constant 9 : i32
        %mul3A_1017 = arith.muli %scan3A_99, %mul3A_1016 : i32
        %add3A_1018 = arith.constant 1 : i32
        %add3A_1019 = arith.addi %mul3A_1017, %add3A_1018 : i32
        %get3A_1020 = arith.index_cast %add3A_1019 : i32 to index
        %get3A_1021 = arith.constant 176 : index
        %get3A_1022 = tpu.vector_load %arg6[%get3A_1020, %get3A_1021] {strides = array<i32>} : memref<72x256xf32, #tpu.memory_space<vmem>>, vector<1x16xf32>,
        %get3A_1023 = vector.shape_cast %get3A_1022 : vector<1x16xf32> to vector<16xf32>
        %max3A_1024 = arith.maximumf %get3A_1015, %get3A_1023 : vector<16xf32>
        %mul3A_1025 = arith.constant 9 : i32
        %mul3A_1026 = arith.muli %scan3A_99, %mul3A_1025 : i32
        %add3A_1027 = arith.constant 2 : i32
        %add3A_1028 = arith.addi %mul3A_1026, %add3A_1027 : i32
        %get3A_1029 = arith.index_cast %add3A_1028 : i32 to index
        %get3A_1030 = arith.constant 176 : index
        %get3A_1031 = tpu.vector_load %arg6[%get3A_1029, %get3A_1030] {strides = array<i32>} : memref<72x256xf32, #tpu.memory_space<vmem>>, vector<1x16xf32>,
        %get3A_1032 = vector.shape_cast %get3A_1031 : vector<1x16xf32> to vector<16xf32>
        %max3A_1033 = arith.maximumf %max3A_1024, %get3A_1032 : vector<16xf32>
        %mul3A_1034 = arith.constant 9 : i32
        %mul3A_1035 = arith.muli %scan3A_99, %mul3A_1034 : i32
        %add3A_1036 = arith.constant 3 : i32
        %add3A_1037 = arith.addi %mul3A_1035, %add3A_1036 : i32
        %get3A_1038 = arith.index_cast %add3A_1037 : i32 to index
        %get3A_1039 = arith.constant 176 : index
        %get3A_1040 = tpu.vector_load %arg6[%get3A_1038, %get3A_1039] {strides = array<i32>} : memref<72x256xf32, #tpu.memory_space<vmem>>, vector<1x16xf32>,
        %get3A_1041 = vector.shape_cast %get3A_1040 : vector<1x16xf32> to vector<16xf32>
        %max3A_1042 = arith.maximumf %max3A_1033, %get3A_1041 : vector<16xf32>
        %mul3A_1043 = arith.constant 9 : i32
        %mul3A_1044 = arith.muli %scan3A_99, %mul3A_1043 : i32
        %add3A_1045 = arith.constant 4 : i32
        %add3A_1046 = arith.addi %mul3A_1044, %add3A_1045 : i32
        %get3A_1047 = arith.index_cast %add3A_1046 : i32 to index
        %get3A_1048 = arith.constant 176 : index
        %get3A_1049 = tpu.vector_load %arg6[%get3A_1047, %get3A_1048] {strides = array<i32>} : memref<72x256xf32, #tpu.memory_space<vmem>>, vector<1x16xf32>,
        %get3A_1050 = vector.shape_cast %get3A_1049 : vector<1x16xf32> to vector<16xf32>
        %max3A_1051 = arith.maximumf %max3A_1042, %get3A_1050 : vector<16xf32>
        %mul3A_1052 = arith.constant 9 : i32
        %mul3A_1053 = arith.muli %scan3A_99, %mul3A_1052 : i32
        %add3A_1054 = arith.constant 5 : i32
        %add3A_1055 = arith.addi %mul3A_1053, %add3A_1054 : i32
        %get3A_1056 = arith.index_cast %add3A_1055 : i32 to index
        %get3A_1057 = arith.constant 176 : index
        %get3A_1058 = tpu.vector_load %arg6[%get3A_1056, %get3A_1057] {strides = array<i32>} : memref<72x256xf32, #tpu.memory_space<vmem>>, vector<1x16xf32>,
        %get3A_1059 = vector.shape_cast %get3A_1058 : vector<1x16xf32> to vector<16xf32>
        %max3A_1060 = arith.maximumf %max3A_1051, %get3A_1059 : vector<16xf32>
        %mul3A_1061 = arith.constant 9 : i32
        %mul3A_1062 = arith.muli %scan3A_99, %mul3A_1061 : i32
        %add3A_1063 = arith.constant 6 : i32
        %add3A_1064 = arith.addi %mul3A_1062, %add3A_1063 : i32
        %get3A_1065 = arith.index_cast %add3A_1064 : i32 to index
        %get3A_1066 = arith.constant 176 : index
        %get3A_1067 = tpu.vector_load %arg6[%get3A_1065, %get3A_1066] {strides = array<i32>} : memref<72x256xf32, #tpu.memory_space<vmem>>, vector<1x16xf32>,
        %get3A_1068 = vector.shape_cast %get3A_1067 : vector<1x16xf32> to vector<16xf32>
        %max3A_1069 = arith.maximumf %max3A_1060, %get3A_1068 : vector<16xf32>
        %mul3A_1070 = arith.constant 9 : i32
        %mul3A_1071 = arith.muli %scan3A_99, %mul3A_1070 : i32
        %add3A_1072 = arith.constant 7 : i32
        %add3A_1073 = arith.addi %mul3A_1071, %add3A_1072 : i32
        %get3A_1074 = arith.index_cast %add3A_1073 : i32 to index
        %get3A_1075 = arith.constant 176 : index
        %get3A_1076 = tpu.vector_load %arg6[%get3A_1074, %get3A_1075] {strides = array<i32>} : memref<72x256xf32, #tpu.memory_space<vmem>>, vector<1x16xf32>,
        %get3A_1077 = vector.shape_cast %get3A_1076 : vector<1x16xf32> to vector<16xf32>
        %max3A_1078 = arith.maximumf %max3A_1069, %get3A_1077 : vector<16xf32>
        %mul3A_1079 = arith.constant 9 : i32
        %mul3A_1080 = arith.muli %scan3A_99, %mul3A_1079 : i32
        %add3A_1081 = arith.constant 8 : i32
        %add3A_1082 = arith.addi %mul3A_1080, %add3A_1081 : i32
        %get3A_1083 = arith.index_cast %add3A_1082 : i32 to index
        %get3A_1084 = arith.constant 176 : index
        %get3A_1085 = tpu.vector_load %arg6[%get3A_1083, %get3A_1084] {strides = array<i32>} : memref<72x256xf32, #tpu.memory_space<vmem>>, vector<1x16xf32>,
        %get3A_1086 = vector.shape_cast %get3A_1085 : vector<1x16xf32> to vector<16xf32>
        %max3A_1087 = arith.maximumf %max3A_1078, %get3A_1086 : vector<16xf32>
        %swap3A_1088 = arith.index_cast %scan3A_99 : i32 to index
        %swap3A_1089 = arith.constant 176 : index
        %swap3A_1090 = tpu.vector_load %arg8[%swap3A_1088, %swap3A_1089] {strides = array<i32>} : memref<8x192xf32, #tpu.memory_space<vmem>>, vector<1x16xf32>,
        %swap3A_1091 = vector.shape_cast %swap3A_1090 : vector<1x16xf32> to vector<16xf32>
        %swap3A_1092 = vector.shape_cast %max3A_1087 : vector<16xf32> to vector<1x16xf32>
        tpu.vector_store %arg8[%swap3A_1088, %swap3A_1089], %swap3A_1092 {strides = array<i32>} : memref<8x192xf32, #tpu.memory_space<vmem>>, vector<1x16xf32>,
      }
      %scan3A_50 = arith.constant 8 : i32
      %mul3A_51 = arith.constant 8 : i32
      %mul3A_52 = arith.muli %add3A_36, %mul3A_51 : i32
      %add3A_53 = arith.addi %mul3A_2, %mul3A_52 : i32
      %dma_start3A_54 = arith.constant 0 : i32
      %dma_start3A_55 = tpu.memref_slice %arg4[%add3A_53, %dma_start3A_54] : memref<8192x192xf32, #tpu.memory_space<hbm>> -> memref<8x192xf32, #tpu.memory_space<hbm>>
      %dma_start3A_56 = arith.constant 0 : i32
      %dma_start3A_57 = tpu.memref_slice %arg4[%add3A_53, %dma_start3A_56] : memref<8192x192xf32, #tpu.memory_space<hbm>> -> memref<8x192xf32, #tpu.memory_space<hbm>>
      tpu.enqueue_dma source(%arg8 : memref<8x192xf32, #tpu.memory_space<vmem>>) target(%dma_start3A_57 : memref<8x192xf32, #tpu.memory_space<hbm>>) target_semaphore(%arg12 : memref<!tpu.dma_semaphore, #tpu.memory_space<semaphore_mem>>)
      %add3A_58 = arith.constant 2 : i32
      %add3A_59 = arith.addi %add3A_36, %add3A_58 : i32
      %lt3A = arith.constant 32 : i32
      %lt3A_60 = arith.cmpi slt, %add3A_59, %lt3A : i32
      %convert_element_type3A_61 = arith.extui %lt3A_60 : i1 to i32
      %cond3A_62 = arith.constant 0 : i32
      %cond3A_63 = arith.cmpi ne, %convert_element_type3A_61, %cond3A_62 : i32
      scf.if %cond3A_63 {
        %add3A_99 = arith.constant 2 : i32
        %add3A_100 = arith.addi %add3A_36, %add3A_99 : i32
        %dma_start3A_101 = arith.constant 0 : i32
        %dma_start3A_102 = tpu.memref_slice %arg5[%add3A_100, %dma_start3A_101] : memref<32x72xi32, #tpu.memory_space<vmem>> -> memref<1x72xi32, #tpu.memory_space<vmem>>
        %dma_start3A_103 = tpu.memref_squeeze %dma_start3A_102 : memref<1x72xi32, #tpu.memory_space<vmem>> -> memref<72xi32, #tpu.memory_space<vmem>>
        %dma_start3A_104 = arith.constant 0 : i32
        %dma_start3A_105 = arith.constant 0 : i32
        %dma_start3A_106 = tpu.memref_slice %arg2[%dma_start3A_104, %dma_start3A_105] : memref<8192x256xf32, #tpu.memory_space<hbm>> -> memref<8192x256xf32, #tpu.memory_space<hbm>>
        tpu.enqueue_indirect_dma source(%dma_start3A_106 : memref<8192x256xf32, #tpu.memory_space<hbm>>) target(%arg6 : memref<72x256xf32, #tpu.memory_space<vmem>>) offsets(%dma_start3A_103 : memref<72xi32, #tpu.memory_space<vmem>>) semaphore(%arg10 : memref<!tpu.dma_semaphore, #tpu.memory_space<semaphore_mem>>)
      } else {
      }
      %mul3A_64 = arith.constant 2 : i32
      %mul3A_65 = arith.muli %scan3A_32, %mul3A_64 : i32
      %add3A_66 = arith.constant 1 : i32
      %add3A_67 = arith.addi %mul3A_65, %add3A_66 : i32
      %dma_wait3A_68 = arith.constant 0 : i32
      %dma_wait3A_69 = tpu.memref_slice %arg5[%add3A_67, %dma_wait3A_68] : memref<32x72xi32, #tpu.memory_space<vmem>> -> memref<1x72xi32, #tpu.memory_space<vmem>>
      %dma_wait3A_70 = tpu.memref_squeeze %dma_wait3A_69 : memref<1x72xi32, #tpu.memory_space<vmem>> -> memref<72xi32, #tpu.memory_space<vmem>>
      %dma_wait3A_71 = arith.constant 0 : i32
      %dma_wait3A_72 = arith.constant 0 : i32
      %dma_wait3A_73 = tpu.memref_slice %arg2[%dma_wait3A_71, %dma_wait3A_72] : memref<8192x256xf32, #tpu.memory_space<hbm>> -> memref<8192x256xf32, #tpu.memory_space<hbm>>
      tpu.wait_indirect_dma semaphore(%arg11 : memref<!tpu.dma_semaphore, #tpu.memory_space<semaphore_mem>>) src(%dma_wait3A_73 : memref<8192x256xf32, #tpu.memory_space<hbm>>) dst(%arg7 : memref<72x256xf32, #tpu.memory_space<vmem>>)
      %gt3A_74 = arith.constant 0 : i32
      %gt3A_75 = arith.cmpi sgt, %scan3A_32, %gt3A_74 : i32
      %convert_element_type3A_76 = arith.extui %gt3A_75 : i1 to i32
      %cond3A_77 = arith.constant 0 : i32
      %cond3A_78 = arith.cmpi ne, %convert_element_type3A_76, %cond3A_77 : i32
      scf.if %cond3A_78 {
        %dma_wait3A_99 = arith.constant 0 : i32
        %dma_wait3A_100 = arith.constant 0 : i32
        %dma_wait3A_101 = tpu.memref_slice %arg4[%dma_wait3A_99, %dma_wait3A_100] : memref<8192x192xf32, #tpu.memory_space<hbm>> -> memref<8x192xf32, #tpu.memory_space<hbm>>
        %dma_wait3A_102 = arith.constant 0 : i32
        %dma_wait3A_103 = arith.constant 0 : i32
        %dma_wait3A_104 = tpu.memref_slice %arg4[%dma_wait3A_102, %dma_wait3A_103] : memref<8192x192xf32, #tpu.memory_space<hbm>> -> memref<8x192xf32, #tpu.memory_space<hbm>>
        tpu.wait_dma2 semaphore(%arg13 : memref<!tpu.dma_semaphore, #tpu.memory_space<semaphore_mem>>) src(%arg9 : memref<8x192xf32, #tpu.memory_space<vmem>>) dst(%dma_wait3A_104 : memref<8x192xf32, #tpu.memory_space<hbm>>)
      } else {
      }
      %scan3A_79 = arith.constant 0 : i32
      %scan3A_80 = arith.constant 0 : i32
      %scan3A_81 = arith.constant 8 : i32
      %scan3A_82 = arith.addi %scan3A_80, %scan3A_81 : i32
      %scan3A_83 = arith.constant 1 : i32
      scf.for %scan3A_99 = %scan3A_80 to %scan3A_82 step %scan3A_83  : i32 {
        %mul3A_100 = arith.constant 9 : i32
        %mul3A_101 = arith.muli %scan3A_99, %mul3A_100 : i32
        %get3A = arith.index_cast %mul3A_101 : i32 to index
        %get3A_102 = arith.constant 0 : index
        %get3A_103 = tpu.vector_load %arg7[%get3A, %get3A_102] {strides = array<i32>} : memref<72x256xf32, #tpu.memory_space<vmem>>, vector<1x16xf32>,
        %get3A_104 = vector.shape_cast %get3A_103 : vector<1x16xf32> to vector<16xf32>
        %mul3A_105 = arith.constant 9 : i32
        %mul3A_106 = arith.muli %scan3A_99, %mul3A_105 : i32
        %add3A_107 = arith.constant 1 : i32
        %add3A_108 = arith.addi %mul3A_106, %add3A_107 : i32
        %get3A_109 = arith.index_cast %add3A_108 : i32 to index
        %get3A_110 = arith.constant 0 : index
        %get3A_111 = tpu.vector_load %arg7[%get3A_109, %get3A_110] {strides = array<i32>} : memref<72x256xf32, #tpu.memory_space<vmem>>, vector<1x16xf32>,
        %get3A_112 = vector.shape_cast %get3A_111 : vector<1x16xf32> to vector<16xf32>
        %max3A = arith.maximumf %get3A_104, %get3A_112 : vector<16xf32>
        %mul3A_113 = arith.constant 9 : i32
        %mul3A_114 = arith.muli %scan3A_99, %mul3A_113 : i32
        %add3A_115 = arith.constant 2 : i32
        %add3A_116 = arith.addi %mul3A_114, %add3A_115 : i32
        %get3A_117 = arith.index_cast %add3A_116 : i32 to index
        %get3A_118 = arith.constant 0 : index
        %get3A_119 = tpu.vector_load %arg7[%get3A_117, %get3A_118] {strides = array<i32>} : memref<72x256xf32, #tpu.memory_space<vmem>>, vector<1x16xf32>,
        %get3A_120 = vector.shape_cast %get3A_119 : vector<1x16xf32> to vector<16xf32>
        %max3A_121 = arith.maximumf %max3A, %get3A_120 : vector<16xf32>
        %mul3A_122 = arith.constant 9 : i32
        %mul3A_123 = arith.muli %scan3A_99, %mul3A_122 : i32
        %add3A_124 = arith.constant 3 : i32
        %add3A_125 = arith.addi %mul3A_123, %add3A_124 : i32
        %get3A_126 = arith.index_cast %add3A_125 : i32 to index
        %get3A_127 = arith.constant 0 : index
        %get3A_128 = tpu.vector_load %arg7[%get3A_126, %get3A_127] {strides = array<i32>} : memref<72x256xf32, #tpu.memory_space<vmem>>, vector<1x16xf32>,
        %get3A_129 = vector.shape_cast %get3A_128 : vector<1x16xf32> to vector<16xf32>
        %max3A_130 = arith.maximumf %max3A_121, %get3A_129 : vector<16xf32>
        %mul3A_131 = arith.constant 9 : i32
        %mul3A_132 = arith.muli %scan3A_99, %mul3A_131 : i32
        %add3A_133 = arith.constant 4 : i32
        %add3A_134 = arith.addi %mul3A_132, %add3A_133 : i32
        %get3A_135 = arith.index_cast %add3A_134 : i32 to index
        %get3A_136 = arith.constant 0 : index
        %get3A_137 = tpu.vector_load %arg7[%get3A_135, %get3A_136] {strides = array<i32>} : memref<72x256xf32, #tpu.memory_space<vmem>>, vector<1x16xf32>,
        %get3A_138 = vector.shape_cast %get3A_137 : vector<1x16xf32> to vector<16xf32>
        %max3A_139 = arith.maximumf %max3A_130, %get3A_138 : vector<16xf32>
        %mul3A_140 = arith.constant 9 : i32
        %mul3A_141 = arith.muli %scan3A_99, %mul3A_140 : i32
        %add3A_142 = arith.constant 5 : i32
        %add3A_143 = arith.addi %mul3A_141, %add3A_142 : i32
        %get3A_144 = arith.index_cast %add3A_143 : i32 to index
        %get3A_145 = arith.constant 0 : index
        %get3A_146 = tpu.vector_load %arg7[%get3A_144, %get3A_145] {strides = array<i32>} : memref<72x256xf32, #tpu.memory_space<vmem>>, vector<1x16xf32>,
        %get3A_147 = vector.shape_cast %get3A_146 : vector<1x16xf32> to vector<16xf32>
        %max3A_148 = arith.maximumf %max3A_139, %get3A_147 : vector<16xf32>
        %mul3A_149 = arith.constant 9 : i32
        %mul3A_150 = arith.muli %scan3A_99, %mul3A_149 : i32
        %add3A_151 = arith.constant 6 : i32
        %add3A_152 = arith.addi %mul3A_150, %add3A_151 : i32
        %get3A_153 = arith.index_cast %add3A_152 : i32 to index
        %get3A_154 = arith.constant 0 : index
        %get3A_155 = tpu.vector_load %arg7[%get3A_153, %get3A_154] {strides = array<i32>} : memref<72x256xf32, #tpu.memory_space<vmem>>, vector<1x16xf32>,
        %get3A_156 = vector.shape_cast %get3A_155 : vector<1x16xf32> to vector<16xf32>
        %max3A_157 = arith.maximumf %max3A_148, %get3A_156 : vector<16xf32>
        %mul3A_158 = arith.constant 9 : i32
        %mul3A_159 = arith.muli %scan3A_99, %mul3A_158 : i32
        %add3A_160 = arith.constant 7 : i32
        %add3A_161 = arith.addi %mul3A_159, %add3A_160 : i32
        %get3A_162 = arith.index_cast %add3A_161 : i32 to index
        %get3A_163 = arith.constant 0 : index
        %get3A_164 = tpu.vector_load %arg7[%get3A_162, %get3A_163] {strides = array<i32>} : memref<72x256xf32, #tpu.memory_space<vmem>>, vector<1x16xf32>,
        %get3A_165 = vector.shape_cast %get3A_164 : vector<1x16xf32> to vector<16xf32>
        %max3A_166 = arith.maximumf %max3A_157, %get3A_165 : vector<16xf32>
        %mul3A_167 = arith.constant 9 : i32
        %mul3A_168 = arith.muli %scan3A_99, %mul3A_167 : i32
        %add3A_169 = arith.constant 8 : i32
        %add3A_170 = arith.addi %mul3A_168, %add3A_169 : i32
        %get3A_171 = arith.index_cast %add3A_170 : i32 to index
        %get3A_172 = arith.constant 0 : index
        %get3A_173 = tpu.vector_load %arg7[%get3A_171, %get3A_172] {strides = array<i32>} : memref<72x256xf32, #tpu.memory_space<vmem>>, vector<1x16xf32>,
        %get3A_174 = vector.shape_cast %get3A_173 : vector<1x16xf32> to vector<16xf32>
        %max3A_175 = arith.maximumf %max3A_166, %get3A_174 : vector<16xf32>
        %swap3A = arith.index_cast %scan3A_99 : i32 to index
        %swap3A_176 = arith.constant 0 : index
        %swap3A_177 = tpu.vector_load %arg9[%swap3A, %swap3A_176] {strides = array<i32>} : memref<8x192xf32, #tpu.memory_space<vmem>>, vector<1x16xf32>,
        %swap3A_178 = vector.shape_cast %swap3A_177 : vector<1x16xf32> to vector<16xf32>
        %swap3A_179 = vector.shape_cast %max3A_175 : vector<16xf32> to vector<1x16xf32>
        tpu.vector_store %arg9[%swap3A, %swap3A_176], %swap3A_179 {strides = array<i32>} : memref<8x192xf32, #tpu.memory_space<vmem>>, vector<1x16xf32>,
        %mul3A_180 = arith.constant 9 : i32
        %mul3A_181 = arith.muli %scan3A_99, %mul3A_180 : i32
        %get3A_182 = arith.index_cast %mul3A_181 : i32 to index
        %get3A_183 = arith.constant 16 : index
        %get3A_184 = tpu.vector_load %arg7[%get3A_182, %get3A_183] {strides = array<i32>} : memref<72x256xf32, #tpu.memory_space<vmem>>, vector<1x16xf32>,
        %get3A_185 = vector.shape_cast %get3A_184 : vector<1x16xf32> to vector<16xf32>
        %mul3A_186 = arith.constant 9 : i32
        %mul3A_187 = arith.muli %scan3A_99, %mul3A_186 : i32
        %add3A_188 = arith.constant 1 : i32
        %add3A_189 = arith.addi %mul3A_187, %add3A_188 : i32
        %get3A_190 = arith.index_cast %add3A_189 : i32 to index
        %get3A_191 = arith.constant 16 : index
        %get3A_192 = tpu.vector_load %arg7[%get3A_190, %get3A_191] {strides = array<i32>} : memref<72x256xf32, #tpu.memory_space<vmem>>, vector<1x16xf32>,
        %get3A_193 = vector.shape_cast %get3A_192 : vector<1x16xf32> to vector<16xf32>
        %max3A_194 = arith.maximumf %get3A_185, %get3A_193 : vector<16xf32>
        %mul3A_195 = arith.constant 9 : i32
        %mul3A_196 = arith.muli %scan3A_99, %mul3A_195 : i32
        %add3A_197 = arith.constant 2 : i32
        %add3A_198 = arith.addi %mul3A_196, %add3A_197 : i32
        %get3A_199 = arith.index_cast %add3A_198 : i32 to index
        %get3A_200 = arith.constant 16 : index
        %get3A_201 = tpu.vector_load %arg7[%get3A_199, %get3A_200] {strides = array<i32>} : memref<72x256xf32, #tpu.memory_space<vmem>>, vector<1x16xf32>,
        %get3A_202 = vector.shape_cast %get3A_201 : vector<1x16xf32> to vector<16xf32>
        %max3A_203 = arith.maximumf %max3A_194, %get3A_202 : vector<16xf32>
        %mul3A_204 = arith.constant 9 : i32
        %mul3A_205 = arith.muli %scan3A_99, %mul3A_204 : i32
        %add3A_206 = arith.constant 3 : i32
        %add3A_207 = arith.addi %mul3A_205, %add3A_206 : i32
        %get3A_208 = arith.index_cast %add3A_207 : i32 to index
        %get3A_209 = arith.constant 16 : index
        %get3A_210 = tpu.vector_load %arg7[%get3A_208, %get3A_209] {strides = array<i32>} : memref<72x256xf32, #tpu.memory_space<vmem>>, vector<1x16xf32>,
        %get3A_211 = vector.shape_cast %get3A_210 : vector<1x16xf32> to vector<16xf32>
        %max3A_212 = arith.maximumf %max3A_203, %get3A_211 : vector<16xf32>
        %mul3A_213 = arith.constant 9 : i32
        %mul3A_214 = arith.muli %scan3A_99, %mul3A_213 : i32
        %add3A_215 = arith.constant 4 : i32
        %add3A_216 = arith.addi %mul3A_214, %add3A_215 : i32
        %get3A_217 = arith.index_cast %add3A_216 : i32 to index
        %get3A_218 = arith.constant 16 : index
        %get3A_219 = tpu.vector_load %arg7[%get3A_217, %get3A_218] {strides = array<i32>} : memref<72x256xf32, #tpu.memory_space<vmem>>, vector<1x16xf32>,
        %get3A_220 = vector.shape_cast %get3A_219 : vector<1x16xf32> to vector<16xf32>
        %max3A_221 = arith.maximumf %max3A_212, %get3A_220 : vector<16xf32>
        %mul3A_222 = arith.constant 9 : i32
        %mul3A_223 = arith.muli %scan3A_99, %mul3A_222 : i32
        %add3A_224 = arith.constant 5 : i32
        %add3A_225 = arith.addi %mul3A_223, %add3A_224 : i32
        %get3A_226 = arith.index_cast %add3A_225 : i32 to index
        %get3A_227 = arith.constant 16 : index
        %get3A_228 = tpu.vector_load %arg7[%get3A_226, %get3A_227] {strides = array<i32>} : memref<72x256xf32, #tpu.memory_space<vmem>>, vector<1x16xf32>,
        %get3A_229 = vector.shape_cast %get3A_228 : vector<1x16xf32> to vector<16xf32>
        %max3A_230 = arith.maximumf %max3A_221, %get3A_229 : vector<16xf32>
        %mul3A_231 = arith.constant 9 : i32
        %mul3A_232 = arith.muli %scan3A_99, %mul3A_231 : i32
        %add3A_233 = arith.constant 6 : i32
        %add3A_234 = arith.addi %mul3A_232, %add3A_233 : i32
        %get3A_235 = arith.index_cast %add3A_234 : i32 to index
        %get3A_236 = arith.constant 16 : index
        %get3A_237 = tpu.vector_load %arg7[%get3A_235, %get3A_236] {strides = array<i32>} : memref<72x256xf32, #tpu.memory_space<vmem>>, vector<1x16xf32>,
        %get3A_238 = vector.shape_cast %get3A_237 : vector<1x16xf32> to vector<16xf32>
        %max3A_239 = arith.maximumf %max3A_230, %get3A_238 : vector<16xf32>
        %mul3A_240 = arith.constant 9 : i32
        %mul3A_241 = arith.muli %scan3A_99, %mul3A_240 : i32
        %add3A_242 = arith.constant 7 : i32
        %add3A_243 = arith.addi %mul3A_241, %add3A_242 : i32
        %get3A_244 = arith.index_cast %add3A_243 : i32 to index
        %get3A_245 = arith.constant 16 : index
        %get3A_246 = tpu.vector_load %arg7[%get3A_244, %get3A_245] {strides = array<i32>} : memref<72x256xf32, #tpu.memory_space<vmem>>, vector<1x16xf32>,
        %get3A_247 = vector.shape_cast %get3A_246 : vector<1x16xf32> to vector<16xf32>
        %max3A_248 = arith.maximumf %max3A_239, %get3A_247 : vector<16xf32>
        %mul3A_249 = arith.constant 9 : i32
        %mul3A_250 = arith.muli %scan3A_99, %mul3A_249 : i32
        %add3A_251 = arith.constant 8 : i32
        %add3A_252 = arith.addi %mul3A_250, %add3A_251 : i32
        %get3A_253 = arith.index_cast %add3A_252 : i32 to index
        %get3A_254 = arith.constant 16 : index
        %get3A_255 = tpu.vector_load %arg7[%get3A_253, %get3A_254] {strides = array<i32>} : memref<72x256xf32, #tpu.memory_space<vmem>>, vector<1x16xf32>,
        %get3A_256 = vector.shape_cast %get3A_255 : vector<1x16xf32> to vector<16xf32>
        %max3A_257 = arith.maximumf %max3A_248, %get3A_256 : vector<16xf32>
        %swap3A_258 = arith.index_cast %scan3A_99 : i32 to index
        %swap3A_259 = arith.constant 16 : index
        %swap3A_260 = tpu.vector_load %arg9[%swap3A_258, %swap3A_259] {strides = array<i32>} : memref<8x192xf32, #tpu.memory_space<vmem>>, vector<1x16xf32>,
        %swap3A_261 = vector.shape_cast %swap3A_260 : vector<1x16xf32> to vector<16xf32>
        %swap3A_262 = vector.shape_cast %max3A_257 : vector<16xf32> to vector<1x16xf32>
        tpu.vector_store %arg9[%swap3A_258, %swap3A_259], %swap3A_262 {strides = array<i32>} : memref<8x192xf32, #tpu.memory_space<vmem>>, vector<1x16xf32>,
        %mul3A_263 = arith.constant 9 : i32
        %mul3A_264 = arith.muli %scan3A_99, %mul3A_263 : i32
        %get3A_265 = arith.index_cast %mul3A_264 : i32 to index
        %get3A_266 = arith.constant 32 : index
        %get3A_267 = tpu.vector_load %arg7[%get3A_265, %get3A_266] {strides = array<i32>} : memref<72x256xf32, #tpu.memory_space<vmem>>, vector<1x16xf32>,
        %get3A_268 = vector.shape_cast %get3A_267 : vector<1x16xf32> to vector<16xf32>
        %mul3A_269 = arith.constant 9 : i32
        %mul3A_270 = arith.muli %scan3A_99, %mul3A_269 : i32
        %add3A_271 = arith.constant 1 : i32
        %add3A_272 = arith.addi %mul3A_270, %add3A_271 : i32
        %get3A_273 = arith.index_cast %add3A_272 : i32 to index
        %get3A_274 = arith.constant 32 : index
        %get3A_275 = tpu.vector_load %arg7[%get3A_273, %get3A_274] {strides = array<i32>} : memref<72x256xf32, #tpu.memory_space<vmem>>, vector<1x16xf32>,
        %get3A_276 = vector.shape_cast %get3A_275 : vector<1x16xf32> to vector<16xf32>
        %max3A_277 = arith.maximumf %get3A_268, %get3A_276 : vector<16xf32>
        %mul3A_278 = arith.constant 9 : i32
        %mul3A_279 = arith.muli %scan3A_99, %mul3A_278 : i32
        %add3A_280 = arith.constant 2 : i32
        %add3A_281 = arith.addi %mul3A_279, %add3A_280 : i32
        %get3A_282 = arith.index_cast %add3A_281 : i32 to index
        %get3A_283 = arith.constant 32 : index
        %get3A_284 = tpu.vector_load %arg7[%get3A_282, %get3A_283] {strides = array<i32>} : memref<72x256xf32, #tpu.memory_space<vmem>>, vector<1x16xf32>,
        %get3A_285 = vector.shape_cast %get3A_284 : vector<1x16xf32> to vector<16xf32>
        %max3A_286 = arith.maximumf %max3A_277, %get3A_285 : vector<16xf32>
        %mul3A_287 = arith.constant 9 : i32
        %mul3A_288 = arith.muli %scan3A_99, %mul3A_287 : i32
        %add3A_289 = arith.constant 3 : i32
        %add3A_290 = arith.addi %mul3A_288, %add3A_289 : i32
        %get3A_291 = arith.index_cast %add3A_290 : i32 to index
        %get3A_292 = arith.constant 32 : index
        %get3A_293 = tpu.vector_load %arg7[%get3A_291, %get3A_292] {strides = array<i32>} : memref<72x256xf32, #tpu.memory_space<vmem>>, vector<1x16xf32>,
        %get3A_294 = vector.shape_cast %get3A_293 : vector<1x16xf32> to vector<16xf32>
        %max3A_295 = arith.maximumf %max3A_286, %get3A_294 : vector<16xf32>
        %mul3A_296 = arith.constant 9 : i32
        %mul3A_297 = arith.muli %scan3A_99, %mul3A_296 : i32
        %add3A_298 = arith.constant 4 : i32
        %add3A_299 = arith.addi %mul3A_297, %add3A_298 : i32
        %get3A_300 = arith.index_cast %add3A_299 : i32 to index
        %get3A_301 = arith.constant 32 : index
        %get3A_302 = tpu.vector_load %arg7[%get3A_300, %get3A_301] {strides = array<i32>} : memref<72x256xf32, #tpu.memory_space<vmem>>, vector<1x16xf32>,
        %get3A_303 = vector.shape_cast %get3A_302 : vector<1x16xf32> to vector<16xf32>
        %max3A_304 = arith.maximumf %max3A_295, %get3A_303 : vector<16xf32>
        %mul3A_305 = arith.constant 9 : i32
        %mul3A_306 = arith.muli %scan3A_99, %mul3A_305 : i32
        %add3A_307 = arith.constant 5 : i32
        %add3A_308 = arith.addi %mul3A_306, %add3A_307 : i32
        %get3A_309 = arith.index_cast %add3A_308 : i32 to index
        %get3A_310 = arith.constant 32 : index
        %get3A_311 = tpu.vector_load %arg7[%get3A_309, %get3A_310] {strides = array<i32>} : memref<72x256xf32, #tpu.memory_space<vmem>>, vector<1x16xf32>,
        %get3A_312 = vector.shape_cast %get3A_311 : vector<1x16xf32> to vector<16xf32>
        %max3A_313 = arith.maximumf %max3A_304, %get3A_312 : vector<16xf32>
        %mul3A_314 = arith.constant 9 : i32
        %mul3A_315 = arith.muli %scan3A_99, %mul3A_314 : i32
        %add3A_316 = arith.constant 6 : i32
        %add3A_317 = arith.addi %mul3A_315, %add3A_316 : i32
        %get3A_318 = arith.index_cast %add3A_317 : i32 to index
        %get3A_319 = arith.constant 32 : index
        %get3A_320 = tpu.vector_load %arg7[%get3A_318, %get3A_319] {strides = array<i32>} : memref<72x256xf32, #tpu.memory_space<vmem>>, vector<1x16xf32>,
        %get3A_321 = vector.shape_cast %get3A_320 : vector<1x16xf32> to vector<16xf32>
        %max3A_322 = arith.maximumf %max3A_313, %get3A_321 : vector<16xf32>
        %mul3A_323 = arith.constant 9 : i32
        %mul3A_324 = arith.muli %scan3A_99, %mul3A_323 : i32
        %add3A_325 = arith.constant 7 : i32
        %add3A_326 = arith.addi %mul3A_324, %add3A_325 : i32
        %get3A_327 = arith.index_cast %add3A_326 : i32 to index
        %get3A_328 = arith.constant 32 : index
        %get3A_329 = tpu.vector_load %arg7[%get3A_327, %get3A_328] {strides = array<i32>} : memref<72x256xf32, #tpu.memory_space<vmem>>, vector<1x16xf32>,
        %get3A_330 = vector.shape_cast %get3A_329 : vector<1x16xf32> to vector<16xf32>
        %max3A_331 = arith.maximumf %max3A_322, %get3A_330 : vector<16xf32>
        %mul3A_332 = arith.constant 9 : i32
        %mul3A_333 = arith.muli %scan3A_99, %mul3A_332 : i32
        %add3A_334 = arith.constant 8 : i32
        %add3A_335 = arith.addi %mul3A_333, %add3A_334 : i32
        %get3A_336 = arith.index_cast %add3A_335 : i32 to index
        %get3A_337 = arith.constant 32 : index
        %get3A_338 = tpu.vector_load %arg7[%get3A_336, %get3A_337] {strides = array<i32>} : memref<72x256xf32, #tpu.memory_space<vmem>>, vector<1x16xf32>,
        %get3A_339 = vector.shape_cast %get3A_338 : vector<1x16xf32> to vector<16xf32>
        %max3A_340 = arith.maximumf %max3A_331, %get3A_339 : vector<16xf32>
        %swap3A_341 = arith.index_cast %scan3A_99 : i32 to index
        %swap3A_342 = arith.constant 32 : index
        %swap3A_343 = tpu.vector_load %arg9[%swap3A_341, %swap3A_342] {strides = array<i32>} : memref<8x192xf32, #tpu.memory_space<vmem>>, vector<1x16xf32>,
        %swap3A_344 = vector.shape_cast %swap3A_343 : vector<1x16xf32> to vector<16xf32>
        %swap3A_345 = vector.shape_cast %max3A_340 : vector<16xf32> to vector<1x16xf32>
        tpu.vector_store %arg9[%swap3A_341, %swap3A_342], %swap3A_345 {strides = array<i32>} : memref<8x192xf32, #tpu.memory_space<vmem>>, vector<1x16xf32>,
        %mul3A_346 = arith.constant 9 : i32
        %mul3A_347 = arith.muli %scan3A_99, %mul3A_346 : i32
        %get3A_348 = arith.index_cast %mul3A_347 : i32 to index
        %get3A_349 = arith.constant 48 : index
        %get3A_350 = tpu.vector_load %arg7[%get3A_348, %get3A_349] {strides = array<i32>} : memref<72x256xf32, #tpu.memory_space<vmem>>, vector<1x16xf32>,
        %get3A_351 = vector.shape_cast %get3A_350 : vector<1x16xf32> to vector<16xf32>
        %mul3A_352 = arith.constant 9 : i32
        %mul3A_353 = arith.muli %scan3A_99, %mul3A_352 : i32
        %add3A_354 = arith.constant 1 : i32
        %add3A_355 = arith.addi %mul3A_353, %add3A_354 : i32
        %get3A_356 = arith.index_cast %add3A_355 : i32 to index
        %get3A_357 = arith.constant 48 : index
        %get3A_358 = tpu.vector_load %arg7[%get3A_356, %get3A_357] {strides = array<i32>} : memref<72x256xf32, #tpu.memory_space<vmem>>, vector<1x16xf32>,
        %get3A_359 = vector.shape_cast %get3A_358 : vector<1x16xf32> to vector<16xf32>
        %max3A_360 = arith.maximumf %get3A_351, %get3A_359 : vector<16xf32>
        %mul3A_361 = arith.constant 9 : i32
        %mul3A_362 = arith.muli %scan3A_99, %mul3A_361 : i32
        %add3A_363 = arith.constant 2 : i32
        %add3A_364 = arith.addi %mul3A_362, %add3A_363 : i32
        %get3A_365 = arith.index_cast %add3A_364 : i32 to index
        %get3A_366 = arith.constant 48 : index
        %get3A_367 = tpu.vector_load %arg7[%get3A_365, %get3A_366] {strides = array<i32>} : memref<72x256xf32, #tpu.memory_space<vmem>>, vector<1x16xf32>,
        %get3A_368 = vector.shape_cast %get3A_367 : vector<1x16xf32> to vector<16xf32>
        %max3A_369 = arith.maximumf %max3A_360, %get3A_368 : vector<16xf32>
        %mul3A_370 = arith.constant 9 : i32
        %mul3A_371 = arith.muli %scan3A_99, %mul3A_370 : i32
        %add3A_372 = arith.constant 3 : i32
        %add3A_373 = arith.addi %mul3A_371, %add3A_372 : i32
        %get3A_374 = arith.index_cast %add3A_373 : i32 to index
        %get3A_375 = arith.constant 48 : index
        %get3A_376 = tpu.vector_load %arg7[%get3A_374, %get3A_375] {strides = array<i32>} : memref<72x256xf32, #tpu.memory_space<vmem>>, vector<1x16xf32>,
        %get3A_377 = vector.shape_cast %get3A_376 : vector<1x16xf32> to vector<16xf32>
        %max3A_378 = arith.maximumf %max3A_369, %get3A_377 : vector<16xf32>
        %mul3A_379 = arith.constant 9 : i32
        %mul3A_380 = arith.muli %scan3A_99, %mul3A_379 : i32
        %add3A_381 = arith.constant 4 : i32
        %add3A_382 = arith.addi %mul3A_380, %add3A_381 : i32
        %get3A_383 = arith.index_cast %add3A_382 : i32 to index
        %get3A_384 = arith.constant 48 : index
        %get3A_385 = tpu.vector_load %arg7[%get3A_383, %get3A_384] {strides = array<i32>} : memref<72x256xf32, #tpu.memory_space<vmem>>, vector<1x16xf32>,
        %get3A_386 = vector.shape_cast %get3A_385 : vector<1x16xf32> to vector<16xf32>
        %max3A_387 = arith.maximumf %max3A_378, %get3A_386 : vector<16xf32>
        %mul3A_388 = arith.constant 9 : i32
        %mul3A_389 = arith.muli %scan3A_99, %mul3A_388 : i32
        %add3A_390 = arith.constant 5 : i32
        %add3A_391 = arith.addi %mul3A_389, %add3A_390 : i32
        %get3A_392 = arith.index_cast %add3A_391 : i32 to index
        %get3A_393 = arith.constant 48 : index
        %get3A_394 = tpu.vector_load %arg7[%get3A_392, %get3A_393] {strides = array<i32>} : memref<72x256xf32, #tpu.memory_space<vmem>>, vector<1x16xf32>,
        %get3A_395 = vector.shape_cast %get3A_394 : vector<1x16xf32> to vector<16xf32>
        %max3A_396 = arith.maximumf %max3A_387, %get3A_395 : vector<16xf32>
        %mul3A_397 = arith.constant 9 : i32
        %mul3A_398 = arith.muli %scan3A_99, %mul3A_397 : i32
        %add3A_399 = arith.constant 6 : i32
        %add3A_400 = arith.addi %mul3A_398, %add3A_399 : i32
        %get3A_401 = arith.index_cast %add3A_400 : i32 to index
        %get3A_402 = arith.constant 48 : index
        %get3A_403 = tpu.vector_load %arg7[%get3A_401, %get3A_402] {strides = array<i32>} : memref<72x256xf32, #tpu.memory_space<vmem>>, vector<1x16xf32>,
        %get3A_404 = vector.shape_cast %get3A_403 : vector<1x16xf32> to vector<16xf32>
        %max3A_405 = arith.maximumf %max3A_396, %get3A_404 : vector<16xf32>
        %mul3A_406 = arith.constant 9 : i32
        %mul3A_407 = arith.muli %scan3A_99, %mul3A_406 : i32
        %add3A_408 = arith.constant 7 : i32
        %add3A_409 = arith.addi %mul3A_407, %add3A_408 : i32
        %get3A_410 = arith.index_cast %add3A_409 : i32 to index
        %get3A_411 = arith.constant 48 : index
        %get3A_412 = tpu.vector_load %arg7[%get3A_410, %get3A_411] {strides = array<i32>} : memref<72x256xf32, #tpu.memory_space<vmem>>, vector<1x16xf32>,
        %get3A_413 = vector.shape_cast %get3A_412 : vector<1x16xf32> to vector<16xf32>
        %max3A_414 = arith.maximumf %max3A_405, %get3A_413 : vector<16xf32>
        %mul3A_415 = arith.constant 9 : i32
        %mul3A_416 = arith.muli %scan3A_99, %mul3A_415 : i32
        %add3A_417 = arith.constant 8 : i32
        %add3A_418 = arith.addi %mul3A_416, %add3A_417 : i32
        %get3A_419 = arith.index_cast %add3A_418 : i32 to index
        %get3A_420 = arith.constant 48 : index
        %get3A_421 = tpu.vector_load %arg7[%get3A_419, %get3A_420] {strides = array<i32>} : memref<72x256xf32, #tpu.memory_space<vmem>>, vector<1x16xf32>,
        %get3A_422 = vector.shape_cast %get3A_421 : vector<1x16xf32> to vector<16xf32>
        %max3A_423 = arith.maximumf %max3A_414, %get3A_422 : vector<16xf32>
        %swap3A_424 = arith.index_cast %scan3A_99 : i32 to index
        %swap3A_425 = arith.constant 48 : index
        %swap3A_426 = tpu.vector_load %arg9[%swap3A_424, %swap3A_425] {strides = array<i32>} : memref<8x192xf32, #tpu.memory_space<vmem>>, vector<1x16xf32>,
        %swap3A_427 = vector.shape_cast %swap3A_426 : vector<1x16xf32> to vector<16xf32>
        %swap3A_428 = vector.shape_cast %max3A_423 : vector<16xf32> to vector<1x16xf32>
        tpu.vector_store %arg9[%swap3A_424, %swap3A_425], %swap3A_428 {strides = array<i32>} : memref<8x192xf32, #tpu.memory_space<vmem>>, vector<1x16xf32>,
        %mul3A_429 = arith.constant 9 : i32
        %mul3A_430 = arith.muli %scan3A_99, %mul3A_429 : i32
        %get3A_431 = arith.index_cast %mul3A_430 : i32 to index
        %get3A_432 = arith.constant 64 : index
        %get3A_433 = tpu.vector_load %arg7[%get3A_431, %get3A_432] {strides = array<i32>} : memref<72x256xf32, #tpu.memory_space<vmem>>, vector<1x16xf32>,
        %get3A_434 = vector.shape_cast %get3A_433 : vector<1x16xf32> to vector<16xf32>
        %mul3A_435 = arith.constant 9 : i32
        %mul3A_436 = arith.muli %scan3A_99, %mul3A_435 : i32
        %add3A_437 = arith.constant 1 : i32
        %add3A_438 = arith.addi %mul3A_436, %add3A_437 : i32
        %get3A_439 = arith.index_cast %add3A_438 : i32 to index
        %get3A_440 = arith.constant 64 : index
        %get3A_441 = tpu.vector_load %arg7[%get3A_439, %get3A_440] {strides = array<i32>} : memref<72x256xf32, #tpu.memory_space<vmem>>, vector<1x16xf32>,
        %get3A_442 = vector.shape_cast %get3A_441 : vector<1x16xf32> to vector<16xf32>
        %max3A_443 = arith.maximumf %get3A_434, %get3A_442 : vector<16xf32>
        %mul3A_444 = arith.constant 9 : i32
        %mul3A_445 = arith.muli %scan3A_99, %mul3A_444 : i32
        %add3A_446 = arith.constant 2 : i32
        %add3A_447 = arith.addi %mul3A_445, %add3A_446 : i32
        %get3A_448 = arith.index_cast %add3A_447 : i32 to index
        %get3A_449 = arith.constant 64 : index
        %get3A_450 = tpu.vector_load %arg7[%get3A_448, %get3A_449] {strides = array<i32>} : memref<72x256xf32, #tpu.memory_space<vmem>>, vector<1x16xf32>,
        %get3A_451 = vector.shape_cast %get3A_450 : vector<1x16xf32> to vector<16xf32>
        %max3A_452 = arith.maximumf %max3A_443, %get3A_451 : vector<16xf32>
        %mul3A_453 = arith.constant 9 : i32
        %mul3A_454 = arith.muli %scan3A_99, %mul3A_453 : i32
        %add3A_455 = arith.constant 3 : i32
        %add3A_456 = arith.addi %mul3A_454, %add3A_455 : i32
        %get3A_457 = arith.index_cast %add3A_456 : i32 to index
        %get3A_458 = arith.constant 64 : index
        %get3A_459 = tpu.vector_load %arg7[%get3A_457, %get3A_458] {strides = array<i32>} : memref<72x256xf32, #tpu.memory_space<vmem>>, vector<1x16xf32>,
        %get3A_460 = vector.shape_cast %get3A_459 : vector<1x16xf32> to vector<16xf32>
        %max3A_461 = arith.maximumf %max3A_452, %get3A_460 : vector<16xf32>
        %mul3A_462 = arith.constant 9 : i32
        %mul3A_463 = arith.muli %scan3A_99, %mul3A_462 : i32
        %add3A_464 = arith.constant 4 : i32
        %add3A_465 = arith.addi %mul3A_463, %add3A_464 : i32
        %get3A_466 = arith.index_cast %add3A_465 : i32 to index
        %get3A_467 = arith.constant 64 : index
        %get3A_468 = tpu.vector_load %arg7[%get3A_466, %get3A_467] {strides = array<i32>} : memref<72x256xf32, #tpu.memory_space<vmem>>, vector<1x16xf32>,
        %get3A_469 = vector.shape_cast %get3A_468 : vector<1x16xf32> to vector<16xf32>
        %max3A_470 = arith.maximumf %max3A_461, %get3A_469 : vector<16xf32>
        %mul3A_471 = arith.constant 9 : i32
        %mul3A_472 = arith.muli %scan3A_99, %mul3A_471 : i32
        %add3A_473 = arith.constant 5 : i32
        %add3A_474 = arith.addi %mul3A_472, %add3A_473 : i32
        %get3A_475 = arith.index_cast %add3A_474 : i32 to index
        %get3A_476 = arith.constant 64 : index
        %get3A_477 = tpu.vector_load %arg7[%get3A_475, %get3A_476] {strides = array<i32>} : memref<72x256xf32, #tpu.memory_space<vmem>>, vector<1x16xf32>,
        %get3A_478 = vector.shape_cast %get3A_477 : vector<1x16xf32> to vector<16xf32>
        %max3A_479 = arith.maximumf %max3A_470, %get3A_478 : vector<16xf32>
        %mul3A_480 = arith.constant 9 : i32
        %mul3A_481 = arith.muli %scan3A_99, %mul3A_480 : i32
        %add3A_482 = arith.constant 6 : i32
        %add3A_483 = arith.addi %mul3A_481, %add3A_482 : i32
        %get3A_484 = arith.index_cast %add3A_483 : i32 to index
        %get3A_485 = arith.constant 64 : index
        %get3A_486 = tpu.vector_load %arg7[%get3A_484, %get3A_485] {strides = array<i32>} : memref<72x256xf32, #tpu.memory_space<vmem>>, vector<1x16xf32>,
        %get3A_487 = vector.shape_cast %get3A_486 : vector<1x16xf32> to vector<16xf32>
        %max3A_488 = arith.maximumf %max3A_479, %get3A_487 : vector<16xf32>
        %mul3A_489 = arith.constant 9 : i32
        %mul3A_490 = arith.muli %scan3A_99, %mul3A_489 : i32
        %add3A_491 = arith.constant 7 : i32
        %add3A_492 = arith.addi %mul3A_490, %add3A_491 : i32
        %get3A_493 = arith.index_cast %add3A_492 : i32 to index
        %get3A_494 = arith.constant 64 : index
        %get3A_495 = tpu.vector_load %arg7[%get3A_493, %get3A_494] {strides = array<i32>} : memref<72x256xf32, #tpu.memory_space<vmem>>, vector<1x16xf32>,
        %get3A_496 = vector.shape_cast %get3A_495 : vector<1x16xf32> to vector<16xf32>
        %max3A_497 = arith.maximumf %max3A_488, %get3A_496 : vector<16xf32>
        %mul3A_498 = arith.constant 9 : i32
        %mul3A_499 = arith.muli %scan3A_99, %mul3A_498 : i32
        %add3A_500 = arith.constant 8 : i32
        %add3A_501 = arith.addi %mul3A_499, %add3A_500 : i32
        %get3A_502 = arith.index_cast %add3A_501 : i32 to index
        %get3A_503 = arith.constant 64 : index
        %get3A_504 = tpu.vector_load %arg7[%get3A_502, %get3A_503] {strides = array<i32>} : memref<72x256xf32, #tpu.memory_space<vmem>>, vector<1x16xf32>,
        %get3A_505 = vector.shape_cast %get3A_504 : vector<1x16xf32> to vector<16xf32>
        %max3A_506 = arith.maximumf %max3A_497, %get3A_505 : vector<16xf32>
        %swap3A_507 = arith.index_cast %scan3A_99 : i32 to index
        %swap3A_508 = arith.constant 64 : index
        %swap3A_509 = tpu.vector_load %arg9[%swap3A_507, %swap3A_508] {strides = array<i32>} : memref<8x192xf32, #tpu.memory_space<vmem>>, vector<1x16xf32>,
        %swap3A_510 = vector.shape_cast %swap3A_509 : vector<1x16xf32> to vector<16xf32>
        %swap3A_511 = vector.shape_cast %max3A_506 : vector<16xf32> to vector<1x16xf32>
        tpu.vector_store %arg9[%swap3A_507, %swap3A_508], %swap3A_511 {strides = array<i32>} : memref<8x192xf32, #tpu.memory_space<vmem>>, vector<1x16xf32>,
        %mul3A_512 = arith.constant 9 : i32
        %mul3A_513 = arith.muli %scan3A_99, %mul3A_512 : i32
        %get3A_514 = arith.index_cast %mul3A_513 : i32 to index
        %get3A_515 = arith.constant 80 : index
        %get3A_516 = tpu.vector_load %arg7[%get3A_514, %get3A_515] {strides = array<i32>} : memref<72x256xf32, #tpu.memory_space<vmem>>, vector<1x16xf32>,
        %get3A_517 = vector.shape_cast %get3A_516 : vector<1x16xf32> to vector<16xf32>
        %mul3A_518 = arith.constant 9 : i32
        %mul3A_519 = arith.muli %scan3A_99, %mul3A_518 : i32
        %add3A_520 = arith.constant 1 : i32
        %add3A_521 = arith.addi %mul3A_519, %add3A_520 : i32
        %get3A_522 = arith.index_cast %add3A_521 : i32 to index
        %get3A_523 = arith.constant 80 : index
        %get3A_524 = tpu.vector_load %arg7[%get3A_522, %get3A_523] {strides = array<i32>} : memref<72x256xf32, #tpu.memory_space<vmem>>, vector<1x16xf32>,
        %get3A_525 = vector.shape_cast %get3A_524 : vector<1x16xf32> to vector<16xf32>
        %max3A_526 = arith.maximumf %get3A_517, %get3A_525 : vector<16xf32>
        %mul3A_527 = arith.constant 9 : i32
        %mul3A_528 = arith.muli %scan3A_99, %mul3A_527 : i32
        %add3A_529 = arith.constant 2 : i32
        %add3A_530 = arith.addi %mul3A_528, %add3A_529 : i32
        %get3A_531 = arith.index_cast %add3A_530 : i32 to index
        %get3A_532 = arith.constant 80 : index
        %get3A_533 = tpu.vector_load %arg7[%get3A_531, %get3A_532] {strides = array<i32>} : memref<72x256xf32, #tpu.memory_space<vmem>>, vector<1x16xf32>,
        %get3A_534 = vector.shape_cast %get3A_533 : vector<1x16xf32> to vector<16xf32>
        %max3A_535 = arith.maximumf %max3A_526, %get3A_534 : vector<16xf32>
        %mul3A_536 = arith.constant 9 : i32
        %mul3A_537 = arith.muli %scan3A_99, %mul3A_536 : i32
        %add3A_538 = arith.constant 3 : i32
        %add3A_539 = arith.addi %mul3A_537, %add3A_538 : i32
        %get3A_540 = arith.index_cast %add3A_539 : i32 to index
        %get3A_541 = arith.constant 80 : index
        %get3A_542 = tpu.vector_load %arg7[%get3A_540, %get3A_541] {strides = array<i32>} : memref<72x256xf32, #tpu.memory_space<vmem>>, vector<1x16xf32>,
        %get3A_543 = vector.shape_cast %get3A_542 : vector<1x16xf32> to vector<16xf32>
        %max3A_544 = arith.maximumf %max3A_535, %get3A_543 : vector<16xf32>
        %mul3A_545 = arith.constant 9 : i32
        %mul3A_546 = arith.muli %scan3A_99, %mul3A_545 : i32
        %add3A_547 = arith.constant 4 : i32
        %add3A_548 = arith.addi %mul3A_546, %add3A_547 : i32
        %get3A_549 = arith.index_cast %add3A_548 : i32 to index
        %get3A_550 = arith.constant 80 : index
        %get3A_551 = tpu.vector_load %arg7[%get3A_549, %get3A_550] {strides = array<i32>} : memref<72x256xf32, #tpu.memory_space<vmem>>, vector<1x16xf32>,
        %get3A_552 = vector.shape_cast %get3A_551 : vector<1x16xf32> to vector<16xf32>
        %max3A_553 = arith.maximumf %max3A_544, %get3A_552 : vector<16xf32>
        %mul3A_554 = arith.constant 9 : i32
        %mul3A_555 = arith.muli %scan3A_99, %mul3A_554 : i32
        %add3A_556 = arith.constant 5 : i32
        %add3A_557 = arith.addi %mul3A_555, %add3A_556 : i32
        %get3A_558 = arith.index_cast %add3A_557 : i32 to index
        %get3A_559 = arith.constant 80 : index
        %get3A_560 = tpu.vector_load %arg7[%get3A_558, %get3A_559] {strides = array<i32>} : memref<72x256xf32, #tpu.memory_space<vmem>>, vector<1x16xf32>,
        %get3A_561 = vector.shape_cast %get3A_560 : vector<1x16xf32> to vector<16xf32>
        %max3A_562 = arith.maximumf %max3A_553, %get3A_561 : vector<16xf32>
        %mul3A_563 = arith.constant 9 : i32
        %mul3A_564 = arith.muli %scan3A_99, %mul3A_563 : i32
        %add3A_565 = arith.constant 6 : i32
        %add3A_566 = arith.addi %mul3A_564, %add3A_565 : i32
        %get3A_567 = arith.index_cast %add3A_566 : i32 to index
        %get3A_568 = arith.constant 80 : index
        %get3A_569 = tpu.vector_load %arg7[%get3A_567, %get3A_568] {strides = array<i32>} : memref<72x256xf32, #tpu.memory_space<vmem>>, vector<1x16xf32>,
        %get3A_570 = vector.shape_cast %get3A_569 : vector<1x16xf32> to vector<16xf32>
        %max3A_571 = arith.maximumf %max3A_562, %get3A_570 : vector<16xf32>
        %mul3A_572 = arith.constant 9 : i32
        %mul3A_573 = arith.muli %scan3A_99, %mul3A_572 : i32
        %add3A_574 = arith.constant 7 : i32
        %add3A_575 = arith.addi %mul3A_573, %add3A_574 : i32
        %get3A_576 = arith.index_cast %add3A_575 : i32 to index
        %get3A_577 = arith.constant 80 : index
        %get3A_578 = tpu.vector_load %arg7[%get3A_576, %get3A_577] {strides = array<i32>} : memref<72x256xf32, #tpu.memory_space<vmem>>, vector<1x16xf32>,
        %get3A_579 = vector.shape_cast %get3A_578 : vector<1x16xf32> to vector<16xf32>
        %max3A_580 = arith.maximumf %max3A_571, %get3A_579 : vector<16xf32>
        %mul3A_581 = arith.constant 9 : i32
        %mul3A_582 = arith.muli %scan3A_99, %mul3A_581 : i32
        %add3A_583 = arith.constant 8 : i32
        %add3A_584 = arith.addi %mul3A_582, %add3A_583 : i32
        %get3A_585 = arith.index_cast %add3A_584 : i32 to index
        %get3A_586 = arith.constant 80 : index
        %get3A_587 = tpu.vector_load %arg7[%get3A_585, %get3A_586] {strides = array<i32>} : memref<72x256xf32, #tpu.memory_space<vmem>>, vector<1x16xf32>,
        %get3A_588 = vector.shape_cast %get3A_587 : vector<1x16xf32> to vector<16xf32>
        %max3A_589 = arith.maximumf %max3A_580, %get3A_588 : vector<16xf32>
        %swap3A_590 = arith.index_cast %scan3A_99 : i32 to index
        %swap3A_591 = arith.constant 80 : index
        %swap3A_592 = tpu.vector_load %arg9[%swap3A_590, %swap3A_591] {strides = array<i32>} : memref<8x192xf32, #tpu.memory_space<vmem>>, vector<1x16xf32>,
        %swap3A_593 = vector.shape_cast %swap3A_592 : vector<1x16xf32> to vector<16xf32>
        %swap3A_594 = vector.shape_cast %max3A_589 : vector<16xf32> to vector<1x16xf32>
        tpu.vector_store %arg9[%swap3A_590, %swap3A_591], %swap3A_594 {strides = array<i32>} : memref<8x192xf32, #tpu.memory_space<vmem>>, vector<1x16xf32>,
        %mul3A_595 = arith.constant 9 : i32
        %mul3A_596 = arith.muli %scan3A_99, %mul3A_595 : i32
        %get3A_597 = arith.index_cast %mul3A_596 : i32 to index
        %get3A_598 = arith.constant 96 : index
        %get3A_599 = tpu.vector_load %arg7[%get3A_597, %get3A_598] {strides = array<i32>} : memref<72x256xf32, #tpu.memory_space<vmem>>, vector<1x16xf32>,
        %get3A_600 = vector.shape_cast %get3A_599 : vector<1x16xf32> to vector<16xf32>
        %mul3A_601 = arith.constant 9 : i32
        %mul3A_602 = arith.muli %scan3A_99, %mul3A_601 : i32
        %add3A_603 = arith.constant 1 : i32
        %add3A_604 = arith.addi %mul3A_602, %add3A_603 : i32
        %get3A_605 = arith.index_cast %add3A_604 : i32 to index
        %get3A_606 = arith.constant 96 : index
        %get3A_607 = tpu.vector_load %arg7[%get3A_605, %get3A_606] {strides = array<i32>} : memref<72x256xf32, #tpu.memory_space<vmem>>, vector<1x16xf32>,
        %get3A_608 = vector.shape_cast %get3A_607 : vector<1x16xf32> to vector<16xf32>
        %max3A_609 = arith.maximumf %get3A_600, %get3A_608 : vector<16xf32>
        %mul3A_610 = arith.constant 9 : i32
        %mul3A_611 = arith.muli %scan3A_99, %mul3A_610 : i32
        %add3A_612 = arith.constant 2 : i32
        %add3A_613 = arith.addi %mul3A_611, %add3A_612 : i32
        %get3A_614 = arith.index_cast %add3A_613 : i32 to index
        %get3A_615 = arith.constant 96 : index
        %get3A_616 = tpu.vector_load %arg7[%get3A_614, %get3A_615] {strides = array<i32>} : memref<72x256xf32, #tpu.memory_space<vmem>>, vector<1x16xf32>,
        %get3A_617 = vector.shape_cast %get3A_616 : vector<1x16xf32> to vector<16xf32>
        %max3A_618 = arith.maximumf %max3A_609, %get3A_617 : vector<16xf32>
        %mul3A_619 = arith.constant 9 : i32
        %mul3A_620 = arith.muli %scan3A_99, %mul3A_619 : i32
        %add3A_621 = arith.constant 3 : i32
        %add3A_622 = arith.addi %mul3A_620, %add3A_621 : i32
        %get3A_623 = arith.index_cast %add3A_622 : i32 to index
        %get3A_624 = arith.constant 96 : index
        %get3A_625 = tpu.vector_load %arg7[%get3A_623, %get3A_624] {strides = array<i32>} : memref<72x256xf32, #tpu.memory_space<vmem>>, vector<1x16xf32>,
        %get3A_626 = vector.shape_cast %get3A_625 : vector<1x16xf32> to vector<16xf32>
        %max3A_627 = arith.maximumf %max3A_618, %get3A_626 : vector<16xf32>
        %mul3A_628 = arith.constant 9 : i32
        %mul3A_629 = arith.muli %scan3A_99, %mul3A_628 : i32
        %add3A_630 = arith.constant 4 : i32
        %add3A_631 = arith.addi %mul3A_629, %add3A_630 : i32
        %get3A_632 = arith.index_cast %add3A_631 : i32 to index
        %get3A_633 = arith.constant 96 : index
        %get3A_634 = tpu.vector_load %arg7[%get3A_632, %get3A_633] {strides = array<i32>} : memref<72x256xf32, #tpu.memory_space<vmem>>, vector<1x16xf32>,
        %get3A_635 = vector.shape_cast %get3A_634 : vector<1x16xf32> to vector<16xf32>
        %max3A_636 = arith.maximumf %max3A_627, %get3A_635 : vector<16xf32>
        %mul3A_637 = arith.constant 9 : i32
        %mul3A_638 = arith.muli %scan3A_99, %mul3A_637 : i32
        %add3A_639 = arith.constant 5 : i32
        %add3A_640 = arith.addi %mul3A_638, %add3A_639 : i32
        %get3A_641 = arith.index_cast %add3A_640 : i32 to index
        %get3A_642 = arith.constant 96 : index
        %get3A_643 = tpu.vector_load %arg7[%get3A_641, %get3A_642] {strides = array<i32>} : memref<72x256xf32, #tpu.memory_space<vmem>>, vector<1x16xf32>,
        %get3A_644 = vector.shape_cast %get3A_643 : vector<1x16xf32> to vector<16xf32>
        %max3A_645 = arith.maximumf %max3A_636, %get3A_644 : vector<16xf32>
        %mul3A_646 = arith.constant 9 : i32
        %mul3A_647 = arith.muli %scan3A_99, %mul3A_646 : i32
        %add3A_648 = arith.constant 6 : i32
        %add3A_649 = arith.addi %mul3A_647, %add3A_648 : i32
        %get3A_650 = arith.index_cast %add3A_649 : i32 to index
        %get3A_651 = arith.constant 96 : index
        %get3A_652 = tpu.vector_load %arg7[%get3A_650, %get3A_651] {strides = array<i32>} : memref<72x256xf32, #tpu.memory_space<vmem>>, vector<1x16xf32>,
        %get3A_653 = vector.shape_cast %get3A_652 : vector<1x16xf32> to vector<16xf32>
        %max3A_654 = arith.maximumf %max3A_645, %get3A_653 : vector<16xf32>
        %mul3A_655 = arith.constant 9 : i32
        %mul3A_656 = arith.muli %scan3A_99, %mul3A_655 : i32
        %add3A_657 = arith.constant 7 : i32
        %add3A_658 = arith.addi %mul3A_656, %add3A_657 : i32
        %get3A_659 = arith.index_cast %add3A_658 : i32 to index
        %get3A_660 = arith.constant 96 : index
        %get3A_661 = tpu.vector_load %arg7[%get3A_659, %get3A_660] {strides = array<i32>} : memref<72x256xf32, #tpu.memory_space<vmem>>, vector<1x16xf32>,
        %get3A_662 = vector.shape_cast %get3A_661 : vector<1x16xf32> to vector<16xf32>
        %max3A_663 = arith.maximumf %max3A_654, %get3A_662 : vector<16xf32>
        %mul3A_664 = arith.constant 9 : i32
        %mul3A_665 = arith.muli %scan3A_99, %mul3A_664 : i32
        %add3A_666 = arith.constant 8 : i32
        %add3A_667 = arith.addi %mul3A_665, %add3A_666 : i32
        %get3A_668 = arith.index_cast %add3A_667 : i32 to index
        %get3A_669 = arith.constant 96 : index
        %get3A_670 = tpu.vector_load %arg7[%get3A_668, %get3A_669] {strides = array<i32>} : memref<72x256xf32, #tpu.memory_space<vmem>>, vector<1x16xf32>,
        %get3A_671 = vector.shape_cast %get3A_670 : vector<1x16xf32> to vector<16xf32>
        %max3A_672 = arith.maximumf %max3A_663, %get3A_671 : vector<16xf32>
        %swap3A_673 = arith.index_cast %scan3A_99 : i32 to index
        %swap3A_674 = arith.constant 96 : index
        %swap3A_675 = tpu.vector_load %arg9[%swap3A_673, %swap3A_674] {strides = array<i32>} : memref<8x192xf32, #tpu.memory_space<vmem>>, vector<1x16xf32>,
        %swap3A_676 = vector.shape_cast %swap3A_675 : vector<1x16xf32> to vector<16xf32>
        %swap3A_677 = vector.shape_cast %max3A_672 : vector<16xf32> to vector<1x16xf32>
        tpu.vector_store %arg9[%swap3A_673, %swap3A_674], %swap3A_677 {strides = array<i32>} : memref<8x192xf32, #tpu.memory_space<vmem>>, vector<1x16xf32>,
        %mul3A_678 = arith.constant 9 : i32
        %mul3A_679 = arith.muli %scan3A_99, %mul3A_678 : i32
        %get3A_680 = arith.index_cast %mul3A_679 : i32 to index
        %get3A_681 = arith.constant 112 : index
        %get3A_682 = tpu.vector_load %arg7[%get3A_680, %get3A_681] {strides = array<i32>} : memref<72x256xf32, #tpu.memory_space<vmem>>, vector<1x16xf32>,
        %get3A_683 = vector.shape_cast %get3A_682 : vector<1x16xf32> to vector<16xf32>
        %mul3A_684 = arith.constant 9 : i32
        %mul3A_685 = arith.muli %scan3A_99, %mul3A_684 : i32
        %add3A_686 = arith.constant 1 : i32
        %add3A_687 = arith.addi %mul3A_685, %add3A_686 : i32
        %get3A_688 = arith.index_cast %add3A_687 : i32 to index
        %get3A_689 = arith.constant 112 : index
        %get3A_690 = tpu.vector_load %arg7[%get3A_688, %get3A_689] {strides = array<i32>} : memref<72x256xf32, #tpu.memory_space<vmem>>, vector<1x16xf32>,
        %get3A_691 = vector.shape_cast %get3A_690 : vector<1x16xf32> to vector<16xf32>
        %max3A_692 = arith.maximumf %get3A_683, %get3A_691 : vector<16xf32>
        %mul3A_693 = arith.constant 9 : i32
        %mul3A_694 = arith.muli %scan3A_99, %mul3A_693 : i32
        %add3A_695 = arith.constant 2 : i32
        %add3A_696 = arith.addi %mul3A_694, %add3A_695 : i32
        %get3A_697 = arith.index_cast %add3A_696 : i32 to index
        %get3A_698 = arith.constant 112 : index
        %get3A_699 = tpu.vector_load %arg7[%get3A_697, %get3A_698] {strides = array<i32>} : memref<72x256xf32, #tpu.memory_space<vmem>>, vector<1x16xf32>,
        %get3A_700 = vector.shape_cast %get3A_699 : vector<1x16xf32> to vector<16xf32>
        %max3A_701 = arith.maximumf %max3A_692, %get3A_700 : vector<16xf32>
        %mul3A_702 = arith.constant 9 : i32
        %mul3A_703 = arith.muli %scan3A_99, %mul3A_702 : i32
        %add3A_704 = arith.constant 3 : i32
        %add3A_705 = arith.addi %mul3A_703, %add3A_704 : i32
        %get3A_706 = arith.index_cast %add3A_705 : i32 to index
        %get3A_707 = arith.constant 112 : index
        %get3A_708 = tpu.vector_load %arg7[%get3A_706, %get3A_707] {strides = array<i32>} : memref<72x256xf32, #tpu.memory_space<vmem>>, vector<1x16xf32>,
        %get3A_709 = vector.shape_cast %get3A_708 : vector<1x16xf32> to vector<16xf32>
        %max3A_710 = arith.maximumf %max3A_701, %get3A_709 : vector<16xf32>
        %mul3A_711 = arith.constant 9 : i32
        %mul3A_712 = arith.muli %scan3A_99, %mul3A_711 : i32
        %add3A_713 = arith.constant 4 : i32
        %add3A_714 = arith.addi %mul3A_712, %add3A_713 : i32
        %get3A_715 = arith.index_cast %add3A_714 : i32 to index
        %get3A_716 = arith.constant 112 : index
        %get3A_717 = tpu.vector_load %arg7[%get3A_715, %get3A_716] {strides = array<i32>} : memref<72x256xf32, #tpu.memory_space<vmem>>, vector<1x16xf32>,
        %get3A_718 = vector.shape_cast %get3A_717 : vector<1x16xf32> to vector<16xf32>
        %max3A_719 = arith.maximumf %max3A_710, %get3A_718 : vector<16xf32>
        %mul3A_720 = arith.constant 9 : i32
        %mul3A_721 = arith.muli %scan3A_99, %mul3A_720 : i32
        %add3A_722 = arith.constant 5 : i32
        %add3A_723 = arith.addi %mul3A_721, %add3A_722 : i32
        %get3A_724 = arith.index_cast %add3A_723 : i32 to index
        %get3A_725 = arith.constant 112 : index
        %get3A_726 = tpu.vector_load %arg7[%get3A_724, %get3A_725] {strides = array<i32>} : memref<72x256xf32, #tpu.memory_space<vmem>>, vector<1x16xf32>,
        %get3A_727 = vector.shape_cast %get3A_726 : vector<1x16xf32> to vector<16xf32>
        %max3A_728 = arith.maximumf %max3A_719, %get3A_727 : vector<16xf32>
        %mul3A_729 = arith.constant 9 : i32
        %mul3A_730 = arith.muli %scan3A_99, %mul3A_729 : i32
        %add3A_731 = arith.constant 6 : i32
        %add3A_732 = arith.addi %mul3A_730, %add3A_731 : i32
        %get3A_733 = arith.index_cast %add3A_732 : i32 to index
        %get3A_734 = arith.constant 112 : index
        %get3A_735 = tpu.vector_load %arg7[%get3A_733, %get3A_734] {strides = array<i32>} : memref<72x256xf32, #tpu.memory_space<vmem>>, vector<1x16xf32>,
        %get3A_736 = vector.shape_cast %get3A_735 : vector<1x16xf32> to vector<16xf32>
        %max3A_737 = arith.maximumf %max3A_728, %get3A_736 : vector<16xf32>
        %mul3A_738 = arith.constant 9 : i32
        %mul3A_739 = arith.muli %scan3A_99, %mul3A_738 : i32
        %add3A_740 = arith.constant 7 : i32
        %add3A_741 = arith.addi %mul3A_739, %add3A_740 : i32
        %get3A_742 = arith.index_cast %add3A_741 : i32 to index
        %get3A_743 = arith.constant 112 : index
        %get3A_744 = tpu.vector_load %arg7[%get3A_742, %get3A_743] {strides = array<i32>} : memref<72x256xf32, #tpu.memory_space<vmem>>, vector<1x16xf32>,
        %get3A_745 = vector.shape_cast %get3A_744 : vector<1x16xf32> to vector<16xf32>
        %max3A_746 = arith.maximumf %max3A_737, %get3A_745 : vector<16xf32>
        %mul3A_747 = arith.constant 9 : i32
        %mul3A_748 = arith.muli %scan3A_99, %mul3A_747 : i32
        %add3A_749 = arith.constant 8 : i32
        %add3A_750 = arith.addi %mul3A_748, %add3A_749 : i32
        %get3A_751 = arith.index_cast %add3A_750 : i32 to index
        %get3A_752 = arith.constant 112 : index
        %get3A_753 = tpu.vector_load %arg7[%get3A_751, %get3A_752] {strides = array<i32>} : memref<72x256xf32, #tpu.memory_space<vmem>>, vector<1x16xf32>,
        %get3A_754 = vector.shape_cast %get3A_753 : vector<1x16xf32> to vector<16xf32>
        %max3A_755 = arith.maximumf %max3A_746, %get3A_754 : vector<16xf32>
        %swap3A_756 = arith.index_cast %scan3A_99 : i32 to index
        %swap3A_757 = arith.constant 112 : index
        %swap3A_758 = tpu.vector_load %arg9[%swap3A_756, %swap3A_757] {strides = array<i32>} : memref<8x192xf32, #tpu.memory_space<vmem>>, vector<1x16xf32>,
        %swap3A_759 = vector.shape_cast %swap3A_758 : vector<1x16xf32> to vector<16xf32>
        %swap3A_760 = vector.shape_cast %max3A_755 : vector<16xf32> to vector<1x16xf32>
        tpu.vector_store %arg9[%swap3A_756, %swap3A_757], %swap3A_760 {strides = array<i32>} : memref<8x192xf32, #tpu.memory_space<vmem>>, vector<1x16xf32>,
        %mul3A_761 = arith.constant 9 : i32
        %mul3A_762 = arith.muli %scan3A_99, %mul3A_761 : i32
        %get3A_763 = arith.index_cast %mul3A_762 : i32 to index
        %get3A_764 = arith.constant 128 : index
        %get3A_765 = tpu.vector_load %arg7[%get3A_763, %get3A_764] {strides = array<i32>} : memref<72x256xf32, #tpu.memory_space<vmem>>, vector<1x16xf32>,
        %get3A_766 = vector.shape_cast %get3A_765 : vector<1x16xf32> to vector<16xf32>
        %mul3A_767 = arith.constant 9 : i32
        %mul3A_768 = arith.muli %scan3A_99, %mul3A_767 : i32
        %add3A_769 = arith.constant 1 : i32
        %add3A_770 = arith.addi %mul3A_768, %add3A_769 : i32
        %get3A_771 = arith.index_cast %add3A_770 : i32 to index
        %get3A_772 = arith.constant 128 : index
        %get3A_773 = tpu.vector_load %arg7[%get3A_771, %get3A_772] {strides = array<i32>} : memref<72x256xf32, #tpu.memory_space<vmem>>, vector<1x16xf32>,
        %get3A_774 = vector.shape_cast %get3A_773 : vector<1x16xf32> to vector<16xf32>
        %max3A_775 = arith.maximumf %get3A_766, %get3A_774 : vector<16xf32>
        %mul3A_776 = arith.constant 9 : i32
        %mul3A_777 = arith.muli %scan3A_99, %mul3A_776 : i32
        %add3A_778 = arith.constant 2 : i32
        %add3A_779 = arith.addi %mul3A_777, %add3A_778 : i32
        %get3A_780 = arith.index_cast %add3A_779 : i32 to index
        %get3A_781 = arith.constant 128 : index
        %get3A_782 = tpu.vector_load %arg7[%get3A_780, %get3A_781] {strides = array<i32>} : memref<72x256xf32, #tpu.memory_space<vmem>>, vector<1x16xf32>,
        %get3A_783 = vector.shape_cast %get3A_782 : vector<1x16xf32> to vector<16xf32>
        %max3A_784 = arith.maximumf %max3A_775, %get3A_783 : vector<16xf32>
        %mul3A_785 = arith.constant 9 : i32
        %mul3A_786 = arith.muli %scan3A_99, %mul3A_785 : i32
        %add3A_787 = arith.constant 3 : i32
        %add3A_788 = arith.addi %mul3A_786, %add3A_787 : i32
        %get3A_789 = arith.index_cast %add3A_788 : i32 to index
        %get3A_790 = arith.constant 128 : index
        %get3A_791 = tpu.vector_load %arg7[%get3A_789, %get3A_790] {strides = array<i32>} : memref<72x256xf32, #tpu.memory_space<vmem>>, vector<1x16xf32>,
        %get3A_792 = vector.shape_cast %get3A_791 : vector<1x16xf32> to vector<16xf32>
        %max3A_793 = arith.maximumf %max3A_784, %get3A_792 : vector<16xf32>
        %mul3A_794 = arith.constant 9 : i32
        %mul3A_795 = arith.muli %scan3A_99, %mul3A_794 : i32
        %add3A_796 = arith.constant 4 : i32
        %add3A_797 = arith.addi %mul3A_795, %add3A_796 : i32
        %get3A_798 = arith.index_cast %add3A_797 : i32 to index
        %get3A_799 = arith.constant 128 : index
        %get3A_800 = tpu.vector_load %arg7[%get3A_798, %get3A_799] {strides = array<i32>} : memref<72x256xf32, #tpu.memory_space<vmem>>, vector<1x16xf32>,
        %get3A_801 = vector.shape_cast %get3A_800 : vector<1x16xf32> to vector<16xf32>
        %max3A_802 = arith.maximumf %max3A_793, %get3A_801 : vector<16xf32>
        %mul3A_803 = arith.constant 9 : i32
        %mul3A_804 = arith.muli %scan3A_99, %mul3A_803 : i32
        %add3A_805 = arith.constant 5 : i32
        %add3A_806 = arith.addi %mul3A_804, %add3A_805 : i32
        %get3A_807 = arith.index_cast %add3A_806 : i32 to index
        %get3A_808 = arith.constant 128 : index
        %get3A_809 = tpu.vector_load %arg7[%get3A_807, %get3A_808] {strides = array<i32>} : memref<72x256xf32, #tpu.memory_space<vmem>>, vector<1x16xf32>,
        %get3A_810 = vector.shape_cast %get3A_809 : vector<1x16xf32> to vector<16xf32>
        %max3A_811 = arith.maximumf %max3A_802, %get3A_810 : vector<16xf32>
        %mul3A_812 = arith.constant 9 : i32
        %mul3A_813 = arith.muli %scan3A_99, %mul3A_812 : i32
        %add3A_814 = arith.constant 6 : i32
        %add3A_815 = arith.addi %mul3A_813, %add3A_814 : i32
        %get3A_816 = arith.index_cast %add3A_815 : i32 to index
        %get3A_817 = arith.constant 128 : index
        %get3A_818 = tpu.vector_load %arg7[%get3A_816, %get3A_817] {strides = array<i32>} : memref<72x256xf32, #tpu.memory_space<vmem>>, vector<1x16xf32>,
        %get3A_819 = vector.shape_cast %get3A_818 : vector<1x16xf32> to vector<16xf32>
        %max3A_820 = arith.maximumf %max3A_811, %get3A_819 : vector<16xf32>
        %mul3A_821 = arith.constant 9 : i32
        %mul3A_822 = arith.muli %scan3A_99, %mul3A_821 : i32
        %add3A_823 = arith.constant 7 : i32
        %add3A_824 = arith.addi %mul3A_822, %add3A_823 : i32
        %get3A_825 = arith.index_cast %add3A_824 : i32 to index
        %get3A_826 = arith.constant 128 : index
        %get3A_827 = tpu.vector_load %arg7[%get3A_825, %get3A_826] {strides = array<i32>} : memref<72x256xf32, #tpu.memory_space<vmem>>, vector<1x16xf32>,
        %get3A_828 = vector.shape_cast %get3A_827 : vector<1x16xf32> to vector<16xf32>
        %max3A_829 = arith.maximumf %max3A_820, %get3A_828 : vector<16xf32>
        %mul3A_830 = arith.constant 9 : i32
        %mul3A_831 = arith.muli %scan3A_99, %mul3A_830 : i32
        %add3A_832 = arith.constant 8 : i32
        %add3A_833 = arith.addi %mul3A_831, %add3A_832 : i32
        %get3A_834 = arith.index_cast %add3A_833 : i32 to index
        %get3A_835 = arith.constant 128 : index
        %get3A_836 = tpu.vector_load %arg7[%get3A_834, %get3A_835] {strides = array<i32>} : memref<72x256xf32, #tpu.memory_space<vmem>>, vector<1x16xf32>,
        %get3A_837 = vector.shape_cast %get3A_836 : vector<1x16xf32> to vector<16xf32>
        %max3A_838 = arith.maximumf %max3A_829, %get3A_837 : vector<16xf32>
        %swap3A_839 = arith.index_cast %scan3A_99 : i32 to index
        %swap3A_840 = arith.constant 128 : index
        %swap3A_841 = tpu.vector_load %arg9[%swap3A_839, %swap3A_840] {strides = array<i32>} : memref<8x192xf32, #tpu.memory_space<vmem>>, vector<1x16xf32>,
        %swap3A_842 = vector.shape_cast %swap3A_841 : vector<1x16xf32> to vector<16xf32>
        %swap3A_843 = vector.shape_cast %max3A_838 : vector<16xf32> to vector<1x16xf32>
        tpu.vector_store %arg9[%swap3A_839, %swap3A_840], %swap3A_843 {strides = array<i32>} : memref<8x192xf32, #tpu.memory_space<vmem>>, vector<1x16xf32>,
        %mul3A_844 = arith.constant 9 : i32
        %mul3A_845 = arith.muli %scan3A_99, %mul3A_844 : i32
        %get3A_846 = arith.index_cast %mul3A_845 : i32 to index
        %get3A_847 = arith.constant 144 : index
        %get3A_848 = tpu.vector_load %arg7[%get3A_846, %get3A_847] {strides = array<i32>} : memref<72x256xf32, #tpu.memory_space<vmem>>, vector<1x16xf32>,
        %get3A_849 = vector.shape_cast %get3A_848 : vector<1x16xf32> to vector<16xf32>
        %mul3A_850 = arith.constant 9 : i32
        %mul3A_851 = arith.muli %scan3A_99, %mul3A_850 : i32
        %add3A_852 = arith.constant 1 : i32
        %add3A_853 = arith.addi %mul3A_851, %add3A_852 : i32
        %get3A_854 = arith.index_cast %add3A_853 : i32 to index
        %get3A_855 = arith.constant 144 : index
        %get3A_856 = tpu.vector_load %arg7[%get3A_854, %get3A_855] {strides = array<i32>} : memref<72x256xf32, #tpu.memory_space<vmem>>, vector<1x16xf32>,
        %get3A_857 = vector.shape_cast %get3A_856 : vector<1x16xf32> to vector<16xf32>
        %max3A_858 = arith.maximumf %get3A_849, %get3A_857 : vector<16xf32>
        %mul3A_859 = arith.constant 9 : i32
        %mul3A_860 = arith.muli %scan3A_99, %mul3A_859 : i32
        %add3A_861 = arith.constant 2 : i32
        %add3A_862 = arith.addi %mul3A_860, %add3A_861 : i32
        %get3A_863 = arith.index_cast %add3A_862 : i32 to index
        %get3A_864 = arith.constant 144 : index
        %get3A_865 = tpu.vector_load %arg7[%get3A_863, %get3A_864] {strides = array<i32>} : memref<72x256xf32, #tpu.memory_space<vmem>>, vector<1x16xf32>,
        %get3A_866 = vector.shape_cast %get3A_865 : vector<1x16xf32> to vector<16xf32>
        %max3A_867 = arith.maximumf %max3A_858, %get3A_866 : vector<16xf32>
        %mul3A_868 = arith.constant 9 : i32
        %mul3A_869 = arith.muli %scan3A_99, %mul3A_868 : i32
        %add3A_870 = arith.constant 3 : i32
        %add3A_871 = arith.addi %mul3A_869, %add3A_870 : i32
        %get3A_872 = arith.index_cast %add3A_871 : i32 to index
        %get3A_873 = arith.constant 144 : index
        %get3A_874 = tpu.vector_load %arg7[%get3A_872, %get3A_873] {strides = array<i32>} : memref<72x256xf32, #tpu.memory_space<vmem>>, vector<1x16xf32>,
        %get3A_875 = vector.shape_cast %get3A_874 : vector<1x16xf32> to vector<16xf32>
        %max3A_876 = arith.maximumf %max3A_867, %get3A_875 : vector<16xf32>
        %mul3A_877 = arith.constant 9 : i32
        %mul3A_878 = arith.muli %scan3A_99, %mul3A_877 : i32
        %add3A_879 = arith.constant 4 : i32
        %add3A_880 = arith.addi %mul3A_878, %add3A_879 : i32
        %get3A_881 = arith.index_cast %add3A_880 : i32 to index
        %get3A_882 = arith.constant 144 : index
        %get3A_883 = tpu.vector_load %arg7[%get3A_881, %get3A_882] {strides = array<i32>} : memref<72x256xf32, #tpu.memory_space<vmem>>, vector<1x16xf32>,
        %get3A_884 = vector.shape_cast %get3A_883 : vector<1x16xf32> to vector<16xf32>
        %max3A_885 = arith.maximumf %max3A_876, %get3A_884 : vector<16xf32>
        %mul3A_886 = arith.constant 9 : i32
        %mul3A_887 = arith.muli %scan3A_99, %mul3A_886 : i32
        %add3A_888 = arith.constant 5 : i32
        %add3A_889 = arith.addi %mul3A_887, %add3A_888 : i32
        %get3A_890 = arith.index_cast %add3A_889 : i32 to index
        %get3A_891 = arith.constant 144 : index
        %get3A_892 = tpu.vector_load %arg7[%get3A_890, %get3A_891] {strides = array<i32>} : memref<72x256xf32, #tpu.memory_space<vmem>>, vector<1x16xf32>,
        %get3A_893 = vector.shape_cast %get3A_892 : vector<1x16xf32> to vector<16xf32>
        %max3A_894 = arith.maximumf %max3A_885, %get3A_893 : vector<16xf32>
        %mul3A_895 = arith.constant 9 : i32
        %mul3A_896 = arith.muli %scan3A_99, %mul3A_895 : i32
        %add3A_897 = arith.constant 6 : i32
        %add3A_898 = arith.addi %mul3A_896, %add3A_897 : i32
        %get3A_899 = arith.index_cast %add3A_898 : i32 to index
        %get3A_900 = arith.constant 144 : index
        %get3A_901 = tpu.vector_load %arg7[%get3A_899, %get3A_900] {strides = array<i32>} : memref<72x256xf32, #tpu.memory_space<vmem>>, vector<1x16xf32>,
        %get3A_902 = vector.shape_cast %get3A_901 : vector<1x16xf32> to vector<16xf32>
        %max3A_903 = arith.maximumf %max3A_894, %get3A_902 : vector<16xf32>
        %mul3A_904 = arith.constant 9 : i32
        %mul3A_905 = arith.muli %scan3A_99, %mul3A_904 : i32
        %add3A_906 = arith.constant 7 : i32
        %add3A_907 = arith.addi %mul3A_905, %add3A_906 : i32
        %get3A_908 = arith.index_cast %add3A_907 : i32 to index
        %get3A_909 = arith.constant 144 : index
        %get3A_910 = tpu.vector_load %arg7[%get3A_908, %get3A_909] {strides = array<i32>} : memref<72x256xf32, #tpu.memory_space<vmem>>, vector<1x16xf32>,
        %get3A_911 = vector.shape_cast %get3A_910 : vector<1x16xf32> to vector<16xf32>
        %max3A_912 = arith.maximumf %max3A_903, %get3A_911 : vector<16xf32>
        %mul3A_913 = arith.constant 9 : i32
        %mul3A_914 = arith.muli %scan3A_99, %mul3A_913 : i32
        %add3A_915 = arith.constant 8 : i32
        %add3A_916 = arith.addi %mul3A_914, %add3A_915 : i32
        %get3A_917 = arith.index_cast %add3A_916 : i32 to index
        %get3A_918 = arith.constant 144 : index
        %get3A_919 = tpu.vector_load %arg7[%get3A_917, %get3A_918] {strides = array<i32>} : memref<72x256xf32, #tpu.memory_space<vmem>>, vector<1x16xf32>,
        %get3A_920 = vector.shape_cast %get3A_919 : vector<1x16xf32> to vector<16xf32>
        %max3A_921 = arith.maximumf %max3A_912, %get3A_920 : vector<16xf32>
        %swap3A_922 = arith.index_cast %scan3A_99 : i32 to index
        %swap3A_923 = arith.constant 144 : index
        %swap3A_924 = tpu.vector_load %arg9[%swap3A_922, %swap3A_923] {strides = array<i32>} : memref<8x192xf32, #tpu.memory_space<vmem>>, vector<1x16xf32>,
        %swap3A_925 = vector.shape_cast %swap3A_924 : vector<1x16xf32> to vector<16xf32>
        %swap3A_926 = vector.shape_cast %max3A_921 : vector<16xf32> to vector<1x16xf32>
        tpu.vector_store %arg9[%swap3A_922, %swap3A_923], %swap3A_926 {strides = array<i32>} : memref<8x192xf32, #tpu.memory_space<vmem>>, vector<1x16xf32>,
        %mul3A_927 = arith.constant 9 : i32
        %mul3A_928 = arith.muli %scan3A_99, %mul3A_927 : i32
        %get3A_929 = arith.index_cast %mul3A_928 : i32 to index
        %get3A_930 = arith.constant 160 : index
        %get3A_931 = tpu.vector_load %arg7[%get3A_929, %get3A_930] {strides = array<i32>} : memref<72x256xf32, #tpu.memory_space<vmem>>, vector<1x16xf32>,
        %get3A_932 = vector.shape_cast %get3A_931 : vector<1x16xf32> to vector<16xf32>
        %mul3A_933 = arith.constant 9 : i32
        %mul3A_934 = arith.muli %scan3A_99, %mul3A_933 : i32
        %add3A_935 = arith.constant 1 : i32
        %add3A_936 = arith.addi %mul3A_934, %add3A_935 : i32
        %get3A_937 = arith.index_cast %add3A_936 : i32 to index
        %get3A_938 = arith.constant 160 : index
        %get3A_939 = tpu.vector_load %arg7[%get3A_937, %get3A_938] {strides = array<i32>} : memref<72x256xf32, #tpu.memory_space<vmem>>, vector<1x16xf32>,
        %get3A_940 = vector.shape_cast %get3A_939 : vector<1x16xf32> to vector<16xf32>
        %max3A_941 = arith.maximumf %get3A_932, %get3A_940 : vector<16xf32>
        %mul3A_942 = arith.constant 9 : i32
        %mul3A_943 = arith.muli %scan3A_99, %mul3A_942 : i32
        %add3A_944 = arith.constant 2 : i32
        %add3A_945 = arith.addi %mul3A_943, %add3A_944 : i32
        %get3A_946 = arith.index_cast %add3A_945 : i32 to index
        %get3A_947 = arith.constant 160 : index
        %get3A_948 = tpu.vector_load %arg7[%get3A_946, %get3A_947] {strides = array<i32>} : memref<72x256xf32, #tpu.memory_space<vmem>>, vector<1x16xf32>,
        %get3A_949 = vector.shape_cast %get3A_948 : vector<1x16xf32> to vector<16xf32>
        %max3A_950 = arith.maximumf %max3A_941, %get3A_949 : vector<16xf32>
        %mul3A_951 = arith.constant 9 : i32
        %mul3A_952 = arith.muli %scan3A_99, %mul3A_951 : i32
        %add3A_953 = arith.constant 3 : i32
        %add3A_954 = arith.addi %mul3A_952, %add3A_953 : i32
        %get3A_955 = arith.index_cast %add3A_954 : i32 to index
        %get3A_956 = arith.constant 160 : index
        %get3A_957 = tpu.vector_load %arg7[%get3A_955, %get3A_956] {strides = array<i32>} : memref<72x256xf32, #tpu.memory_space<vmem>>, vector<1x16xf32>,
        %get3A_958 = vector.shape_cast %get3A_957 : vector<1x16xf32> to vector<16xf32>
        %max3A_959 = arith.maximumf %max3A_950, %get3A_958 : vector<16xf32>
        %mul3A_960 = arith.constant 9 : i32
        %mul3A_961 = arith.muli %scan3A_99, %mul3A_960 : i32
        %add3A_962 = arith.constant 4 : i32
        %add3A_963 = arith.addi %mul3A_961, %add3A_962 : i32
        %get3A_964 = arith.index_cast %add3A_963 : i32 to index
        %get3A_965 = arith.constant 160 : index
        %get3A_966 = tpu.vector_load %arg7[%get3A_964, %get3A_965] {strides = array<i32>} : memref<72x256xf32, #tpu.memory_space<vmem>>, vector<1x16xf32>,
        %get3A_967 = vector.shape_cast %get3A_966 : vector<1x16xf32> to vector<16xf32>
        %max3A_968 = arith.maximumf %max3A_959, %get3A_967 : vector<16xf32>
        %mul3A_969 = arith.constant 9 : i32
        %mul3A_970 = arith.muli %scan3A_99, %mul3A_969 : i32
        %add3A_971 = arith.constant 5 : i32
        %add3A_972 = arith.addi %mul3A_970, %add3A_971 : i32
        %get3A_973 = arith.index_cast %add3A_972 : i32 to index
        %get3A_974 = arith.constant 160 : index
        %get3A_975 = tpu.vector_load %arg7[%get3A_973, %get3A_974] {strides = array<i32>} : memref<72x256xf32, #tpu.memory_space<vmem>>, vector<1x16xf32>,
        %get3A_976 = vector.shape_cast %get3A_975 : vector<1x16xf32> to vector<16xf32>
        %max3A_977 = arith.maximumf %max3A_968, %get3A_976 : vector<16xf32>
        %mul3A_978 = arith.constant 9 : i32
        %mul3A_979 = arith.muli %scan3A_99, %mul3A_978 : i32
        %add3A_980 = arith.constant 6 : i32
        %add3A_981 = arith.addi %mul3A_979, %add3A_980 : i32
        %get3A_982 = arith.index_cast %add3A_981 : i32 to index
        %get3A_983 = arith.constant 160 : index
        %get3A_984 = tpu.vector_load %arg7[%get3A_982, %get3A_983] {strides = array<i32>} : memref<72x256xf32, #tpu.memory_space<vmem>>, vector<1x16xf32>,
        %get3A_985 = vector.shape_cast %get3A_984 : vector<1x16xf32> to vector<16xf32>
        %max3A_986 = arith.maximumf %max3A_977, %get3A_985 : vector<16xf32>
        %mul3A_987 = arith.constant 9 : i32
        %mul3A_988 = arith.muli %scan3A_99, %mul3A_987 : i32
        %add3A_989 = arith.constant 7 : i32
        %add3A_990 = arith.addi %mul3A_988, %add3A_989 : i32
        %get3A_991 = arith.index_cast %add3A_990 : i32 to index
        %get3A_992 = arith.constant 160 : index
        %get3A_993 = tpu.vector_load %arg7[%get3A_991, %get3A_992] {strides = array<i32>} : memref<72x256xf32, #tpu.memory_space<vmem>>, vector<1x16xf32>,
        %get3A_994 = vector.shape_cast %get3A_993 : vector<1x16xf32> to vector<16xf32>
        %max3A_995 = arith.maximumf %max3A_986, %get3A_994 : vector<16xf32>
        %mul3A_996 = arith.constant 9 : i32
        %mul3A_997 = arith.muli %scan3A_99, %mul3A_996 : i32
        %add3A_998 = arith.constant 8 : i32
        %add3A_999 = arith.addi %mul3A_997, %add3A_998 : i32
        %get3A_1000 = arith.index_cast %add3A_999 : i32 to index
        %get3A_1001 = arith.constant 160 : index
        %get3A_1002 = tpu.vector_load %arg7[%get3A_1000, %get3A_1001] {strides = array<i32>} : memref<72x256xf32, #tpu.memory_space<vmem>>, vector<1x16xf32>,
        %get3A_1003 = vector.shape_cast %get3A_1002 : vector<1x16xf32> to vector<16xf32>
        %max3A_1004 = arith.maximumf %max3A_995, %get3A_1003 : vector<16xf32>
        %swap3A_1005 = arith.index_cast %scan3A_99 : i32 to index
        %swap3A_1006 = arith.constant 160 : index
        %swap3A_1007 = tpu.vector_load %arg9[%swap3A_1005, %swap3A_1006] {strides = array<i32>} : memref<8x192xf32, #tpu.memory_space<vmem>>, vector<1x16xf32>,
        %swap3A_1008 = vector.shape_cast %swap3A_1007 : vector<1x16xf32> to vector<16xf32>
        %swap3A_1009 = vector.shape_cast %max3A_1004 : vector<16xf32> to vector<1x16xf32>
        tpu.vector_store %arg9[%swap3A_1005, %swap3A_1006], %swap3A_1009 {strides = array<i32>} : memref<8x192xf32, #tpu.memory_space<vmem>>, vector<1x16xf32>,
        %mul3A_1010 = arith.constant 9 : i32
        %mul3A_1011 = arith.muli %scan3A_99, %mul3A_1010 : i32
        %get3A_1012 = arith.index_cast %mul3A_1011 : i32 to index
        %get3A_1013 = arith.constant 176 : index
        %get3A_1014 = tpu.vector_load %arg7[%get3A_1012, %get3A_1013] {strides = array<i32>} : memref<72x256xf32, #tpu.memory_space<vmem>>, vector<1x16xf32>,
        %get3A_1015 = vector.shape_cast %get3A_1014 : vector<1x16xf32> to vector<16xf32>
        %mul3A_1016 = arith.constant 9 : i32
        %mul3A_1017 = arith.muli %scan3A_99, %mul3A_1016 : i32
        %add3A_1018 = arith.constant 1 : i32
        %add3A_1019 = arith.addi %mul3A_1017, %add3A_1018 : i32
        %get3A_1020 = arith.index_cast %add3A_1019 : i32 to index
        %get3A_1021 = arith.constant 176 : index
        %get3A_1022 = tpu.vector_load %arg7[%get3A_1020, %get3A_1021] {strides = array<i32>} : memref<72x256xf32, #tpu.memory_space<vmem>>, vector<1x16xf32>,
        %get3A_1023 = vector.shape_cast %get3A_1022 : vector<1x16xf32> to vector<16xf32>
        %max3A_1024 = arith.maximumf %get3A_1015, %get3A_1023 : vector<16xf32>
        %mul3A_1025 = arith.constant 9 : i32
        %mul3A_1026 = arith.muli %scan3A_99, %mul3A_1025 : i32
        %add3A_1027 = arith.constant 2 : i32
        %add3A_1028 = arith.addi %mul3A_1026, %add3A_1027 : i32
        %get3A_1029 = arith.index_cast %add3A_1028 : i32 to index
        %get3A_1030 = arith.constant 176 : index
        %get3A_1031 = tpu.vector_load %arg7[%get3A_1029, %get3A_1030] {strides = array<i32>} : memref<72x256xf32, #tpu.memory_space<vmem>>, vector<1x16xf32>,
        %get3A_1032 = vector.shape_cast %get3A_1031 : vector<1x16xf32> to vector<16xf32>
        %max3A_1033 = arith.maximumf %max3A_1024, %get3A_1032 : vector<16xf32>
        %mul3A_1034 = arith.constant 9 : i32
        %mul3A_1035 = arith.muli %scan3A_99, %mul3A_1034 : i32
        %add3A_1036 = arith.constant 3 : i32
        %add3A_1037 = arith.addi %mul3A_1035, %add3A_1036 : i32
        %get3A_1038 = arith.index_cast %add3A_1037 : i32 to index
        %get3A_1039 = arith.constant 176 : index
        %get3A_1040 = tpu.vector_load %arg7[%get3A_1038, %get3A_1039] {strides = array<i32>} : memref<72x256xf32, #tpu.memory_space<vmem>>, vector<1x16xf32>,
        %get3A_1041 = vector.shape_cast %get3A_1040 : vector<1x16xf32> to vector<16xf32>
        %max3A_1042 = arith.maximumf %max3A_1033, %get3A_1041 : vector<16xf32>
        %mul3A_1043 = arith.constant 9 : i32
        %mul3A_1044 = arith.muli %scan3A_99, %mul3A_1043 : i32
        %add3A_1045 = arith.constant 4 : i32
        %add3A_1046 = arith.addi %mul3A_1044, %add3A_1045 : i32
        %get3A_1047 = arith.index_cast %add3A_1046 : i32 to index
        %get3A_1048 = arith.constant 176 : index
        %get3A_1049 = tpu.vector_load %arg7[%get3A_1047, %get3A_1048] {strides = array<i32>} : memref<72x256xf32, #tpu.memory_space<vmem>>, vector<1x16xf32>,
        %get3A_1050 = vector.shape_cast %get3A_1049 : vector<1x16xf32> to vector<16xf32>
        %max3A_1051 = arith.maximumf %max3A_1042, %get3A_1050 : vector<16xf32>
        %mul3A_1052 = arith.constant 9 : i32
        %mul3A_1053 = arith.muli %scan3A_99, %mul3A_1052 : i32
        %add3A_1054 = arith.constant 5 : i32
        %add3A_1055 = arith.addi %mul3A_1053, %add3A_1054 : i32
        %get3A_1056 = arith.index_cast %add3A_1055 : i32 to index
        %get3A_1057 = arith.constant 176 : index
        %get3A_1058 = tpu.vector_load %arg7[%get3A_1056, %get3A_1057] {strides = array<i32>} : memref<72x256xf32, #tpu.memory_space<vmem>>, vector<1x16xf32>,
        %get3A_1059 = vector.shape_cast %get3A_1058 : vector<1x16xf32> to vector<16xf32>
        %max3A_1060 = arith.maximumf %max3A_1051, %get3A_1059 : vector<16xf32>
        %mul3A_1061 = arith.constant 9 : i32
        %mul3A_1062 = arith.muli %scan3A_99, %mul3A_1061 : i32
        %add3A_1063 = arith.constant 6 : i32
        %add3A_1064 = arith.addi %mul3A_1062, %add3A_1063 : i32
        %get3A_1065 = arith.index_cast %add3A_1064 : i32 to index
        %get3A_1066 = arith.constant 176 : index
        %get3A_1067 = tpu.vector_load %arg7[%get3A_1065, %get3A_1066] {strides = array<i32>} : memref<72x256xf32, #tpu.memory_space<vmem>>, vector<1x16xf32>,
        %get3A_1068 = vector.shape_cast %get3A_1067 : vector<1x16xf32> to vector<16xf32>
        %max3A_1069 = arith.maximumf %max3A_1060, %get3A_1068 : vector<16xf32>
        %mul3A_1070 = arith.constant 9 : i32
        %mul3A_1071 = arith.muli %scan3A_99, %mul3A_1070 : i32
        %add3A_1072 = arith.constant 7 : i32
        %add3A_1073 = arith.addi %mul3A_1071, %add3A_1072 : i32
        %get3A_1074 = arith.index_cast %add3A_1073 : i32 to index
        %get3A_1075 = arith.constant 176 : index
        %get3A_1076 = tpu.vector_load %arg7[%get3A_1074, %get3A_1075] {strides = array<i32>} : memref<72x256xf32, #tpu.memory_space<vmem>>, vector<1x16xf32>,
        %get3A_1077 = vector.shape_cast %get3A_1076 : vector<1x16xf32> to vector<16xf32>
        %max3A_1078 = arith.maximumf %max3A_1069, %get3A_1077 : vector<16xf32>
        %mul3A_1079 = arith.constant 9 : i32
        %mul3A_1080 = arith.muli %scan3A_99, %mul3A_1079 : i32
        %add3A_1081 = arith.constant 8 : i32
        %add3A_1082 = arith.addi %mul3A_1080, %add3A_1081 : i32
        %get3A_1083 = arith.index_cast %add3A_1082 : i32 to index
        %get3A_1084 = arith.constant 176 : index
        %get3A_1085 = tpu.vector_load %arg7[%get3A_1083, %get3A_1084] {strides = array<i32>} : memref<72x256xf32, #tpu.memory_space<vmem>>, vector<1x16xf32>,
        %get3A_1086 = vector.shape_cast %get3A_1085 : vector<1x16xf32> to vector<16xf32>
        %max3A_1087 = arith.maximumf %max3A_1078, %get3A_1086 : vector<16xf32>
        %swap3A_1088 = arith.index_cast %scan3A_99 : i32 to index
        %swap3A_1089 = arith.constant 176 : index
        %swap3A_1090 = tpu.vector_load %arg9[%swap3A_1088, %swap3A_1089] {strides = array<i32>} : memref<8x192xf32, #tpu.memory_space<vmem>>, vector<1x16xf32>,
        %swap3A_1091 = vector.shape_cast %swap3A_1090 : vector<1x16xf32> to vector<16xf32>
        %swap3A_1092 = vector.shape_cast %max3A_1087 : vector<16xf32> to vector<1x16xf32>
        tpu.vector_store %arg9[%swap3A_1088, %swap3A_1089], %swap3A_1092 {strides = array<i32>} : memref<8x192xf32, #tpu.memory_space<vmem>>, vector<1x16xf32>,
      }
      %scan3A_84 = arith.constant 8 : i32
      %mul3A_85 = arith.constant 8 : i32
      %mul3A_86 = arith.muli %add3A_67, %mul3A_85 : i32
      %add3A_87 = arith.addi %mul3A_2, %mul3A_86 : i32
      %dma_start3A_88 = arith.constant 0 : i32
      %dma_start3A_89 = tpu.memref_slice %arg4[%add3A_87, %dma_start3A_88] : memref<8192x192xf32, #tpu.memory_space<hbm>> -> memref<8x192xf32, #tpu.memory_space<hbm>>
      %dma_start3A_90 = arith.constant 0 : i32
      %dma_start3A_91 = tpu.memref_slice %arg4[%add3A_87, %dma_start3A_90] : memref<8192x192xf32, #tpu.memory_space<hbm>> -> memref<8x192xf32, #tpu.memory_space<hbm>>
      tpu.enqueue_dma source(%arg9 : memref<8x192xf32, #tpu.memory_space<vmem>>) target(%dma_start3A_91 : memref<8x192xf32, #tpu.memory_space<hbm>>) target_semaphore(%arg13 : memref<!tpu.dma_semaphore, #tpu.memory_space<semaphore_mem>>)
      %add3A_92 = arith.constant 2 : i32
      %add3A_93 = arith.addi %add3A_67, %add3A_92 : i32
      %lt3A_94 = arith.constant 32 : i32
      %lt3A_95 = arith.cmpi slt, %add3A_93, %lt3A_94 : i32
      %convert_element_type3A_96 = arith.extui %lt3A_95 : i1 to i32
      %cond3A_97 = arith.constant 0 : i32
      %cond3A_98 = arith.cmpi ne, %convert_element_type3A_96, %cond3A_97 : i32
      scf.if %cond3A_98 {
        %add3A_99 = arith.constant 2 : i32
        %add3A_100 = arith.addi %add3A_67, %add3A_99 : i32
        %dma_start3A_101 = arith.constant 0 : i32
        %dma_start3A_102 = tpu.memref_slice %arg5[%add3A_100, %dma_start3A_101] : memref<32x72xi32, #tpu.memory_space<vmem>> -> memref<1x72xi32, #tpu.memory_space<vmem>>
        %dma_start3A_103 = tpu.memref_squeeze %dma_start3A_102 : memref<1x72xi32, #tpu.memory_space<vmem>> -> memref<72xi32, #tpu.memory_space<vmem>>
        %dma_start3A_104 = arith.constant 0 : i32
        %dma_start3A_105 = arith.constant 0 : i32
        %dma_start3A_106 = tpu.memref_slice %arg2[%dma_start3A_104, %dma_start3A_105] : memref<8192x256xf32, #tpu.memory_space<hbm>> -> memref<8192x256xf32, #tpu.memory_space<hbm>>
        tpu.enqueue_indirect_dma source(%dma_start3A_106 : memref<8192x256xf32, #tpu.memory_space<hbm>>) target(%arg7 : memref<72x256xf32, #tpu.memory_space<vmem>>) offsets(%dma_start3A_103 : memref<72xi32, #tpu.memory_space<vmem>>) semaphore(%arg11 : memref<!tpu.dma_semaphore, #tpu.memory_space<semaphore_mem>>)
      } else {
      }
    }
    %scan3A_20 = arith.constant 16 : i32
    %dma_wait3A = arith.constant 0 : i32
    %dma_wait3A_21 = arith.constant 0 : i32
    %dma_wait3A_22 = tpu.memref_slice %arg4[%dma_wait3A, %dma_wait3A_21] : memref<8192x192xf32, #tpu.memory_space<hbm>> -> memref<8x192xf32, #tpu.memory_space<hbm>>
    %dma_wait3A_23 = arith.constant 0 : i32
    %dma_wait3A_24 = arith.constant 0 : i32
    %dma_wait3A_25 = tpu.memref_slice %arg4[%dma_wait3A_23, %dma_wait3A_24] : memref<8192x192xf32, #tpu.memory_space<hbm>> -> memref<8x192xf32, #tpu.memory_space<hbm>>
    tpu.wait_dma2 semaphore(%arg12 : memref<!tpu.dma_semaphore, #tpu.memory_space<semaphore_mem>>) src(%arg8 : memref<8x192xf32, #tpu.memory_space<vmem>>) dst(%dma_wait3A_25 : memref<8x192xf32, #tpu.memory_space<hbm>>)
    %dma_wait3A_26 = arith.constant 0 : i32
    %dma_wait3A_27 = arith.constant 0 : i32
    %dma_wait3A_28 = tpu.memref_slice %arg4[%dma_wait3A_26, %dma_wait3A_27] : memref<8192x192xf32, #tpu.memory_space<hbm>> -> memref<8x192xf32, #tpu.memory_space<hbm>>
    %dma_wait3A_29 = arith.constant 0 : i32
    %dma_wait3A_30 = arith.constant 0 : i32
    %dma_wait3A_31 = tpu.memref_slice %arg4[%dma_wait3A_29, %dma_wait3A_30] : memref<8192x192xf32, #tpu.memory_space<hbm>> -> memref<8x192xf32, #tpu.memory_space<hbm>>
    tpu.wait_dma2 semaphore(%arg13 : memref<!tpu.dma_semaphore, #tpu.memory_space<semaphore_mem>>) src(%arg9 : memref<8x192xf32, #tpu.memory_space<vmem>>) dst(%dma_wait3A_31 : memref<8x192xf32, #tpu.memory_space<hbm>>)
    return
  }
}

module attributes {stable_mosaic.version = 14 : i64} {
  func.func @_tc2_body(%arg0: i32, %arg1: memref<1x1024x192xf32, #tpu.memory_space<vmem>>, %arg2: memref<1x1024x192xf32, #tpu.memory_space<vmem>>, %arg3: memref<96x192xf32, #tpu.memory_space<vmem>>, %arg4: memref<96x1xf32, #tpu.memory_space<vmem>>, %arg5: memref<1x96x1024xf32, #tpu.memory_space<vmem>>, %arg6: memref<1x96x1024xf32, #tpu.memory_space<vmem>>) attributes {dimension_semantics = [#tpu.dimension_semantics<arbitrary>], iteration_bounds = array<i64: 8>, scalar_prefetch = 0 : i64, scratch_operands = 0 : i64, tpu.core_type = #tpu.core_type<tc>, window_params = [{transform_indices = @transform_0, window_bounds = array<i64: 1, 1024, 192>}, {transform_indices = @transform_1, window_bounds = array<i64: 1, 1024, 192>}, {pipeline_mode = #tpu.pipeline_mode<synchronous>, transform_indices = @transform_2, window_bounds = array<i64: 96, 192>}, {pipeline_mode = #tpu.pipeline_mode<synchronous>, transform_indices = @transform_3, window_bounds = array<i64: 96, 1>}, {transform_indices = @transform_4, window_bounds = array<i64: 1, 96, 1024>}, {transform_indices = @transform_5, window_bounds = array<i64: 1, 96, 1024>}]} {
    %get3A = arith.constant 0 : index
    %get3A_0 = arith.constant 0 : index
    %get3A_1 = arith.constant 0 : index
    %get3A_2 = vector.load %arg1[%get3A, %get3A_0, %get3A_1] : memref<1x1024x192xf32, #tpu.memory_space<vmem>>, vector<1x1024x192xf32>
    %get3A_3 = vector.shape_cast %get3A_2 : vector<1x1024x192xf32> to vector<1024x192xf32>
    %get3A_4 = arith.constant 0 : index
    %get3A_5 = arith.constant 0 : index
    %get3A_6 = arith.constant 0 : index
    %get3A_7 = vector.load %arg2[%get3A_4, %get3A_5, %get3A_6] : memref<1x1024x192xf32, #tpu.memory_space<vmem>>, vector<1x1024x192xf32>
    %get3A_8 = vector.shape_cast %get3A_7 : vector<1x1024x192xf32> to vector<1024x192xf32>
    %add3A = arith.addf %get3A_3, %get3A_8 : vector<1024x192xf32>
    %max3A = arith.constant 0.000000e+00 : f32
    %max3A_9 = vector.broadcast %max3A : f32 to vector<1024x192xf32>
    %max3A_10 = arith.maximumf %add3A, %max3A_9 : vector<1024x192xf32>
    %get3A_11 = arith.constant 0 : index
    %get3A_12 = arith.constant 0 : index
    %get3A_13 = vector.load %arg3[%get3A_11, %get3A_12] : memref<96x192xf32, #tpu.memory_space<vmem>>, vector<96x192xf32>
    %dot_general3A = arith.constant dense<0.000000e+00> : vector<96x1024xf32>
    %dot_general3A_14 = tpu.matmul %get3A_13, %max3A_10, %dot_general3A {dimension_numbers = #tpu.dot_dimension_numbers<[1], [1], [0], [0], [0, 0, 1, 0], [], []>, transpose_lhs_hint = false} : vector<96x192xf32>, vector<1024x192xf32>, vector<96x1024xf32> -> vector<96x1024xf32>
    %get3A_15 = arith.constant 0 : index
    %get3A_16 = arith.constant 0 : index
    %get3A_17 = vector.load %arg4[%get3A_15, %get3A_16] : memref<96x1xf32, #tpu.memory_space<vmem>>, vector<96x1xf32>
    %add3A_18 = vector.broadcast %get3A_17 : vector<96x1xf32> to vector<96x1024xf32>
    %add3A_19 = arith.addf %dot_general3A_14, %add3A_18 : vector<96x1024xf32>
    %get3A_20 = arith.constant 0 : index
    %get3A_21 = arith.constant 0 : index
    %get3A_22 = arith.constant 0 : index
    %get3A_23 = vector.load %arg5[%get3A_20, %get3A_21, %get3A_22] : memref<1x96x1024xf32, #tpu.memory_space<vmem>>, vector<1x96x1024xf32>
    %get3A_24 = vector.shape_cast %get3A_23 : vector<1x96x1024xf32> to vector<96x1024xf32>
    %add3A_25 = arith.addf %add3A_19, %get3A_24 : vector<96x1024xf32>
    %swap3A = arith.constant 0 : index
    %swap3A_26 = arith.constant 0 : index
    %swap3A_27 = arith.constant 0 : index
    %swap3A_28 = vector.load %arg6[%swap3A, %swap3A_26, %swap3A_27] : memref<1x96x1024xf32, #tpu.memory_space<vmem>>, vector<1x96x1024xf32>
    %swap3A_29 = vector.shape_cast %swap3A_28 : vector<1x96x1024xf32> to vector<96x1024xf32>
    %swap3A_30 = vector.shape_cast %add3A_25 : vector<96x1024xf32> to vector<1x96x1024xf32>
    tpu.vector_store %arg6[%swap3A, %swap3A_26, %swap3A_27], %swap3A_30 {strides = array<i32>} : memref<1x96x1024xf32, #tpu.memory_space<vmem>>, vector<1x96x1024xf32>,
    return
  }
  func.func @transform_0(%arg0: i32) -> (i32, i32, i32) {
    %c0_i32 = arith.constant 0 : i32
    %c0_i32_0 = arith.constant 0 : i32
    %c0_i32_1 = arith.constant 0 : i32
    return %arg0, %c0_i32, %c0_i32_0 : i32, i32, i32
  }
  func.func @transform_1(%arg0: i32) -> (i32, i32, i32) {
    %c0_i32 = arith.constant 0 : i32
    %c0_i32_0 = arith.constant 0 : i32
    %c0_i32_1 = arith.constant 0 : i32
    return %arg0, %c0_i32, %c0_i32_0 : i32, i32, i32
  }
  func.func @transform_2(%arg0: i32) -> (i32, i32) {
    %c0_i32 = arith.constant 0 : i32
    %c0_i32_0 = arith.constant 0 : i32
    %c0_i32_1 = arith.constant 0 : i32
    return %c0_i32, %c0_i32_0 : i32, i32
  }
  func.func @transform_3(%arg0: i32) -> (i32, i32) {
    %c0_i32 = arith.constant 0 : i32
    %c0_i32_0 = arith.constant 0 : i32
    %c0_i32_1 = arith.constant 0 : i32
    return %c0_i32, %c0_i32_0 : i32, i32
  }
  func.func @transform_4(%arg0: i32) -> (i32, i32, i32) {
    %c0_i32 = arith.constant 0 : i32
    %c0_i32_0 = arith.constant 0 : i32
    %c0_i32_1 = arith.constant 0 : i32
    return %arg0, %c0_i32, %c0_i32_0 : i32, i32, i32
  }
  func.func @transform_5(%arg0: i32) -> (i32, i32, i32) {
    %c0_i32 = arith.constant 0 : i32
    %c0_i32_0 = arith.constant 0 : i32
    %c0_i32_1 = arith.constant 0 : i32
    return %arg0, %c0_i32, %c0_i32_0 : i32, i32, i32
  }
}

module attributes {stable_mosaic.version = 14 : i64} {
  func.func @_tc1_body(%arg0: i32, %arg1: memref<1x96x1024xf32, #tpu.memory_space<vmem>>, %arg2: memref<96x96xf32, #tpu.memory_space<vmem>>, %arg3: memref<96x1xf32, #tpu.memory_space<vmem>>, %arg4: memref<96x192xf32, #tpu.memory_space<vmem>>, %arg5: memref<96x192xf32, #tpu.memory_space<vmem>>, %arg6: memref<1x192xf32, #tpu.memory_space<vmem>>, %arg7: memref<1x1024x192xf32, #tpu.memory_space<vmem>>, %arg8: memref<1x1024x256xf32, #tpu.memory_space<vmem>>, %arg9: memref<1x1024x9xi32, #tpu.memory_space<vmem>>) attributes {dimension_semantics = [#tpu.dimension_semantics<arbitrary>], iteration_bounds = array<i64: 8>, scalar_prefetch = 0 : i64, scratch_operands = 0 : i64, tpu.core_type = #tpu.core_type<tc>, window_params = [{transform_indices = @transform_0, window_bounds = array<i64: 1, 96, 1024>}, {pipeline_mode = #tpu.pipeline_mode<synchronous>, transform_indices = @transform_1, window_bounds = array<i64: 96, 96>}, {pipeline_mode = #tpu.pipeline_mode<synchronous>, transform_indices = @transform_2, window_bounds = array<i64: 96, 1>}, {pipeline_mode = #tpu.pipeline_mode<synchronous>, transform_indices = @transform_3, window_bounds = array<i64: 96, 192>}, {pipeline_mode = #tpu.pipeline_mode<synchronous>, transform_indices = @transform_4, window_bounds = array<i64: 96, 192>}, {pipeline_mode = #tpu.pipeline_mode<synchronous>, transform_indices = @transform_5, window_bounds = array<i64: 1, 192>}, {transform_indices = @transform_6, window_bounds = array<i64: 1, 1024, 192>}, {transform_indices = @transform_7, window_bounds = array<i64: 1, 1024, 256>}, {transform_indices = @transform_8, window_bounds = array<i64: 1, 1024, 9>}]} {
    %get3A = arith.constant 0 : index
    %get3A_0 = arith.constant 0 : index
    %get3A_1 = arith.constant 0 : index
    %get3A_2 = vector.load %arg1[%get3A, %get3A_0, %get3A_1] : memref<1x96x1024xf32, #tpu.memory_space<vmem>>, vector<1x96x1024xf32>
    %get3A_3 = vector.shape_cast %get3A_2 : vector<1x96x1024xf32> to vector<96x1024xf32>
    %get3A_4 = arith.constant 0 : index
    %get3A_5 = arith.constant 0 : index
    %get3A_6 = vector.load %arg2[%get3A_4, %get3A_5] : memref<96x96xf32, #tpu.memory_space<vmem>>, vector<96x96xf32>
    %dot_general3A = arith.constant dense<0.000000e+00> : vector<96x1024xf32>
    %dot_general3A_7 = tpu.matmul %get3A_6, %get3A_3, %dot_general3A {dimension_numbers = #tpu.dot_dimension_numbers<[1], [0], [0], [1], [0, 0, 1, 1], [], []>, transpose_lhs_hint = false} : vector<96x96xf32>, vector<96x1024xf32>, vector<96x1024xf32> -> vector<96x1024xf32>
    %get3A_8 = arith.constant 0 : index
    %get3A_9 = arith.constant 0 : index
    %get3A_10 = vector.load %arg3[%get3A_8, %get3A_9] : memref<96x1xf32, #tpu.memory_space<vmem>>, vector<96x1xf32>
    %add3A = vector.broadcast %get3A_10 : vector<96x1xf32> to vector<96x1024xf32>
    %add3A_11 = arith.addf %dot_general3A_7, %add3A : vector<96x1024xf32>
    %mul3A = arith.mulf %add3A_11, %add3A_11 : vector<96x1024xf32>
    %reduce_sum3A = arith.constant dense<0.000000e+00> : vector<1024xf32>
    %reduce_sum3A_12 = vector.multi_reduction <add>, %mul3A, %reduce_sum3A [0] : vector<96x1024xf32> to vector<1024xf32>
    %broadcast_in_dim3A = vector.shape_cast %reduce_sum3A_12 : vector<1024xf32> to vector<1x1024xf32>
    %sqrt3A = math.sqrt %broadcast_in_dim3A : vector<1x1024xf32>
    %max3A = arith.constant 9.99999996E-13 : f32
    %max3A_13 = vector.broadcast %max3A : f32 to vector<1x1024xf32>
    %max3A_14 = arith.maximumf %sqrt3A, %max3A_13 : vector<1x1024xf32>
    %div3A = vector.broadcast %max3A_14 : vector<1x1024xf32> to vector<96x1024xf32>
    %div3A_15 = arith.divf %add3A_11, %div3A : vector<96x1024xf32>
    %dot_general3A_16 = arith.constant dense<0.000000e+00> : vector<1024x1024xf32>
    %dot_general3A_17 = tpu.matmul %div3A_15, %div3A_15, %dot_general3A_16 {dimension_numbers = #tpu.dot_dimension_numbers<[0], [0], [1], [1], [0, 1, 1, 1], [], []>, transpose_lhs_hint = false} : vector<96x1024xf32>, vector<96x1024xf32>, vector<1024x1024xf32> -> vector<1024x1024xf32>
    %mul3A_18 = arith.mulf %div3A_15, %div3A_15 : vector<96x1024xf32>
    %reduce_sum3A_19 = arith.constant dense<0.000000e+00> : vector<1024xf32>
    %reduce_sum3A_20 = vector.multi_reduction <add>, %mul3A_18, %reduce_sum3A_19 [0] : vector<96x1024xf32> to vector<1024xf32>
    %broadcast_in_dim3A_21 = vector.shape_cast %reduce_sum3A_20 : vector<1024xf32> to vector<1x1024xf32>
    %mul3A_22 = arith.constant 2.000000e+00 : f32
    %mul3A_23 = vector.broadcast %mul3A_22 : f32 to vector<1024x1024xf32>
    %mul3A_24 = arith.mulf %mul3A_23, %dot_general3A_17 : vector<1024x1024xf32>
    %sub3A = vector.broadcast %broadcast_in_dim3A_21 : vector<1x1024xf32> to vector<1024x1024xf32>
    %sub3A_25 = arith.subf %mul3A_24, %sub3A : vector<1024x1024xf32>
    %iota3A = tpu.iota {dimensions = array<i32: 1>} : vector<1024x1024xi32>
    %reduce_max3A = arith.constant dense<0xFF800000> : vector<1024xf32>
    %reduce_max3A_26 = vector.multi_reduction <maximumf>, %sub3A_25, %reduce_max3A [1] : vector<1024x1024xf32> to vector<1024xf32>
    %broadcast_in_dim3A_27 = vector.shape_cast %reduce_max3A_26 : vector<1024xf32> to vector<1024x1xf32>
    %ge3A = vector.broadcast %broadcast_in_dim3A_27 : vector<1024x1xf32> to vector<1024x1024xf32>
    %ge3A_28 = arith.cmpf oge, %sub3A_25, %ge3A : vector<1024x1024xf32>
    %jit3A = arith.constant 1024 : i32
    %broadcast_in_dim3A_29 = vector.broadcast %jit3A : i32 to vector<1024x1024xi32>
    %select_n3A = arith.select %ge3A_28, %iota3A, %broadcast_in_dim3A_29 : vector<1024x1024xi1>, vector<1024x1024xi32>
    %reduce_min3A = arith.constant dense<2147483647> : vector<1024xi32>
    %reduce_min3A_30 = vector.multi_reduction <minsi>, %select_n3A, %reduce_min3A [1] : vector<1024x1024xi32> to vector<1024xi32>
    %broadcast_in_dim3A_31 = vector.shape_cast %reduce_min3A_30 : vector<1024xi32> to vector<1024x1xi32>
    %lt3A = vector.broadcast %broadcast_in_dim3A_27 : vector<1024x1xf32> to vector<1024x1024xf32>
    %lt3A_32 = arith.cmpf olt, %sub3A_25, %lt3A : vector<1024x1024xf32>
    %eq3A = vector.broadcast %broadcast_in_dim3A_27 : vector<1024x1xf32> to vector<1024x1024xf32>
    %eq3A_33 = arith.cmpf oeq, %sub3A_25, %eq3A : vector<1024x1024xf32>
    %gt3A = vector.broadcast %broadcast_in_dim3A_31 : vector<1024x1xi32> to vector<1024x1024xi32>
    %gt3A_34 = arith.cmpi sgt, %iota3A, %gt3A : vector<1024x1024xi32>
    %and3A = arith.andi %eq3A_33, %gt3A_34 : vector<1024x1024xi1>
    %or3A = arith.ori %lt3A_32, %and3A : vector<1024x1024xi1>
    %jit3A_35 = arith.constant -3.000000e+38 : f32
    %broadcast_in_dim3A_36 = vector.broadcast %jit3A_35 : f32 to vector<1024x1024xf32>
    %select_n3A_37 = arith.select %or3A, %sub3A_25, %broadcast_in_dim3A_36 : vector<1024x1024xi1>, vector<1024x1024xf32>
    %reduce_max3A_38 = arith.constant dense<0xFF800000> : vector<1024xf32>
    %reduce_max3A_39 = vector.multi_reduction <maximumf>, %select_n3A_37, %reduce_max3A_38 [1] : vector<1024x1024xf32> to vector<1024xf32>
    %broadcast_in_dim3A_40 = vector.shape_cast %reduce_max3A_39 : vector<1024xf32> to vector<1024x1xf32>
    %ge3A_41 = vector.broadcast %broadcast_in_dim3A_40 : vector<1024x1xf32> to vector<1024x1024xf32>
    %ge3A_42 = arith.cmpf oge, %select_n3A_37, %ge3A_41 : vector<1024x1024xf32>
    %jit3A_43 = arith.constant 1024 : i32
    %broadcast_in_dim3A_44 = vector.broadcast %jit3A_43 : i32 to vector<1024x1024xi32>
    %select_n3A_45 = arith.select %ge3A_42, %iota3A, %broadcast_in_dim3A_44 : vector<1024x1024xi1>, vector<1024x1024xi32>
    %reduce_min3A_46 = arith.constant dense<2147483647> : vector<1024xi32>
    %reduce_min3A_47 = vector.multi_reduction <minsi>, %select_n3A_45, %reduce_min3A_46 [1] : vector<1024x1024xi32> to vector<1024xi32>
    %broadcast_in_dim3A_48 = vector.shape_cast %reduce_min3A_47 : vector<1024xi32> to vector<1024x1xi32>
    %lt3A_49 = vector.broadcast %broadcast_in_dim3A_40 : vector<1024x1xf32> to vector<1024x1024xf32>
    %lt3A_50 = arith.cmpf olt, %sub3A_25, %lt3A_49 : vector<1024x1024xf32>
    %eq3A_51 = vector.broadcast %broadcast_in_dim3A_40 : vector<1024x1xf32> to vector<1024x1024xf32>
    %eq3A_52 = arith.cmpf oeq, %sub3A_25, %eq3A_51 : vector<1024x1024xf32>
    %gt3A_53 = vector.broadcast %broadcast_in_dim3A_48 : vector<1024x1xi32> to vector<1024x1024xi32>
    %gt3A_54 = arith.cmpi sgt, %iota3A, %gt3A_53 : vector<1024x1024xi32>
    %and3A_55 = arith.andi %eq3A_52, %gt3A_54 : vector<1024x1024xi1>
    %or3A_56 = arith.ori %lt3A_50, %and3A_55 : vector<1024x1024xi1>
    %jit3A_57 = arith.constant -3.000000e+38 : f32
    %broadcast_in_dim3A_58 = vector.broadcast %jit3A_57 : f32 to vector<1024x1024xf32>
    %select_n3A_59 = arith.select %or3A_56, %sub3A_25, %broadcast_in_dim3A_58 : vector<1024x1024xi1>, vector<1024x1024xf32>
    %reduce_max3A_60 = arith.constant dense<0xFF800000> : vector<1024xf32>
    %reduce_max3A_61 = vector.multi_reduction <maximumf>, %select_n3A_59, %reduce_max3A_60 [1] : vector<1024x1024xf32> to vector<1024xf32>
    %broadcast_in_dim3A_62 = vector.shape_cast %reduce_max3A_61 : vector<1024xf32> to vector<1024x1xf32>
    %ge3A_63 = vector.broadcast %broadcast_in_dim3A_62 : vector<1024x1xf32> to vector<1024x1024xf32>
    %ge3A_64 = arith.cmpf oge, %select_n3A_59, %ge3A_63 : vector<1024x1024xf32>
    %jit3A_65 = arith.constant 1024 : i32
    %broadcast_in_dim3A_66 = vector.broadcast %jit3A_65 : i32 to vector<1024x1024xi32>
    %select_n3A_67 = arith.select %ge3A_64, %iota3A, %broadcast_in_dim3A_66 : vector<1024x1024xi1>, vector<1024x1024xi32>
    %reduce_min3A_68 = arith.constant dense<2147483647> : vector<1024xi32>
    %reduce_min3A_69 = vector.multi_reduction <minsi>, %select_n3A_67, %reduce_min3A_68 [1] : vector<1024x1024xi32> to vector<1024xi32>
    %broadcast_in_dim3A_70 = vector.shape_cast %reduce_min3A_69 : vector<1024xi32> to vector<1024x1xi32>
    %lt3A_71 = vector.broadcast %broadcast_in_dim3A_62 : vector<1024x1xf32> to vector<1024x1024xf32>
    %lt3A_72 = arith.cmpf olt, %sub3A_25, %lt3A_71 : vector<1024x1024xf32>
    %eq3A_73 = vector.broadcast %broadcast_in_dim3A_62 : vector<1024x1xf32> to vector<1024x1024xf32>
    %eq3A_74 = arith.cmpf oeq, %sub3A_25, %eq3A_73 : vector<1024x1024xf32>
    %gt3A_75 = vector.broadcast %broadcast_in_dim3A_70 : vector<1024x1xi32> to vector<1024x1024xi32>
    %gt3A_76 = arith.cmpi sgt, %iota3A, %gt3A_75 : vector<1024x1024xi32>
    %and3A_77 = arith.andi %eq3A_74, %gt3A_76 : vector<1024x1024xi1>
    %or3A_78 = arith.ori %lt3A_72, %and3A_77 : vector<1024x1024xi1>
    %jit3A_79 = arith.constant -3.000000e+38 : f32
    %broadcast_in_dim3A_80 = vector.broadcast %jit3A_79 : f32 to vector<1024x1024xf32>
    %select_n3A_81 = arith.select %or3A_78, %sub3A_25, %broadcast_in_dim3A_80 : vector<1024x1024xi1>, vector<1024x1024xf32>
    %reduce_max3A_82 = arith.constant dense<0xFF800000> : vector<1024xf32>
    %reduce_max3A_83 = vector.multi_reduction <maximumf>, %select_n3A_81, %reduce_max3A_82 [1] : vector<1024x1024xf32> to vector<1024xf32>
    %broadcast_in_dim3A_84 = vector.shape_cast %reduce_max3A_83 : vector<1024xf32> to vector<1024x1xf32>
    %ge3A_85 = vector.broadcast %broadcast_in_dim3A_84 : vector<1024x1xf32> to vector<1024x1024xf32>
    %ge3A_86 = arith.cmpf oge, %select_n3A_81, %ge3A_85 : vector<1024x1024xf32>
    %jit3A_87 = arith.constant 1024 : i32
    %broadcast_in_dim3A_88 = vector.broadcast %jit3A_87 : i32 to vector<1024x1024xi32>
    %select_n3A_89 = arith.select %ge3A_86, %iota3A, %broadcast_in_dim3A_88 : vector<1024x1024xi1>, vector<1024x1024xi32>
    %reduce_min3A_90 = arith.constant dense<2147483647> : vector<1024xi32>
    %reduce_min3A_91 = vector.multi_reduction <minsi>, %select_n3A_89, %reduce_min3A_90 [1] : vector<1024x1024xi32> to vector<1024xi32>
    %broadcast_in_dim3A_92 = vector.shape_cast %reduce_min3A_91 : vector<1024xi32> to vector<1024x1xi32>
    %lt3A_93 = vector.broadcast %broadcast_in_dim3A_84 : vector<1024x1xf32> to vector<1024x1024xf32>
    %lt3A_94 = arith.cmpf olt, %sub3A_25, %lt3A_93 : vector<1024x1024xf32>
    %eq3A_95 = vector.broadcast %broadcast_in_dim3A_84 : vector<1024x1xf32> to vector<1024x1024xf32>
    %eq3A_96 = arith.cmpf oeq, %sub3A_25, %eq3A_95 : vector<1024x1024xf32>
    %gt3A_97 = vector.broadcast %broadcast_in_dim3A_92 : vector<1024x1xi32> to vector<1024x1024xi32>
    %gt3A_98 = arith.cmpi sgt, %iota3A, %gt3A_97 : vector<1024x1024xi32>
    %and3A_99 = arith.andi %eq3A_96, %gt3A_98 : vector<1024x1024xi1>
    %or3A_100 = arith.ori %lt3A_94, %and3A_99 : vector<1024x1024xi1>
    %jit3A_101 = arith.constant -3.000000e+38 : f32
    %broadcast_in_dim3A_102 = vector.broadcast %jit3A_101 : f32 to vector<1024x1024xf32>
    %select_n3A_103 = arith.select %or3A_100, %sub3A_25, %broadcast_in_dim3A_102 : vector<1024x1024xi1>, vector<1024x1024xf32>
    %reduce_max3A_104 = arith.constant dense<0xFF800000> : vector<1024xf32>
    %reduce_max3A_105 = vector.multi_reduction <maximumf>, %select_n3A_103, %reduce_max3A_104 [1] : vector<1024x1024xf32> to vector<1024xf32>
    %broadcast_in_dim3A_106 = vector.shape_cast %reduce_max3A_105 : vector<1024xf32> to vector<1024x1xf32>
    %ge3A_107 = vector.broadcast %broadcast_in_dim3A_106 : vector<1024x1xf32> to vector<1024x1024xf32>
    %ge3A_108 = arith.cmpf oge, %select_n3A_103, %ge3A_107 : vector<1024x1024xf32>
    %jit3A_109 = arith.constant 1024 : i32
    %broadcast_in_dim3A_110 = vector.broadcast %jit3A_109 : i32 to vector<1024x1024xi32>
    %select_n3A_111 = arith.select %ge3A_108, %iota3A, %broadcast_in_dim3A_110 : vector<1024x1024xi1>, vector<1024x1024xi32>
    %reduce_min3A_112 = arith.constant dense<2147483647> : vector<1024xi32>
    %reduce_min3A_113 = vector.multi_reduction <minsi>, %select_n3A_111, %reduce_min3A_112 [1] : vector<1024x1024xi32> to vector<1024xi32>
    %broadcast_in_dim3A_114 = vector.shape_cast %reduce_min3A_113 : vector<1024xi32> to vector<1024x1xi32>
    %lt3A_115 = vector.broadcast %broadcast_in_dim3A_106 : vector<1024x1xf32> to vector<1024x1024xf32>
    %lt3A_116 = arith.cmpf olt, %sub3A_25, %lt3A_115 : vector<1024x1024xf32>
    %eq3A_117 = vector.broadcast %broadcast_in_dim3A_106 : vector<1024x1xf32> to vector<1024x1024xf32>
    %eq3A_118 = arith.cmpf oeq, %sub3A_25, %eq3A_117 : vector<1024x1024xf32>
    %gt3A_119 = vector.broadcast %broadcast_in_dim3A_114 : vector<1024x1xi32> to vector<1024x1024xi32>
    %gt3A_120 = arith.cmpi sgt, %iota3A, %gt3A_119 : vector<1024x1024xi32>
    %and3A_121 = arith.andi %eq3A_118, %gt3A_120 : vector<1024x1024xi1>
    %or3A_122 = arith.ori %lt3A_116, %and3A_121 : vector<1024x1024xi1>
    %jit3A_123 = arith.constant -3.000000e+38 : f32
    %broadcast_in_dim3A_124 = vector.broadcast %jit3A_123 : f32 to vector<1024x1024xf32>
    %select_n3A_125 = arith.select %or3A_122, %sub3A_25, %broadcast_in_dim3A_124 : vector<1024x1024xi1>, vector<1024x1024xf32>
    %reduce_max3A_126 = arith.constant dense<0xFF800000> : vector<1024xf32>
    %reduce_max3A_127 = vector.multi_reduction <maximumf>, %select_n3A_125, %reduce_max3A_126 [1] : vector<1024x1024xf32> to vector<1024xf32>
    %broadcast_in_dim3A_128 = vector.shape_cast %reduce_max3A_127 : vector<1024xf32> to vector<1024x1xf32>
    %ge3A_129 = vector.broadcast %broadcast_in_dim3A_128 : vector<1024x1xf32> to vector<1024x1024xf32>
    %ge3A_130 = arith.cmpf oge, %select_n3A_125, %ge3A_129 : vector<1024x1024xf32>
    %jit3A_131 = arith.constant 1024 : i32
    %broadcast_in_dim3A_132 = vector.broadcast %jit3A_131 : i32 to vector<1024x1024xi32>
    %select_n3A_133 = arith.select %ge3A_130, %iota3A, %broadcast_in_dim3A_132 : vector<1024x1024xi1>, vector<1024x1024xi32>
    %reduce_min3A_134 = arith.constant dense<2147483647> : vector<1024xi32>
    %reduce_min3A_135 = vector.multi_reduction <minsi>, %select_n3A_133, %reduce_min3A_134 [1] : vector<1024x1024xi32> to vector<1024xi32>
    %broadcast_in_dim3A_136 = vector.shape_cast %reduce_min3A_135 : vector<1024xi32> to vector<1024x1xi32>
    %lt3A_137 = vector.broadcast %broadcast_in_dim3A_128 : vector<1024x1xf32> to vector<1024x1024xf32>
    %lt3A_138 = arith.cmpf olt, %sub3A_25, %lt3A_137 : vector<1024x1024xf32>
    %eq3A_139 = vector.broadcast %broadcast_in_dim3A_128 : vector<1024x1xf32> to vector<1024x1024xf32>
    %eq3A_140 = arith.cmpf oeq, %sub3A_25, %eq3A_139 : vector<1024x1024xf32>
    %gt3A_141 = vector.broadcast %broadcast_in_dim3A_136 : vector<1024x1xi32> to vector<1024x1024xi32>
    %gt3A_142 = arith.cmpi sgt, %iota3A, %gt3A_141 : vector<1024x1024xi32>
    %and3A_143 = arith.andi %eq3A_140, %gt3A_142 : vector<1024x1024xi1>
    %or3A_144 = arith.ori %lt3A_138, %and3A_143 : vector<1024x1024xi1>
    %jit3A_145 = arith.constant -3.000000e+38 : f32
    %broadcast_in_dim3A_146 = vector.broadcast %jit3A_145 : f32 to vector<1024x1024xf32>
    %select_n3A_147 = arith.select %or3A_144, %sub3A_25, %broadcast_in_dim3A_146 : vector<1024x1024xi1>, vector<1024x1024xf32>
    %reduce_max3A_148 = arith.constant dense<0xFF800000> : vector<1024xf32>
    %reduce_max3A_149 = vector.multi_reduction <maximumf>, %select_n3A_147, %reduce_max3A_148 [1] : vector<1024x1024xf32> to vector<1024xf32>
    %broadcast_in_dim3A_150 = vector.shape_cast %reduce_max3A_149 : vector<1024xf32> to vector<1024x1xf32>
    %ge3A_151 = vector.broadcast %broadcast_in_dim3A_150 : vector<1024x1xf32> to vector<1024x1024xf32>
    %ge3A_152 = arith.cmpf oge, %select_n3A_147, %ge3A_151 : vector<1024x1024xf32>
    %jit3A_153 = arith.constant 1024 : i32
    %broadcast_in_dim3A_154 = vector.broadcast %jit3A_153 : i32 to vector<1024x1024xi32>
    %select_n3A_155 = arith.select %ge3A_152, %iota3A, %broadcast_in_dim3A_154 : vector<1024x1024xi1>, vector<1024x1024xi32>
    %reduce_min3A_156 = arith.constant dense<2147483647> : vector<1024xi32>
    %reduce_min3A_157 = vector.multi_reduction <minsi>, %select_n3A_155, %reduce_min3A_156 [1] : vector<1024x1024xi32> to vector<1024xi32>
    %broadcast_in_dim3A_158 = vector.shape_cast %reduce_min3A_157 : vector<1024xi32> to vector<1024x1xi32>
    %lt3A_159 = vector.broadcast %broadcast_in_dim3A_150 : vector<1024x1xf32> to vector<1024x1024xf32>
    %lt3A_160 = arith.cmpf olt, %sub3A_25, %lt3A_159 : vector<1024x1024xf32>
    %eq3A_161 = vector.broadcast %broadcast_in_dim3A_150 : vector<1024x1xf32> to vector<1024x1024xf32>
    %eq3A_162 = arith.cmpf oeq, %sub3A_25, %eq3A_161 : vector<1024x1024xf32>
    %gt3A_163 = vector.broadcast %broadcast_in_dim3A_158 : vector<1024x1xi32> to vector<1024x1024xi32>
    %gt3A_164 = arith.cmpi sgt, %iota3A, %gt3A_163 : vector<1024x1024xi32>
    %and3A_165 = arith.andi %eq3A_162, %gt3A_164 : vector<1024x1024xi1>
    %or3A_166 = arith.ori %lt3A_160, %and3A_165 : vector<1024x1024xi1>
    %jit3A_167 = arith.constant -3.000000e+38 : f32
    %broadcast_in_dim3A_168 = vector.broadcast %jit3A_167 : f32 to vector<1024x1024xf32>
    %select_n3A_169 = arith.select %or3A_166, %sub3A_25, %broadcast_in_dim3A_168 : vector<1024x1024xi1>, vector<1024x1024xf32>
    %reduce_max3A_170 = arith.constant dense<0xFF800000> : vector<1024xf32>
    %reduce_max3A_171 = vector.multi_reduction <maximumf>, %select_n3A_169, %reduce_max3A_170 [1] : vector<1024x1024xf32> to vector<1024xf32>
    %broadcast_in_dim3A_172 = vector.shape_cast %reduce_max3A_171 : vector<1024xf32> to vector<1024x1xf32>
    %ge3A_173 = vector.broadcast %broadcast_in_dim3A_172 : vector<1024x1xf32> to vector<1024x1024xf32>
    %ge3A_174 = arith.cmpf oge, %select_n3A_169, %ge3A_173 : vector<1024x1024xf32>
    %jit3A_175 = arith.constant 1024 : i32
    %broadcast_in_dim3A_176 = vector.broadcast %jit3A_175 : i32 to vector<1024x1024xi32>
    %select_n3A_177 = arith.select %ge3A_174, %iota3A, %broadcast_in_dim3A_176 : vector<1024x1024xi1>, vector<1024x1024xi32>
    %reduce_min3A_178 = arith.constant dense<2147483647> : vector<1024xi32>
    %reduce_min3A_179 = vector.multi_reduction <minsi>, %select_n3A_177, %reduce_min3A_178 [1] : vector<1024x1024xi32> to vector<1024xi32>
    %broadcast_in_dim3A_180 = vector.shape_cast %reduce_min3A_179 : vector<1024xi32> to vector<1024x1xi32>
    %lt3A_181 = vector.broadcast %broadcast_in_dim3A_172 : vector<1024x1xf32> to vector<1024x1024xf32>
    %lt3A_182 = arith.cmpf olt, %sub3A_25, %lt3A_181 : vector<1024x1024xf32>
    %eq3A_183 = vector.broadcast %broadcast_in_dim3A_172 : vector<1024x1xf32> to vector<1024x1024xf32>
    %eq3A_184 = arith.cmpf oeq, %sub3A_25, %eq3A_183 : vector<1024x1024xf32>
    %gt3A_185 = vector.broadcast %broadcast_in_dim3A_180 : vector<1024x1xi32> to vector<1024x1024xi32>
    %gt3A_186 = arith.cmpi sgt, %iota3A, %gt3A_185 : vector<1024x1024xi32>
    %and3A_187 = arith.andi %eq3A_184, %gt3A_186 : vector<1024x1024xi1>
    %or3A_188 = arith.ori %lt3A_182, %and3A_187 : vector<1024x1024xi1>
    %jit3A_189 = arith.constant -3.000000e+38 : f32
    %broadcast_in_dim3A_190 = vector.broadcast %jit3A_189 : f32 to vector<1024x1024xf32>
    %select_n3A_191 = arith.select %or3A_188, %sub3A_25, %broadcast_in_dim3A_190 : vector<1024x1024xi1>, vector<1024x1024xf32>
    %reduce_max3A_192 = arith.constant dense<0xFF800000> : vector<1024xf32>
    %reduce_max3A_193 = vector.multi_reduction <maximumf>, %select_n3A_191, %reduce_max3A_192 [1] : vector<1024x1024xf32> to vector<1024xf32>
    %broadcast_in_dim3A_194 = vector.shape_cast %reduce_max3A_193 : vector<1024xf32> to vector<1024x1xf32>
    %ge3A_195 = vector.broadcast %broadcast_in_dim3A_194 : vector<1024x1xf32> to vector<1024x1024xf32>
    %ge3A_196 = arith.cmpf oge, %select_n3A_191, %ge3A_195 : vector<1024x1024xf32>
    %jit3A_197 = arith.constant 1024 : i32
    %broadcast_in_dim3A_198 = vector.broadcast %jit3A_197 : i32 to vector<1024x1024xi32>
    %select_n3A_199 = arith.select %ge3A_196, %iota3A, %broadcast_in_dim3A_198 : vector<1024x1024xi1>, vector<1024x1024xi32>
    %reduce_min3A_200 = arith.constant dense<2147483647> : vector<1024xi32>
    %reduce_min3A_201 = vector.multi_reduction <minsi>, %select_n3A_199, %reduce_min3A_200 [1] : vector<1024x1024xi32> to vector<1024xi32>
    %broadcast_in_dim3A_202 = vector.shape_cast %reduce_min3A_201 : vector<1024xi32> to vector<1024x1xi32>
    %concatenate3A = tpu.concatenate %broadcast_in_dim3A_31, %broadcast_in_dim3A_48, %broadcast_in_dim3A_70, %broadcast_in_dim3A_92, %broadcast_in_dim3A_114, %broadcast_in_dim3A_136, %broadcast_in_dim3A_158, %broadcast_in_dim3A_180, %broadcast_in_dim3A_202 in 1 : vector<1024x1xi32>, vector<1024x1xi32>, vector<1024x1xi32>, vector<1024x1xi32>, vector<1024x1xi32>, vector<1024x1xi32>, vector<1024x1xi32>, vector<1024x1xi32>, vector<1024x1xi32> -> vector<1024x9xi32>
    %mul3A_203 = arith.constant 1024 : i32
    %mul3A_204 = arith.muli %arg0, %mul3A_203 : i32
    %add3A_205 = vector.broadcast %mul3A_204 : i32 to vector<1024x9xi32>
    %add3A_206 = arith.addi %concatenate3A, %add3A_205 : vector<1024x9xi32>
    %swap3A = arith.constant 0 : index
    %swap3A_207 = arith.constant 0 : index
    %swap3A_208 = arith.constant 0 : index
    %swap3A_209 = vector.load %arg9[%swap3A, %swap3A_207, %swap3A_208] : memref<1x1024x9xi32, #tpu.memory_space<vmem>>, vector<1x1024x9xi32>
    %swap3A_210 = vector.shape_cast %swap3A_209 : vector<1x1024x9xi32> to vector<1024x9xi32>
    %swap3A_211 = vector.shape_cast %add3A_206 : vector<1024x9xi32> to vector<1x1024x9xi32>
    tpu.vector_store %arg9[%swap3A, %swap3A_207, %swap3A_208], %swap3A_211 {strides = array<i32>} : memref<1x1024x9xi32, #tpu.memory_space<vmem>>, vector<1x1024x9xi32>,
    %get3A_212 = arith.constant 0 : index
    %get3A_213 = arith.constant 0 : index
    %get3A_214 = vector.load %arg4[%get3A_212, %get3A_213] : memref<96x192xf32, #tpu.memory_space<vmem>>, vector<96x192xf32>
    %dot_general3A_215 = arith.constant dense<0.000000e+00> : vector<1024x192xf32>
    %dot_general3A_216 = tpu.matmul %add3A_11, %get3A_214, %dot_general3A_215 {dimension_numbers = #tpu.dot_dimension_numbers<[0], [0], [1], [1], [0, 1, 1, 1], [], []>, transpose_lhs_hint = false} : vector<96x1024xf32>, vector<96x192xf32>, vector<1024x192xf32> -> vector<1024x192xf32>
    %get3A_217 = arith.constant 0 : index
    %get3A_218 = arith.constant 0 : index
    %get3A_219 = vector.load %arg6[%get3A_217, %get3A_218] : memref<1x192xf32, #tpu.memory_space<vmem>>, vector<1x192xf32>
    %add3A_220 = vector.broadcast %get3A_219 : vector<1x192xf32> to vector<1024x192xf32>
    %add3A_221 = arith.addf %dot_general3A_216, %add3A_220 : vector<1024x192xf32>
    %swap3A_222 = arith.constant 0 : index
    %swap3A_223 = arith.constant 0 : index
    %swap3A_224 = arith.constant 0 : index
    %swap3A_225 = vector.load %arg7[%swap3A_222, %swap3A_223, %swap3A_224] : memref<1x1024x192xf32, #tpu.memory_space<vmem>>, vector<1x1024x192xf32>
    %swap3A_226 = vector.shape_cast %swap3A_225 : vector<1x1024x192xf32> to vector<1024x192xf32>
    %swap3A_227 = vector.shape_cast %add3A_221 : vector<1024x192xf32> to vector<1x1024x192xf32>
    tpu.vector_store %arg7[%swap3A_222, %swap3A_223, %swap3A_224], %swap3A_227 {strides = array<i32>} : memref<1x1024x192xf32, #tpu.memory_space<vmem>>, vector<1x1024x192xf32>,
    %get3A_228 = arith.constant 0 : index
    %get3A_229 = arith.constant 0 : index
    %get3A_230 = vector.load %arg5[%get3A_228, %get3A_229] : memref<96x192xf32, #tpu.memory_space<vmem>>, vector<96x192xf32>
    %dot_general3A_231 = arith.constant dense<0.000000e+00> : vector<1024x192xf32>
    %dot_general3A_232 = tpu.matmul %add3A_11, %get3A_230, %dot_general3A_231 {dimension_numbers = #tpu.dot_dimension_numbers<[0], [0], [1], [1], [0, 1, 1, 1], [], []>, transpose_lhs_hint = false} : vector<96x1024xf32>, vector<96x192xf32>, vector<1024x192xf32> -> vector<1024x192xf32>
    %swap3A_233 = arith.constant 0 : index
    %swap3A_234 = arith.constant 0 : index
    %swap3A_235 = arith.constant 0 : index
    %swap3A_236 = vector.load %arg8[%swap3A_233, %swap3A_234, %swap3A_235] : memref<1x1024x256xf32, #tpu.memory_space<vmem>>, vector<1x1024x192xf32>
    %swap3A_237 = vector.shape_cast %swap3A_236 : vector<1x1024x192xf32> to vector<1024x192xf32>
    %swap3A_238 = vector.shape_cast %dot_general3A_232 : vector<1024x192xf32> to vector<1x1024x192xf32>
    tpu.vector_store %arg8[%swap3A_233, %swap3A_234, %swap3A_235], %swap3A_238 {strides = array<i32>} : memref<1x1024x256xf32, #tpu.memory_space<vmem>>, vector<1x1024x192xf32>,
    return
  }
  func.func @transform_0(%arg0: i32) -> (i32, i32, i32) {
    %c0_i32 = arith.constant 0 : i32
    %c0_i32_0 = arith.constant 0 : i32
    %c0_i32_1 = arith.constant 0 : i32
    return %arg0, %c0_i32, %c0_i32_0 : i32, i32, i32
  }
  func.func @transform_1(%arg0: i32) -> (i32, i32) {
    %c0_i32 = arith.constant 0 : i32
    %c0_i32_0 = arith.constant 0 : i32
    %c0_i32_1 = arith.constant 0 : i32
    return %c0_i32, %c0_i32_0 : i32, i32
  }
  func.func @transform_2(%arg0: i32) -> (i32, i32) {
    %c0_i32 = arith.constant 0 : i32
    %c0_i32_0 = arith.constant 0 : i32
    %c0_i32_1 = arith.constant 0 : i32
    return %c0_i32, %c0_i32_0 : i32, i32
  }
  func.func @transform_3(%arg0: i32) -> (i32, i32) {
    %c0_i32 = arith.constant 0 : i32
    %c0_i32_0 = arith.constant 0 : i32
    %c0_i32_1 = arith.constant 0 : i32
    return %c0_i32, %c0_i32_0 : i32, i32
  }
  func.func @transform_4(%arg0: i32) -> (i32, i32) {
    %c0_i32 = arith.constant 0 : i32
    %c0_i32_0 = arith.constant 0 : i32
    %c0_i32_1 = arith.constant 0 : i32
    return %c0_i32, %c0_i32_0 : i32, i32
  }
  func.func @transform_5(%arg0: i32) -> (i32, i32) {
    %c0_i32 = arith.constant 0 : i32
    %c0_i32_0 = arith.constant 0 : i32
    %c0_i32_1 = arith.constant 0 : i32
    return %c0_i32, %c0_i32_0 : i32, i32
  }
  func.func @transform_6(%arg0: i32) -> (i32, i32, i32) {
    %c0_i32 = arith.constant 0 : i32
    %c0_i32_0 = arith.constant 0 : i32
    %c0_i32_1 = arith.constant 0 : i32
    return %arg0, %c0_i32, %c0_i32_0 : i32, i32, i32
  }
  func.func @transform_7(%arg0: i32) -> (i32, i32, i32) {
    %c0_i32 = arith.constant 0 : i32
    %c0_i32_0 = arith.constant 0 : i32
    %c0_i32_1 = arith.constant 0 : i32
    return %arg0, %c0_i32, %c0_i32_0 : i32, i32, i32
  }
  func.func @transform_8(%arg0: i32) -> (i32, i32, i32) {
    %c0_i32 = arith.constant 0 : i32
    %c0_i32_0 = arith.constant 0 : i32
    %c0_i32_1 = arith.constant 0 : i32
    return %arg0, %c0_i32, %c0_i32_0 : i32, i32, i32
  }
}

</mosaic_0001>

<sc_bundles>
// kernel: kernel.5.cloned.1.call-start
scs
__scs_entry_jumppad:
0x0: {  	(pc) =	sbr.rel $0x88, $3  }
0x1: {  	(tag) =	ssettag $0x0;
	lr =	simm.s32 $0x1  }
0x2: {  	[smem:$0x3F96] =	sst lr;
	_ =	strace $0xD0000000  }
0x3: {  	_ = 	snop  }
0x4: {  	_ = 	snop  }
0x5: {  	_ = 	snop  }
0x6: {  	_ = 	snop  }
0x7: {  	_ = 	snop  }
__scs_overlays_trampoline_lowered:
0x8: {  	[smem:$0x3FA5] =	sst s0  }
0x9: {  	[smem:$0x3FA6] =	sst s1  }
0xa: {  	[smem:$0x3FA7] =	sst s2  }
0xb: {  	[smem:$0x3FA8] =	sst s3  }
0xc: {  	[smem:$0x3FA9] =	sst s4  }
0xd: {  	[smem:$0x3FAA] =	sst s5  }
0xe: {  	[smem:$0x3FAB] =	sst s6  }
0xf: {  	[smem:$0x3FAC] =	sst s7  }
0x10: {  	[smem:$0x3FAD] =	sst s8  }
0x11: {  	[smem:$0x3FAE] =	sst s9;
	s0 =	simm.s32 @!p0 $0x0  }
0x12: {  	s1 =	sld [smem:$0x3F94];
	s0 =	simm.s32 @p0 $0x1  }
0x13: {  	[smem:$0x3FAF] =	sst s0;
	s0 =	simm.s32 @!p1 $0x0  }
0x14: {  	s2 =	sld [smem:$0x3F93];
	s0 =	simm.s32 @p1 $0x1  }
0x15: {  	[smem:$0x3FB0] =	sst s0;
	s0 =	simm.s32 @!p2 $0x0  }
0x16: {  	s3 =	sld [smem:$0x3FDB];
	s0 =	simm.s32 @p2 $0x1  }
0x17: {  	s4 =	simm.s32 $0x1BF5;
	[smem:$0x3FB2] =	sst s0  }
0x18: {  	s0 =	sld [smem:$0x3F95];
	_ =	swait.ge [sflag:s4], $0x0  }
0x19: {  	s7 =	sld [smem:$0x3F96]  }
0x1a: {  	s8 =	sadd.s32 $0xFFFFE003, lr  }
0x1b: {  	s9 =	sadd.s32 $0xFFFFFEF7, lr;
	s5 =	simm.s32 $0xFFFFFFFF;
	p2 =	slt.u32 s8, $0xFFFFF086  }
0x1c: {  	p1 =	slt.u32 s9, $0xF7A;
	s5 =	simm.s32 @!p2 $0x0  }
0x1d: {  	s5 =	simm.s32 @p1 $0x1;
	p0 =	seq.s32 s7, s2  }
0x1e: {  	s7 =	smul.u32 @!p0 $0xF7A, s2;
	p2 =	seq.s32 @!p0 s5, $0x0  }
0x1f: {  	s9 =	smul.u32 $0xF7A, s1;
	s8 =	simm.s32 @!p0 $0x1BF5;
	p2 =	por !p2, p0  }
0x20: {  	[sflag:s8] =	ssyncset.s32 @!p0 $0xFFFFF086;
	s6 =	sadd.s32 @!p0 s3, s7;
	s7 =	simm.s32 @!p0 $0x108  }
0x21: {  	s3 =	sadd.s32 s3, s9;
	s6 =	sadd.s32 @!p0 $0x88, s6;
	s7 =	simm.s32 @p2 $0x1082  }
0x22: {  	[simem:s7], [sflag:s8] =	dma.local @!p0 [hbm:s6], $0xF7A  }
0x23: {  	s9 =	sor.u32 $0xD0000000, s2;
	s6 =	simm.s32 $0x108;
	_ =	swait.ge @!p0 [sflag:s8], $0x0  }
0x24: {  	s3 =	sadd.s32 $0x88, s3;
	s6 =	simm.s32 @!p1 $0x1082;
	[sflag:s4] =	ssyncset.s32 $0xFFFFF086  }
0x25: {  	[simem:s6], [sflag:s4] =	dma.local [hbm:s3], $0xF7A  }
0x26: {  	[smem:$0x3F96] =	sst s1;
	(tag) =	ssettag s2;
	_ =	strace s9  }
0x27: {  	s1 =	sld [smem:$0x3FA6]  }
0x28: {  	s2 =	sld [smem:$0x3FA7]  }
0x29: {  	s4 =	sld [smem:$0x3FA9]  }
0x2a: {  	p0 =	seq.s32 s5, $0x0;
	s5 =	sld [smem:$0x3FAA]  }
0x2b: {  	s6 =	sld [smem:$0x3FAB]  }
0x2c: {  	s7 =	sld [smem:$0x3FAC]  }
0x2d: {  	s3 =	simm.s32 $0x108;
	s8 =	sld [smem:$0x3FAD]  }
0x2e: {  	s3 =	simm.s32 @!p0 $0x1082;
	s9 =	sld [smem:$0x3FAE]  }
0x2f: {  	lr =	sadd.s32 s0, s3;
	s0 =	sld [smem:$0x3FA5]  }
0x30: {  	s3 =	sld [smem:$0x3FA8]  }
0x31: {  	[smem:$0x3FB1] =	sst s10  }
0x32: {  	s10 =	sld [smem:$0x3FAF];
	_ =	sdelay $0x3  }
0x33: {  	p0 =	seq.s32 s10, $0x1;
	s10 =	sld [smem:$0x3FB1];
	_ =	sdelay $0x3  }
0x34: {  	[smem:$0x3FB1] =	sst s10  }
0x35: {  	s10 =	sld [smem:$0x3FB0];
	_ =	sdelay $0x3  }
0x36: {  	p1 =	seq.s32 s10, $0x1;
	s10 =	sld [smem:$0x3FB1];
	_ =	sdelay $0x3  }
0x37: {  	[smem:$0x3FB1] =	sst s10  }
0x38: {  	s10 =	sld [smem:$0x3FB2]  }
0x39: {  	_ = 	snop;
	(pc) =	sbr.ind lr, $3  }
0x3a: {  	_ = 	snop  }
0x3b: {  	_ = 	snop  }
0x3c: {  	p2 =	seq.s32 s10, $0x1;
	s10 =	sld [smem:$0x3FB1]  }
0x3d: {  	_ =	shalt  }
0x3e: {  	_ =	shalt  }
0x3f: {  	_ =	shalt  }
0x40: {  	_ =	shalt  }
0x41: {  	_ =	shalt  }
0x42: {  	_ =	shalt  }
0x43: {  	_ =	shalt  }
0x44: {  	_ =	shalt  }
0x45: {  	_ =	shalt  }
0x46: {  	_ =	shalt  }
0x47: {  	_ =	shalt  }
0x48: {  	_ =	shalt  }
0x49: {  	_ =	shalt  }
0x4a: {  	_ =	shalt  }
0x4b: {  	_ =	shalt  }
0x4c: {  	_ =	shalt  }
0x4d: {  	_ =	shalt  }
0x4e: {  	_ =	shalt  }
0x4f: {  	_ =	shalt  }
0x50: {  	_ =	shalt  }
0x51: {  	_ =	shalt  }
0x52: {  	_ =	shalt  }
0x53: {  	_ =	shalt  }
0x54: {  	_ =	shalt  }
0x55: {  	_ =	shalt  }
0x56: {  	_ =	shalt  }
0x57: {  	_ =	shalt  }
0x58: {  	_ =	shalt  }
0x59: {  	_ =	shalt  }
0x5a: {  	_ =	shalt  }
0x5b: {  	_ =	shalt  }
0x5c: {  	_ =	shalt  }
0x5d: {  	_ =	shalt  }
0x5e: {  	_ =	shalt  }
0x5f: {  	_ =	shalt  }
0x60: {  	_ =	shalt  }
0x61: {  	_ =	shalt  }
0x62: {  	_ =	shalt  }
0x63: {  	_ =	shalt  }
0x64: {  	_ =	shalt  }
0x65: {  	_ =	shalt  }
0x66: {  	_ =	shalt  }
0x67: {  	_ =	shalt  }
0x68: {  	_ =	shalt  }
0x69: {  	_ =	shalt  }
0x6a: {  	_ =	shalt  }
0x6b: {  	_ =	shalt  }
0x6c: {  	_ =	shalt  }
0x6d: {  	_ =	shalt  }
0x6e: {  	_ =	shalt  }
0x6f: {  	_ =	shalt  }
0x70: {  	_ =	shalt  }
0x71: {  	_ =	shalt  }
0x72: {  	_ =	shalt  }
0x73: {  	_ =	shalt  }
0x74: {  	_ =	shalt  }
0x75: {  	_ =	shalt  }
0x76: {  	_ =	shalt  }
0x77: {  	_ =	shalt  }
0x78: {  	_ =	shalt  }
0x79: {  	_ =	shalt  }
0x7a: {  	_ =	shalt  }
0x7b: {  	_ =	shalt  }
0x7c: {  	_ =	shalt  }
0x7d: {  	_ =	shalt  }
0x7e: {  	_ =	shalt  }
0x7f: {  	_ =	shalt  }
0x80: {  	_ =	shalt  }
0x81: {  	_ =	shalt  }
0x82: {  	_ =	shalt  }
0x83: {  	_ =	shalt  }
0x84: {  	_ =	shalt  }
0x85: {  	_ =	shalt  }
0x86: {  	_ =	shalt  }
0x87: {  	_ =	shalt  }
.Lfunc_end0:
.L_simem_size_0:
called_computation_lowered:
.L_overlay_start_0:
0x88: {  	s2 =	sld [smem:$0x3FD9]  }
0x89: {  	s3 =	sld [smem:$0x3FFE];
	_ =	sdelay $0x1  }
0x8a: {  	s1 =	srdreg.scid  }
0x8b: {  	s0 =	sand.u32 $0x1, s1  }
0x8c: {  	s17 =	sshll.u32 s0, $0xA;
	s2 =	sadd.s32 s3, s2  }
0x8d: {  	s2 =	sadd.s32 s2, s17  }
0x8e: {  	[smem:$0x3FBD] =	sst s2  }
0x8f: {  	_ = 	snop  }
0x90: {  	s2 =	sld [smem:$0x3FD0];
	(tm) =	ssettm $0x1  }
0x91: {  	s18 =	sld [smem:$0x3FFB];
	_ =	sdelay $0x3  }
0x92: {  	_ =	strace s18  }
0x93: {  	s3 =	sld [smem:$0x3FFC];
	_ =	sdelay $0x3  }
0x94: {  	_ =	strace s3  }
0x95: {  	s3 =	sld [smem:$0x3FFD];
	_ =	sdelay $0x3  }
0x96: {  	_ =	strace s3  }
0x97: {  	_ =	strace $0x8FFFFFFF  }
0x98: {  	s19 =	sld [smem:$0x3FDB];
	_ =	sdelay $0x1  }
0x99: {  	s4 =	simm.s32 $_scs_section_size  }
0x9a: {  	s5 =	simm.s32 $_size__tile_overlayer_lowered;
	s6 =	simm.s32 $_tile_overlayer_lowered  }
0x9b: {  	s22 =	simm.s32 $0x1BFF;
	s21 =	sshll.u32 s6, $0x1;
	s3 =	sadd.s32 s4, s19  }
0x9c: {  	s7 =	simm.s32 $0x0;
	s20 =	sshll.u32 s5, $0x1;
	s5 =	sadd.s32 s21, s3  }
0x9d: {  	[timem:s7], [sflag:s22] =	dma.local [hbm:s5], s20  }
0x9e: {  	_ =	swait.ge [sflag:s22], s20  }
0x9f: {  	s4 =	ssub.s32 $0x0, s20;
	[sflag:s22] =	ssyncset.done $0x0  }
0xa0: {  	[sflag:s22] =	ssyncadd.s32 s4;
	_ =	sdelay $0x1  }
0xa1: {  	s23 =	simm.s32 $0x1B8B  }
0xa2: {  	_ =	swait.ge [sflag:s23], $0x1  }
0xa3: {  	[sflag:s23] =	ssyncset.done $0x0  }
0xa4: {  	s25 =	simm.s32 $0x1B8E;
	s24 =	sld [smem:$0x3FFE];
	[sflag:s23] =	ssyncadd.s32 $0xFFFFFFFF  }
0xa5: {  	s26 =	simm.s32 $execute0_lowered;
	[smem:$0x3FD2] =	sst s25  }
0xa6: {  	s5 =	sshll.u32 s26, $0x1;
	_ =	strace $0x80000046;
	[dreg:$0x1] =	wrdreg $0xFFFFFFFF  }
0xa7: {  	s28 =	simm.s32 $_size_execute0_lowered;
	s3 =	sadd.s32 s3, s5;
	[dreg:$0x0] =	wrdreg $0x0  }
0xa8: {  	s5 =	sshll.u32 s28, $0x1;
	[dreg:$0x2] =	wrdreg s3  }
0xa9: {  	[dreg:$0x3] =	wrdreg s5  }
0xaa: {  	[dreg:$0x4] =	wrdreg $0xC0  }
0xab: {  	_ =	task [dreg:s7], $0x5FFFF  }
0xac: {  	[dreg:$0x1] =	wrdreg $0xFFFFFFFF  }
0xad: {  	[dreg:$0x0] =	wrdreg $0x60  }
0xae: {  	[dreg:$0x2] =	wrdreg s24  }
0xaf: {  	[dreg:$0x3] =	wrdreg s2  }
0xb0: {  	[dreg:$0x4] =	wrdreg $0x9  }
0xb1: {  	_ =	task.clear_ibuf [dreg:s7], $0x5FFFF;
	_ =	strace $0x90000046  }
0xb2: {  	s29 =	simm.s32 $0x9;
	_ =	strace $0x80000048  }
0xb3: {  	_ =	swait.ge [sflag:s29], $0x1  }
0xb4: {  	[sflag:s29] =	ssyncadd.s32 $0xFFFFFFFF  }
0xb5: {  	_ =	strace $0x90000048  }
0xb6: {  	_ =	sfence  }
0xb7: {  	s30 =	sld [smem:$0x0];
	_ =	sdelay $0x2  }
0xb8: {  	s31 =	sshll.u32 s1, $0xD;
	s1 =	sshrl.u32 s1, $0x2  }
0xb9: {  	s3 =	sand.u32 $0x4000, s31;
	s1 =	sadd.s32 s1, s30  }
0xba: {  	s0 =	sor.u32 s3, s0;
	s1 =	sshll.u32 s1, $0x11  }
0xbb: {  	s0 =	sor.u32 s1, s0  }
0xbc: {  	s0 =	sadd.s32 $0x8F2B, s0  }
0xbd: {  	[sflag:s0] =	ssyncadd.remote.s32 $0x1  }
0xbe: {  	_ =	sfence.sel $0xFFFF  }
0xbf: {  	[dreg:$0x0] =	wrdreg $0xFFFFFFFF;
	(pc) =	sbr.abs _section_cstart, $3  }
0xc0: {  	[dreg:$0x1] =	wrdreg $0xFFFFFFFF  }
0xc1: {  	_ =	task.clear_ibuf [dreg:s7], $0x2FFFF;
	_ =	strace $0x9FFFFFFF  }
0xc2: {  	(tm) =	ssettm $0x7FFFFFFF  }
0xc3: {  	_ =	shalt  }
tec
execute0_lowered:
.L_overlay_start_1:
0x0: {  	(tag) =	ssettag $0x1  }
0x1: {  	s0 =	rddreg [dreg:$0x0]  }
0x2: {  	s1 =	rddreg [dreg:$0x1];
	s2 =	simm.s32 $0x0;
	s3 =	srdreg.scid  }
0x3: {  	s5 =	stileid.u32;
	s21 =	simm.s32 $0x7800;
	s22 =	simm.s32 $0x8000  }
0x4: {  	s23 =	simm.s32 $0x8800;
	s28 =	simm.s32 $0xA000;
	s29 =	simm.s32 $0x2  }
0x5: {  	s30 =	simm.s32 $0x4;
	s31 =	simm.s32 $0xA800;
	[smem:$0x7FF] =	sst s2  }
0x6: {  	s4 =	sand.u32 $0x1, s3;
	s24 =	sshll.u32 s5, $0x1;
	s3 =	sadd.s32 $0x2000, s0  }
0x7: {  	_ =	strace $0x80000047;
	s5 =	sor.u32 s4, s24;
	s4 =	ssub.s32 $0x2, s4  }
.Ltmp0:
0x8: {  	s24 =	simm.s32 $0x9000;
	s6 =	sshll.u32 s5, $0xD;
	(pc) =	sbr.rel .LBB2_1-.Ltmp0, $4  }
0x9: {  	s25 =	sshrl.u32 s4, $0x1;
	s5 =	sshll.u32 s5, $0x9;
	s0 =	sadd.s32 s6, s0  }
0xa: {  	v2 =	vlaneseq.u32;
	s4 =	ssub.s32 s4, s25;
	s1 =	sadd.s32 s1, s5;
	s25 =	simm.s32 $0x9800  }
0xb: {  	vm0 =	vmmov $0xffff;
	v1 =	vshrl.u32 v2, $0x3;
	[dreg:$0x3] =	wrdreg s1;
	s5 =	sadd.s32 $0x42000, s0;
	s26 =	smax.u32 s4, $0x1  }
0xc: {  	v0 =	vand.u32 $0x7, v2;
	v2 =	vor.u32 $0x8, v2;
	v1 =	vmul.u32 $0x8, v1;
	s1 =	simm.s32 $0x0;
	[dreg:$0x4] =	wrdreg s26;
	s26 =	simm.s32 $0x1  }
.LBB2_12:
0xd: {  	s0 =	simm.s32 $0x3  }
0xe: {  	_ =	swait.ge [sflag:s0], $0x800  }
0xf: {  	[sflag:s0] =	ssyncset.done $0x0  }
0x10: {  	[sflag:s0] =	ssyncadd.s32 $0xFFFFF800  }
0x11: {  	_ =	swait.ge [sflag:s30], $0x800  }
0x12: {  	s1 =	rddreg [dreg:$0x5]  }
0x13: {  	s20 =	rddreg [dreg:$0x4];
	s1 =	sadd.s32 $0x1, s1  }
0x14: {  	p0 =	sne.s32 s1, s20  }
.Ltmp1:
0x15: {  	_ = 	snop;
	(pc) =	sbr.rel @!p0 .LBB2_13-.Ltmp1, $3  }
0x16: {  	_ =	sdelay $0x1  }
0x17: {  	[sflag:s30] =	ssyncset.done $0x0  }
0x18: {  	[sflag:s30] =	ssyncadd.s32 $0xFFFFF800  }
.LBB2_1:
0x19: {  	[dreg:$0x5] =	wrdreg s1  }
0x1a: {  	s0 =	rddreg [dreg:$0x3];
	s7 =	simm.s32 $0x5  }
0x1b: {  	[tilespmem:s2], [sflag:$0x5] =	stream.linear.gather [hbm4b:s0+s2], $0x1000, $0x38;
	[tilespmem:$0xB000] =	vst v63  }
0x1c: {  	_ =	swait.ge [sflag:s7], $0x1000  }
0x1d: {  	[sflag:s7] =	ssyncset.done $0x0  }
0x1e: {  	[sflag:s7] =	ssyncadd.s32 $0xFFFFF000  }
0x1f: {  	v3 =	vld [tilespmem:$0x0];
	_ =	sdelay $0x4  }
0x20: {  	v4 =	vshll.u32 v3, $0x1  }
0x21: {  	v3 =	vand.u32 $0x7, v3;
	v4 =	vand.u32 $0xFFFFFFF0, v4  }
0x22: {  	v3 =	vor.u32 v3, v4  }
0x23: {  	v4 =	vperm.xlane v3, v0;
	_ =	sdelay $0x1  }
0x24: {  	v3 =	vperm.xlane v3, v2;
	v4 =	vadd.s32 v1, v4;
	_ =	sdelay $0x1  }
0x25: {  	v3 =	vadd.s32 v1, v3;
	_ =	sdelay $0x1  }
0x26: {  	s8 =	simm.s32 $0x1000  }
0x27: {  	[tilespmem:s8], [sflag:$0x1] =	stream.indirect_vreg.gather [hbm4b:s3+s2], $0x80, v4, vm0, $0xb8;
	[tilespmem:$0xB000] =	vst v63  }
0x28: {  	s9 =	simm.s32 $0x1800  }
0x29: {  	[tilespmem:s9], [sflag:$0x1] =	stream.indirect_vreg.gather [hbm4b:s3+s2], $0x80, v3, vm0, $0xb8;
	[tilespmem:$0xB000] =	vst v63  }
0x2a: {  	v3 =	vld [tilespmem:$0x10];
	_ =	sdelay $0x4  }
0x2b: {  	v55 =	vshll.u32 v3, $0x1  }
0x2c: {  	v3 =	vand.u32 $0x7, v3;
	v4 =	vand.u32 $0xFFFFFFF0, v55  }
0x2d: {  	v3 =	vor.u32 v3, v4  }
0x2e: {  	v4 =	vperm.xlane v3, v0;
	_ =	sdelay $0x1  }
0x2f: {  	v3 =	vperm.xlane v3, v2;
	v4 =	vadd.s32 v1, v4;
	_ =	sdelay $0x1  }
0x30: {  	v3 =	vadd.s32 v1, v3;
	_ =	sdelay $0x1  }
0x31: {  	s10 =	simm.s32 $0x2000  }
0x32: {  	[tilespmem:s10], [sflag:$0x1] =	stream.indirect_vreg.gather [hbm4b:s3+s2], $0x80, v4, vm0, $0xb8;
	[tilespmem:$0xB000] =	vst v63  }
0x33: {  	s11 =	simm.s32 $0x2800  }
0x34: {  	[tilespmem:s11], [sflag:$0x1] =	stream.indirect_vreg.gather [hbm4b:s3+s2], $0x80, v3, vm0, $0xb8;
	[tilespmem:$0xB000] =	vst v63  }
0x35: {  	v3 =	vld [tilespmem:$0x20];
	_ =	sdelay $0x4  }
0x36: {  	v56 =	vshll.u32 v3, $0x1  }
0x37: {  	v3 =	vand.u32 $0x7, v3;
	v4 =	vand.u32 $0xFFFFFFF0, v56  }
0x38: {  	v3 =	vor.u32 v3, v4  }
0x39: {  	v4 =	vperm.xlane v3, v0;
	_ =	sdelay $0x1  }
0x3a: {  	v3 =	vperm.xlane v3, v2;
	v4 =	vadd.s32 v1, v4;
	_ =	sdelay $0x1  }
0x3b: {  	v3 =	vadd.s32 v1, v3;
	_ =	sdelay $0x1  }
0x3c: {  	s12 =	simm.s32 $0x3000  }
0x3d: {  	[tilespmem:s12], [sflag:$0x1] =	stream.indirect_vreg.gather [hbm4b:s3+s2], $0x80, v4, vm0, $0xb8;
	[tilespmem:$0xB000] =	vst v63  }
0x3e: {  	s13 =	simm.s32 $0x3800  }
0x3f: {  	[tilespmem:s13], [sflag:$0x1] =	stream.indirect_vreg.gather [hbm4b:s3+s2], $0x80, v3, vm0, $0xb8;
	[tilespmem:$0xB000] =	vst v63  }
0x40: {  	v3 =	vld [tilespmem:$0x30];
	_ =	sdelay $0x4  }
0x41: {  	v57 =	vshll.u32 v3, $0x1  }
0x42: {  	v3 =	vand.u32 $0x7, v3;
	v4 =	vand.u32 $0xFFFFFFF0, v57  }
0x43: {  	v3 =	vor.u32 v3, v4  }
0x44: {  	v4 =	vperm.xlane v3, v0;
	_ =	sdelay $0x1  }
0x45: {  	v3 =	vperm.xlane v3, v2;
	v4 =	vadd.s32 v1, v4;
	_ =	sdelay $0x1  }
0x46: {  	v3 =	vadd.s32 v1, v3;
	_ =	sdelay $0x1  }
0x47: {  	s14 =	simm.s32 $0x4000  }
0x48: {  	[tilespmem:s14], [sflag:$0x1] =	stream.indirect_vreg.gather [hbm4b:s3+s2], $0x80, v4, vm0, $0xb8;
	[tilespmem:$0xB000] =	vst v63  }
0x49: {  	s15 =	simm.s32 $0x4800  }
0x4a: {  	[tilespmem:s15], [sflag:$0x1] =	stream.indirect_vreg.gather [hbm4b:s3+s2], $0x80, v3, vm0, $0xb8;
	[tilespmem:$0xB000] =	vst v63  }
0x4b: {  	v3 =	vld.msk [tilespmem:$0x40], $0xff;
	_ =	sdelay $0x4  }
0x4c: {  	v58 =	vshll.u32 v3, $0x1  }
0x4d: {  	v3 =	vand.u32 $0x7, v3;
	v4 =	vand.u32 $0xFFFFFFF0, v58  }
0x4e: {  	v3 =	vor.u32 v3, v4  }
0x4f: {  	v3 =	vperm.xlane v3, v0;
	_ =	sdelay $0x1  }
0x50: {  	v3 =	vadd.s32 v1, v3;
	_ =	sdelay $0x3  }
0x51: {  	s16 =	simm.s32 $0x5000  }
0x52: {  	[tilespmem:s16], [sflag:$0x1] =	stream.indirect_vreg.gather [hbm4b:s3+s2], $0x80, v3, vm0, $0xb8;
	[tilespmem:$0xB000] =	vst v63  }
0x53: {  	v3 =	vld [tilespmem:$0x80];
	_ =	sdelay $0x4  }
0x54: {  	v59 =	vshll.u32 v3, $0x1  }
0x55: {  	v3 =	vand.u32 $0x7, v3;
	v4 =	vand.u32 $0xFFFFFFF0, v59  }
0x56: {  	v3 =	vor.u32 v3, v4  }
0x57: {  	v4 =	vperm.xlane v3, v0;
	_ =	sdelay $0x1  }
0x58: {  	v3 =	vperm.xlane v3, v2;
	v4 =	vadd.s32 v1, v4;
	_ =	sdelay $0x1  }
0x59: {  	v3 =	vadd.s32 v1, v3;
	_ =	sdelay $0x1  }
0x5a: {  	s17 =	simm.s32 $0x5800  }
0x5b: {  	[tilespmem:s17], [sflag:$0x2] =	stream.indirect_vreg.gather [hbm4b:s3+s2], $0x80, v4, vm0, $0xb8;
	[tilespmem:$0xB000] =	vst v63  }
0x5c: {  	s18 =	simm.s32 $0x6000  }
0x5d: {  	[tilespmem:s18], [sflag:$0x2] =	stream.indirect_vreg.gather [hbm4b:s3+s2], $0x80, v3, vm0, $0xb8;
	[tilespmem:$0xB000] =	vst v63  }
0x5e: {  	v3 =	vld [tilespmem:$0x90];
	_ =	sdelay $0x4  }
0x5f: {  	v60 =	vshll.u32 v3, $0x1  }
0x60: {  	v3 =	vand.u32 $0x7, v3;
	v4 =	vand.u32 $0xFFFFFFF0, v60  }
0x61: {  	v3 =	vor.u32 v3, v4  }
0x62: {  	v4 =	vperm.xlane v3, v0;
	_ =	sdelay $0x1  }
0x63: {  	v3 =	vperm.xlane v3, v2;
	v4 =	vadd.s32 v1, v4;
	_ =	sdelay $0x1  }
0x64: {  	v3 =	vadd.s32 v1, v3;
	_ =	sdelay $0x1  }
0x65: {  	s19 =	simm.s32 $0x6800  }
0x66: {  	[tilespmem:s19], [sflag:$0x2] =	stream.indirect_vreg.gather [hbm4b:s3+s2], $0x80, v4, vm0, $0xb8;
	[tilespmem:$0xB000] =	vst v63  }
0x67: {  	s20 =	simm.s32 $0x7000  }
0x68: {  	[tilespmem:s20], [sflag:$0x2] =	stream.indirect_vreg.gather [hbm4b:s3+s2], $0x80, v3, vm0, $0xb8;
	[tilespmem:$0xB000] =	vst v63  }
0x69: {  	v3 =	vld [tilespmem:$0xA0];
	_ =	sdelay $0x4  }
0x6a: {  	v61 =	vshll.u32 v3, $0x1  }
0x6b: {  	v3 =	vand.u32 $0x7, v3;
	v4 =	vand.u32 $0xFFFFFFF0, v61  }
0x6c: {  	v3 =	vor.u32 v3, v4  }
0x6d: {  	v4 =	vperm.xlane v3, v0;
	_ =	sdelay $0x1  }
0x6e: {  	v3 =	vperm.xlane v3, v2;
	v4 =	vadd.s32 v1, v4;
	_ =	sdelay $0x1  }
0x6f: {  	v3 =	vadd.s32 v1, v3;
	_ =	sdelay $0x2  }
0x70: {  	[tilespmem:s21], [sflag:$0x2] =	stream.indirect_vreg.gather [hbm4b:s3+s2], $0x80, v4, vm0, $0xb8;
	[tilespmem:$0xB000] =	vst v63  }
0x71: {  	_ = 	snop  }
0x72: {  	[tilespmem:s22], [sflag:$0x2] =	stream.indirect_vreg.gather [hbm4b:s3+s2], $0x80, v3, vm0, $0xb8;
	[tilespmem:$0xB000] =	vst v63  }
0x73: {  	v3 =	vld [tilespmem:$0xB0];
	_ =	sdelay $0x4  }
0x74: {  	v62 =	vshll.u32 v3, $0x1  }
0x75: {  	v3 =	vand.u32 $0x7, v3;
	v4 =	vand.u32 $0xFFFFFFF0, v62  }
0x76: {  	v3 =	vor.u32 v3, v4  }
0x77: {  	v4 =	vperm.xlane v3, v0;
	_ =	sdelay $0x1  }
0x78: {  	v3 =	vperm.xlane v3, v2;
	v4 =	vadd.s32 v1, v4;
	_ =	sdelay $0x1  }
0x79: {  	v3 =	vadd.s32 v1, v3;
	_ =	sdelay $0x2  }
0x7a: {  	[tilespmem:s23], [sflag:$0x2] =	stream.indirect_vreg.gather [hbm4b:s3+s2], $0x80, v4, vm0, $0xb8;
	[tilespmem:$0xB000] =	vst v63  }
0x7b: {  	_ = 	snop  }
0x7c: {  	[tilespmem:s24], [sflag:$0x2] =	stream.indirect_vreg.gather [hbm4b:s3+s2], $0x80, v3, vm0, $0xb8;
	[tilespmem:$0xB000] =	vst v63  }
0x7d: {  	v3 =	vld.msk [tilespmem:$0xC0], $0xff;
	_ =	sdelay $0x4  }
0x7e: {  	v63 =	vshll.u32 v3, $0x1  }
0x7f: {  	v3 =	vand.u32 $0x7, v3;
	v4 =	vand.u32 $0xFFFFFFF0, v63  }
0x80: {  	v3 =	vor.u32 v3, v4  }
0x81: {  	v3 =	vperm.xlane v3, v0;
	_ =	sdelay $0x1  }
0x82: {  	v3 =	vadd.s32 v1, v3;
	_ =	sdelay $0x3  }
0x83: {  	s4 =	simm.s32 $0x0  }
0x84: {  	[tilespmem:s25], [sflag:$0x2] =	stream.indirect_vreg.gather [hbm4b:s3+s2], $0x80, v3, vm0, $0xb8;
	[tilespmem:$0xB000] =	vst v63  }
.LBB2_2:
0x85: {  	_ =	swait.ge [sflag:s26], $0x4800;
	p0 =	seq.s32 s4, $0x0;
	s1 =	simm.s32 $0x100  }
0x86: {  	s6 =	simm.s32 $0x80;
	s8 =	simm.s32 $0x0;
	s9 =	simm.s32 $0x380  }
0x87: {  	s16 =	simm.s32 $0x200;
	s17 =	simm.s32 $0x100;
	s13 =	simm.s32 $0x500  }
0x88: {  	s12 =	simm.s32 $0x200;
	s18 =	simm.s32 $0x400;
	[sflag:s26] =	ssyncset.done $0x0  }
0x89: {  	s0 =	simm.s32 @!p0 $0x3;
	s14 =	sand.u32 $0x7800, s1;
	s15 =	sand.u32 $0x380, s6  }
0x8a: {  	s1 =	simm.s32 $0x280;
	s6 =	sand.u32 $0x380, s17;
	[sflag:s26] =	ssyncadd.s32 $0xFFFFB800  }
0x8b: {  	s11 =	sand.u32 $0x3FFFF800, s8;
	s12 =	sand.u32 $0x380, s12;
	_ =	swait.ge @!p0 [sflag:s0], $0x800  }
0x8c: {  	s17 =	simm.s32 $0x300;
	s7 =	sor.u32 s15, s14;
	[sflag:s0] =	ssyncset.done @!p0 $0x0  }
0x8d: {  	s14 =	simm.s32 $0x300;
	[sflag:s0] =	ssyncadd.s32 @!p0 $0xFFFFF800;
	s0 =	sand.u32 $0x7800, s16  }
0x8e: {  	s15 =	simm.s32 $0x180;
	s10 =	sor.u32 s6, s0;
	s0 =	sadd.s32 $0x0, s11;
	v3 =	vld [tilespmem:s7+$0x1000]  }
0x8f: {  	s1 =	sand.u32 $0x380, s1;
	s19 =	sand.u32 $0x7800, s14;
	s20 =	sand.u32 $0x380, s15;
	v4 =	vld [tilespmem:s0+$0x1000]  }
0x90: {  	s15 =	sand.u32 $0x7800, s13;
	s11 =	sor.u32 s20, s19;
	s6 =	sand.u32 $0x7800, s18;
	v5 =	vld [tilespmem:s10+$0x1000]  }
0x91: {  	s13 =	sor.u32 s1, s15;
	s16 =	simm.s32 $0x600;
	s12 =	sor.u32 s12, s6;
	v6 =	vld [tilespmem:s11+$0x1000]  }
0x92: {  	s1 =	sand.u32 $0x7800, s16;
	s18 =	simm.s32 $0x700;
	s6 =	sand.u32 $0x380, s17;
	v7 =	vld [tilespmem:s12+$0x1000]  }
0x93: {  	v8 =	vld [tilespmem:s13+$0x1000];
	s20 =	sand.u32 $0x380, s9;
	s19 =	sand.u32 $0x7800, s18;
	s14 =	sor.u32 s6, s1  }
0x94: {  	s15 =	sor.u32 s20, s19;
	v3 =	vmax.f32 v4, v3;
	v4 =	vld [tilespmem:s14+$0x1000]  }
0x95: {  	v3 =	vmax.f32 v3, v5;
	v5 =	vld [tilespmem:s15+$0x1000]  }
0x96: {  	v3 =	vmax.f32 v3, v6;
	v6 =	vld [tilespmem:s0+$0x1800]  }
0x97: {  	v3 =	vmax.f32 v3, v7  }
0x98: {  	v3 =	vmax.f32 v3, v8  }
0x99: {  	v3 =	vmax.f32 v3, v4  }
0x9a: {  	v3 =	vmax.f32 v3, v5  }
0x9b: {  	s1 =	simm.s32 $0x0;
	v3 =	vmax.f32 v3, v6  }
0x9c: {  	[tilespmem:s1+$0xA000] =	vst v3  }
0x9d: {  	v3 =	vld [tilespmem:s0+$0x1010]  }
0x9e: {  	v4 =	vld [tilespmem:s7+$0x1010]  }
0x9f: {  	v5 =	vld [tilespmem:s10+$0x1010]  }
0xa0: {  	v6 =	vld [tilespmem:s11+$0x1010]  }
0xa1: {  	v7 =	vld [tilespmem:s12+$0x1010]  }
0xa2: {  	v56 =	vld [tilespmem:s13+$0x1010]  }
0xa3: {  	v3 =	vmax.f32 v3, v4;
	v4 =	vld [tilespmem:s14+$0x1010]  }
0xa4: {  	v3 =	vmax.f32 v3, v5;
	v5 =	vld [tilespmem:s15+$0x1010]  }
0xa5: {  	v3 =	vmax.f32 v3, v6;
	v6 =	vld [tilespmem:s0+$0x1810]  }
0xa6: {  	v3 =	vmax.f32 v3, v7  }
0xa7: {  	v3 =	vmax.f32 v3, v56  }
0xa8: {  	v3 =	vmax.f32 v3, v4  }
0xa9: {  	v3 =	vmax.f32 v3, v5  }
0xaa: {  	v3 =	vmax.f32 v3, v6  }
0xab: {  	[tilespmem:s1+$0xA010] =	vst v3  }
0xac: {  	v3 =	vld [tilespmem:s0+$0x1020]  }
0xad: {  	v4 =	vld [tilespmem:s7+$0x1020]  }
0xae: {  	v5 =	vld [tilespmem:s10+$0x1020]  }
0xaf: {  	v6 =	vld [tilespmem:s11+$0x1020]  }
0xb0: {  	v7 =	vld [tilespmem:s12+$0x1020]  }
0xb1: {  	v57 =	vld [tilespmem:s13+$0x1020]  }
0xb2: {  	v3 =	vmax.f32 v3, v4;
	v4 =	vld [tilespmem:s14+$0x1020]  }
0xb3: {  	v3 =	vmax.f32 v3, v5;
	v5 =	vld [tilespmem:s15+$0x1020]  }
0xb4: {  	v3 =	vmax.f32 v3, v6;
	v6 =	vld [tilespmem:s0+$0x1820]  }
0xb5: {  	v3 =	vmax.f32 v3, v7  }
0xb6: {  	v3 =	vmax.f32 v3, v57  }
0xb7: {  	v3 =	vmax.f32 v3, v4  }
0xb8: {  	v3 =	vmax.f32 v3, v5  }
0xb9: {  	v3 =	vmax.f32 v3, v6  }
0xba: {  	[tilespmem:s1+$0xA020] =	vst v3  }
0xbb: {  	v3 =	vld [tilespmem:s0+$0x1030]  }
0xbc: {  	v4 =	vld [tilespmem:s7+$0x1030]  }
0xbd: {  	v5 =	vld [tilespmem:s10+$0x1030]  }
0xbe: {  	v6 =	vld [tilespmem:s11+$0x1030]  }
0xbf: {  	v7 =	vld [tilespmem:s12+$0x1030]  }
0xc0: {  	v58 =	vld [tilespmem:s13+$0x1030]  }
0xc1: {  	v3 =	vmax.f32 v3, v4;
	v4 =	vld [tilespmem:s14+$0x1030]  }
0xc2: {  	v3 =	vmax.f32 v3, v5;
	v5 =	vld [tilespmem:s15+$0x1030]  }
0xc3: {  	v3 =	vmax.f32 v3, v6;
	v6 =	vld [tilespmem:s0+$0x1830]  }
0xc4: {  	v3 =	vmax.f32 v3, v7  }
0xc5: {  	v3 =	vmax.f32 v3, v58  }
0xc6: {  	v3 =	vmax.f32 v3, v4  }
0xc7: {  	v3 =	vmax.f32 v3, v5  }
0xc8: {  	v3 =	vmax.f32 v3, v6  }
0xc9: {  	[tilespmem:s1+$0xA030] =	vst v3  }
0xca: {  	v3 =	vld [tilespmem:s0+$0x1040]  }
0xcb: {  	v4 =	vld [tilespmem:s7+$0x1040]  }
0xcc: {  	v5 =	vld [tilespmem:s10+$0x1040]  }
0xcd: {  	v6 =	vld [tilespmem:s11+$0x1040]  }
0xce: {  	v7 =	vld [tilespmem:s12+$0x1040]  }
0xcf: {  	v59 =	vld [tilespmem:s13+$0x1040]  }
0xd0: {  	v3 =	vmax.f32 v3, v4;
	v4 =	vld [tilespmem:s14+$0x1040]  }
0xd1: {  	v3 =	vmax.f32 v3, v5;
	v5 =	vld [tilespmem:s15+$0x1040]  }
0xd2: {  	v3 =	vmax.f32 v3, v6;
	v6 =	vld [tilespmem:s0+$0x1840]  }
0xd3: {  	v3 =	vmax.f32 v3, v7  }
0xd4: {  	v3 =	vmax.f32 v3, v59  }
0xd5: {  	v3 =	vmax.f32 v3, v4  }
0xd6: {  	v3 =	vmax.f32 v3, v5  }
0xd7: {  	v3 =	vmax.f32 v3, v6  }
0xd8: {  	[tilespmem:s1+$0xA040] =	vst v3  }
0xd9: {  	v3 =	vld [tilespmem:s0+$0x1050]  }
0xda: {  	v4 =	vld [tilespmem:s7+$0x1050]  }
0xdb: {  	v5 =	vld [tilespmem:s10+$0x1050]  }
0xdc: {  	v6 =	vld [tilespmem:s11+$0x1050]  }
0xdd: {  	v7 =	vld [tilespmem:s12+$0x1050]  }
0xde: {  	v60 =	vld [tilespmem:s13+$0x1050]  }
0xdf: {  	v3 =	vmax.f32 v3, v4;
	v4 =	vld [tilespmem:s14+$0x1050]  }
0xe0: {  	v3 =	vmax.f32 v3, v5;
	v5 =	vld [tilespmem:s15+$0x1050]  }
0xe1: {  	v3 =	vmax.f32 v3, v6;
	v6 =	vld [tilespmem:s0+$0x1850]  }
0xe2: {  	v3 =	vmax.f32 v3, v7  }
0xe3: {  	v3 =	vmax.f32 v3, v60  }
0xe4: {  	v3 =	vmax.f32 v3, v4  }
0xe5: {  	v3 =	vmax.f32 v3, v5  }
0xe6: {  	v3 =	vmax.f32 v3, v6  }
0xe7: {  	[tilespmem:s1+$0xA050] =	vst v3  }
0xe8: {  	v3 =	vld [tilespmem:s0+$0x1060]  }
0xe9: {  	v4 =	vld [tilespmem:s7+$0x1060]  }
0xea: {  	v5 =	vld [tilespmem:s10+$0x1060]  }
0xeb: {  	v6 =	vld [tilespmem:s11+$0x1060]  }
0xec: {  	v7 =	vld [tilespmem:s12+$0x1060]  }
0xed: {  	v61 =	vld [tilespmem:s13+$0x1060]  }
0xee: {  	v3 =	vmax.f32 v3, v4;
	v4 =	vld [tilespmem:s14+$0x1060]  }
0xef: {  	v3 =	vmax.f32 v3, v5;
	v5 =	vld [tilespmem:s15+$0x1060]  }
0xf0: {  	v3 =	vmax.f32 v3, v6;
	v6 =	vld [tilespmem:s0+$0x1860]  }
0xf1: {  	v3 =	vmax.f32 v3, v7  }
0xf2: {  	v3 =	vmax.f32 v3, v61  }
0xf3: {  	v3 =	vmax.f32 v3, v4  }
0xf4: {  	v3 =	vmax.f32 v3, v5  }
0xf5: {  	v3 =	vmax.f32 v3, v6  }
0xf6: {  	[tilespmem:s1+$0xA060] =	vst v3  }
0xf7: {  	v3 =	vld [tilespmem:s7+$0x1070]  }
0xf8: {  	v4 =	vld [tilespmem:s0+$0x1070]  }
0xf9: {  	v5 =	vld [tilespmem:s10+$0x1070]  }
0xfa: {  	v6 =	vld [tilespmem:s11+$0x1070]  }
0xfb: {  	v7 =	vld [tilespmem:s12+$0x1070]  }
0xfc: {  	v62 =	vld [tilespmem:s13+$0x1070]  }
0xfd: {  	v3 =	vmax.f32 v4, v3;
	v4 =	vld [tilespmem:s14+$0x1070]  }
0xfe: {  	v3 =	vmax.f32 v3, v5;
	v5 =	vld [tilespmem:s15+$0x1070]  }
0xff: {  	v3 =	vmax.f32 v3, v6;
	v6 =	vld [tilespmem:s0+$0x1870]  }
0x100: {  	v3 =	vmax.f32 v3, v7  }
0x101: {  	v3 =	vmax.f32 v3, v62  }
0x102: {  	v3 =	vmax.f32 v3, v4  }
0x103: {  	v3 =	vmax.f32 v3, v5  }
0x104: {  	v3 =	vmax.f32 v3, v6  }
0x105: {  	[tilespmem:s1+$0xA070] =	vst v3  }
0x106: {  	v3 =	vld [tilespmem:s7+$0x1400]  }
0x107: {  	v4 =	vld [tilespmem:s0+$0x1400]  }
0x108: {  	v5 =	vld [tilespmem:s10+$0x1400]  }
0x109: {  	v6 =	vld [tilespmem:s11+$0x1400]  }
0x10a: {  	v7 =	vld [tilespmem:s12+$0x1400]  }
0x10b: {  	v63 =	vld [tilespmem:s13+$0x1400]  }
0x10c: {  	v3 =	vmax.f32 v4, v3;
	v4 =	vld [tilespmem:s14+$0x1400]  }
0x10d: {  	v3 =	vmax.f32 v3, v5;
	v5 =	vld [tilespmem:s15+$0x1400]  }
0x10e: {  	v3 =	vmax.f32 v3, v6;
	v6 =	vld [tilespmem:s0+$0x1C00]  }
0x10f: {  	v3 =	vmax.f32 v3, v7  }
0x110: {  	v3 =	vmax.f32 v3, v63  }
0x111: {  	v3 =	vmax.f32 v3, v4  }
0x112: {  	v3 =	vmax.f32 v3, v5  }
0x113: {  	v3 =	vmax.f32 v3, v6  }
0x114: {  	[tilespmem:s1+$0xA400] =	vst v3  }
0x115: {  	v3 =	vld [tilespmem:s0+$0x1410]  }
0x116: {  	s16 =	simm.s32 $0x200;
	s6 =	sshll.u32 s4, $0xA;
	v4 =	vld [tilespmem:s7+$0x1410]  }
.LBB2_3:
0x117: {  	p1 =	sne.s32 s16, $0xE00;
	v5 =	vld [tilespmem:s10+$0x1410];
	s8 =	sadd.s32 $0x900, s8;
	s9 =	sadd.s32 $0x480, s9  }
0x118: {  	s17 =	smov.u32 s16;
	s16 =	sadd.s32 $0x200, s16;
	v6 =	vld [tilespmem:s11+$0x1410]  }
0x119: {  	v7 =	vld [tilespmem:s12+$0x1410]  }
0x11a: {  	v8 =	vld [tilespmem:s13+$0x1410]  }
0x11b: {  	v3 =	vmax.f32 v3, v4;
	v4 =	vld [tilespmem:s14+$0x1410]  }
0x11c: {  	v3 =	vmax.f32 v3, v5;
	v5 =	vld [tilespmem:s15+$0x1410]  }
0x11d: {  	v3 =	vmax.f32 v3, v6;
	v6 =	vld [tilespmem:s0+$0x1C10]  }
0x11e: {  	v3 =	vmax.f32 v3, v7  }
0x11f: {  	v3 =	vmax.f32 v3, v8  }
0x120: {  	v3 =	vmax.f32 v3, v4  }
0x121: {  	v3 =	vmax.f32 v3, v5  }
0x122: {  	s18 =	sadd.s32 $0x100, s8;
	s19 =	sadd.s32 $0xFFFFFD00, s9;
	v3 =	vmax.f32 v3, v6  }
0x123: {  	s18 =	sand.u32 $0x7800, s18;
	s19 =	sand.u32 $0x380, s19;
	[tilespmem:s1+$0xA410] =	vst v3  }
0x124: {  	s18 =	sor.u32 s19, s18;
	v3 =	vld [tilespmem:s0+$0x1420]  }
0x125: {  	v4 =	vld [tilespmem:s7+$0x1420]  }
0x126: {  	v5 =	vld [tilespmem:s10+$0x1420]  }
0x127: {  	v6 =	vld [tilespmem:s11+$0x1420]  }
0x128: {  	v7 =	vld [tilespmem:s12+$0x1420]  }
0x129: {  	v8 =	vld [tilespmem:s13+$0x1420]  }
0x12a: {  	v3 =	vmax.f32 v3, v4;
	v4 =	vld [tilespmem:s14+$0x1420]  }
0x12b: {  	v3 =	vmax.f32 v3, v5;
	v5 =	vld [tilespmem:s15+$0x1420]  }
0x12c: {  	v3 =	vmax.f32 v3, v6;
	v6 =	vld [tilespmem:s0+$0x1C20]  }
0x12d: {  	v3 =	vmax.f32 v3, v7  }
0x12e: {  	v3 =	vmax.f32 v3, v8  }
0x12f: {  	v3 =	vmax.f32 v3, v4  }
0x130: {  	v3 =	vmax.f32 v3, v5  }
0x131: {  	v3 =	vmax.f32 v3, v6  }
0x132: {  	[tilespmem:s1+$0xA420] =	vst v3  }
0x133: {  	v3 =	vld [tilespmem:s0+$0x1430]  }
0x134: {  	v4 =	vld [tilespmem:s7+$0x1430];
	s7 =	smov.u32 s18  }
0x135: {  	v5 =	vld [tilespmem:s10+$0x1430]  }
0x136: {  	v6 =	vld [tilespmem:s11+$0x1430]  }
0x137: {  	v7 =	vld [tilespmem:s12+$0x1430]  }
0x138: {  	v8 =	vld [tilespmem:s13+$0x1430]  }
0x139: {  	v3 =	vmax.f32 v3, v4;
	v4 =	vld [tilespmem:s14+$0x1430]  }
0x13a: {  	v3 =	vmax.f32 v3, v5;
	v5 =	vld [tilespmem:s15+$0x1430]  }
0x13b: {  	v3 =	vmax.f32 v3, v6;
	v6 =	vld [tilespmem:s0+$0x1C30]  }
0x13c: {  	v3 =	vmax.f32 v3, v7  }
0x13d: {  	v3 =	vmax.f32 v3, v8  }
0x13e: {  	s13 =	sadd.s32 $0xFFFFFF00, s9;
	v3 =	vmax.f32 v3, v4  }
0x13f: {  	s10 =	sadd.s32 $0xFFFFFD80, s9;
	s14 =	sadd.s32 $0x500, s8;
	s0 =	sadd.s32 $0x200, s8;
	v3 =	vmax.f32 v3, v5  }
0x140: {  	s10 =	sand.u32 $0x380, s10;
	s12 =	sadd.s32 $0xFFFFFE80, s9;
	s0 =	sand.u32 $0x7800, s0;
	v3 =	vmax.f32 v3, v6  }
0x141: {  	s11 =	sand.u32 $0x3FFFF800, s8;
	s15 =	sadd.s32 $0x400, s8;
	s10 =	sor.u32 s10, s0;
	[tilespmem:s1+$0xA430] =	vst v3  }
0x142: {  	s18 =	sadd.s32 $0xFFFFFE00, s9;
	s1 =	sshra.s32 s17, $0x2;
	s17 =	sadd.s32 $0x300, s8;
	v3 =	vld [tilespmem:s10+$0x1000]  }
0x143: {  	s0 =	sadd.s32 s1, s11;
	s11 =	sand.u32 $0x7800, s17;
	s17 =	sand.u32 $0x380, s18;
	v4 =	vld [tilespmem:s7+$0x1000]  }
0x144: {  	s12 =	sand.u32 $0x380, s12;
	s15 =	sand.u32 $0x7800, s15;
	s11 =	sor.u32 s17, s11;
	v5 =	vld [tilespmem:s0+$0x1000]  }
0x145: {  	s13 =	sand.u32 $0x380, s13;
	s14 =	sand.u32 $0x7800, s14;
	s12 =	sor.u32 s12, s15;
	v6 =	vld [tilespmem:s11+$0x1000]  }
0x146: {  	s13 =	sor.u32 s13, s14;
	s14 =	sadd.s32 $0x600, s8;
	s15 =	sadd.s32 $0xFFFFFF80, s9;
	v7 =	vld [tilespmem:s12+$0x1000]  }
0x147: {  	s14 =	sand.u32 $0x7800, s14;
	s15 =	sand.u32 $0x380, s15;
	s17 =	sadd.s32 $0x700, s8;
	v8 =	vld [tilespmem:s13+$0x1000]  }
0x148: {  	s14 =	sor.u32 s15, s14;
	s15 =	sand.u32 $0x7800, s17;
	s17 =	sand.u32 $0x380, s9  }
0x149: {  	s15 =	sor.u32 s17, s15;
	v4 =	vmax.f32 v5, v4;
	v5 =	vld [tilespmem:s14+$0x1000]  }
0x14a: {  	v3 =	vmax.f32 v4, v3;
	v4 =	vld [tilespmem:s15+$0x1000]  }
0x14b: {  	v3 =	vmax.f32 v3, v6;
	v6 =	vld [tilespmem:s0+$0x1800]  }
0x14c: {  	v3 =	vmax.f32 v3, v7  }
0x14d: {  	v3 =	vmax.f32 v3, v8  }
0x14e: {  	v3 =	vmax.f32 v3, v5  }
0x14f: {  	v3 =	vmax.f32 v3, v4  }
0x150: {  	v3 =	vmax.f32 v3, v6  }
0x151: {  	[tilespmem:s1+$0xA000] =	vst v3  }
0x152: {  	v3 =	vld [tilespmem:s0+$0x1010]  }
0x153: {  	v4 =	vld [tilespmem:s7+$0x1010]  }
0x154: {  	v5 =	vld [tilespmem:s10+$0x1010]  }
0x155: {  	v6 =	vld [tilespmem:s11+$0x1010]  }
0x156: {  	v7 =	vld [tilespmem:s12+$0x1010]  }
0x157: {  	v8 =	vld [tilespmem:s13+$0x1010]  }
0x158: {  	v3 =	vmax.f32 v3, v4;
	v4 =	vld [tilespmem:s14+$0x1010]  }
0x159: {  	v3 =	vmax.f32 v3, v5;
	v5 =	vld [tilespmem:s15+$0x1010]  }
0x15a: {  	v3 =	vmax.f32 v3, v6;
	v6 =	vld [tilespmem:s0+$0x1810]  }
0x15b: {  	v3 =	vmax.f32 v3, v7  }
0x15c: {  	v3 =	vmax.f32 v3, v8  }
0x15d: {  	v3 =	vmax.f32 v3, v4  }
0x15e: {  	v3 =	vmax.f32 v3, v5  }
0x15f: {  	v3 =	vmax.f32 v3, v6  }
0x160: {  	[tilespmem:s1+$0xA010] =	vst v3  }
0x161: {  	v3 =	vld [tilespmem:s0+$0x1020]  }
0x162: {  	v4 =	vld [tilespmem:s7+$0x1020]  }
0x163: {  	v5 =	vld [tilespmem:s10+$0x1020]  }
0x164: {  	v6 =	vld [tilespmem:s11+$0x1020]  }
0x165: {  	v7 =	vld [tilespmem:s12+$0x1020]  }
0x166: {  	v8 =	vld [tilespmem:s13+$0x1020]  }
0x167: {  	v3 =	vmax.f32 v3, v4;
	v4 =	vld [tilespmem:s14+$0x1020]  }
0x168: {  	v3 =	vmax.f32 v3, v5;
	v5 =	vld [tilespmem:s15+$0x1020]  }
0x169: {  	v3 =	vmax.f32 v3, v6;
	v6 =	vld [tilespmem:s0+$0x1820]  }
0x16a: {  	v3 =	vmax.f32 v3, v7  }
0x16b: {  	v3 =	vmax.f32 v3, v8  }
0x16c: {  	v3 =	vmax.f32 v3, v4  }
0x16d: {  	v3 =	vmax.f32 v3, v5  }
0x16e: {  	v3 =	vmax.f32 v3, v6  }
0x16f: {  	[tilespmem:s1+$0xA020] =	vst v3  }
0x170: {  	v3 =	vld [tilespmem:s0+$0x1030]  }
0x171: {  	v4 =	vld [tilespmem:s7+$0x1030]  }
0x172: {  	v5 =	vld [tilespmem:s10+$0x1030]  }
0x173: {  	v6 =	vld [tilespmem:s11+$0x1030]  }
0x174: {  	v7 =	vld [tilespmem:s12+$0x1030]  }
0x175: {  	v8 =	vld [tilespmem:s13+$0x1030]  }
0x176: {  	v3 =	vmax.f32 v3, v4;
	v4 =	vld [tilespmem:s14+$0x1030]  }
0x177: {  	v3 =	vmax.f32 v3, v5;
	v5 =	vld [tilespmem:s15+$0x1030]  }
0x178: {  	v3 =	vmax.f32 v3, v6;
	v6 =	vld [tilespmem:s0+$0x1830]  }
0x179: {  	v3 =	vmax.f32 v3, v7  }
0x17a: {  	v3 =	vmax.f32 v3, v8  }
0x17b: {  	v3 =	vmax.f32 v3, v4  }
0x17c: {  	v3 =	vmax.f32 v3, v5  }
0x17d: {  	v3 =	vmax.f32 v3, v6  }
0x17e: {  	[tilespmem:s1+$0xA030] =	vst v3  }
0x17f: {  	v3 =	vld [tilespmem:s0+$0x1040]  }
0x180: {  	v4 =	vld [tilespmem:s7+$0x1040]  }
0x181: {  	v5 =	vld [tilespmem:s10+$0x1040]  }
0x182: {  	v6 =	vld [tilespmem:s11+$0x1040]  }
0x183: {  	v7 =	vld [tilespmem:s12+$0x1040]  }
0x184: {  	v8 =	vld [tilespmem:s13+$0x1040]  }
0x185: {  	v3 =	vmax.f32 v3, v4;
	v4 =	vld [tilespmem:s14+$0x1040]  }
0x186: {  	v3 =	vmax.f32 v3, v5;
	v5 =	vld [tilespmem:s15+$0x1040]  }
0x187: {  	v3 =	vmax.f32 v3, v6;
	v6 =	vld [tilespmem:s0+$0x1840]  }
0x188: {  	v3 =	vmax.f32 v3, v7  }
0x189: {  	v3 =	vmax.f32 v3, v8  }
0x18a: {  	v3 =	vmax.f32 v3, v4  }
0x18b: {  	v3 =	vmax.f32 v3, v5  }
0x18c: {  	v3 =	vmax.f32 v3, v6  }
0x18d: {  	[tilespmem:s1+$0xA040] =	vst v3  }
0x18e: {  	v3 =	vld [tilespmem:s0+$0x1050]  }
0x18f: {  	v4 =	vld [tilespmem:s7+$0x1050]  }
0x190: {  	v5 =	vld [tilespmem:s10+$0x1050]  }
0x191: {  	v6 =	vld [tilespmem:s11+$0x1050]  }
0x192: {  	v7 =	vld [tilespmem:s12+$0x1050]  }
0x193: {  	v8 =	vld [tilespmem:s13+$0x1050]  }
0x194: {  	v3 =	vmax.f32 v3, v4;
	v4 =	vld [tilespmem:s14+$0x1050]  }
0x195: {  	v3 =	vmax.f32 v3, v5;
	v5 =	vld [tilespmem:s15+$0x1050]  }
0x196: {  	v3 =	vmax.f32 v3, v6;
	v6 =	vld [tilespmem:s0+$0x1850]  }
0x197: {  	v3 =	vmax.f32 v3, v7  }
0x198: {  	v3 =	vmax.f32 v3, v8  }
0x199: {  	v3 =	vmax.f32 v3, v4  }
0x19a: {  	v3 =	vmax.f32 v3, v5  }
0x19b: {  	v3 =	vmax.f32 v3, v6  }
0x19c: {  	[tilespmem:s1+$0xA050] =	vst v3  }
0x19d: {  	v3 =	vld [tilespmem:s0+$0x1060]  }
0x19e: {  	v4 =	vld [tilespmem:s7+$0x1060]  }
0x19f: {  	v5 =	vld [tilespmem:s10+$0x1060]  }
0x1a0: {  	v6 =	vld [tilespmem:s11+$0x1060]  }
0x1a1: {  	v7 =	vld [tilespmem:s12+$0x1060]  }
0x1a2: {  	v8 =	vld [tilespmem:s13+$0x1060]  }
0x1a3: {  	v3 =	vmax.f32 v3, v4;
	v4 =	vld [tilespmem:s14+$0x1060]  }
0x1a4: {  	v3 =	vmax.f32 v3, v5;
	v5 =	vld [tilespmem:s15+$0x1060]  }
0x1a5: {  	v3 =	vmax.f32 v3, v6;
	v6 =	vld [tilespmem:s0+$0x1860]  }
0x1a6: {  	v3 =	vmax.f32 v3, v7  }
0x1a7: {  	v3 =	vmax.f32 v3, v8  }
0x1a8: {  	v3 =	vmax.f32 v3, v4  }
0x1a9: {  	v3 =	vmax.f32 v3, v5  }
0x1aa: {  	v3 =	vmax.f32 v3, v6  }
0x1ab: {  	[tilespmem:s1+$0xA060] =	vst v3  }
0x1ac: {  	v3 =	vld [tilespmem:s7+$0x1070]  }
0x1ad: {  	v4 =	vld [tilespmem:s0+$0x1070]  }
0x1ae: {  	v5 =	vld [tilespmem:s10+$0x1070]  }
0x1af: {  	v6 =	vld [tilespmem:s11+$0x1070]  }
0x1b0: {  	v7 =	vld [tilespmem:s12+$0x1070]  }
0x1b1: {  	v8 =	vld [tilespmem:s13+$0x1070]  }
0x1b2: {  	v3 =	vmax.f32 v4, v3;
	v4 =	vld [tilespmem:s14+$0x1070]  }
0x1b3: {  	v3 =	vmax.f32 v3, v5;
	v5 =	vld [tilespmem:s15+$0x1070]  }
0x1b4: {  	v3 =	vmax.f32 v3, v6;
	v6 =	vld [tilespmem:s0+$0x1870]  }
0x1b5: {  	v3 =	vmax.f32 v3, v7  }
0x1b6: {  	v3 =	vmax.f32 v3, v8  }
0x1b7: {  	v3 =	vmax.f32 v3, v4  }
0x1b8: {  	v3 =	vmax.f32 v3, v5  }
0x1b9: {  	v3 =	vmax.f32 v3, v6  }
0x1ba: {  	[tilespmem:s1+$0xA070] =	vst v3  }
0x1bb: {  	v3 =	vld [tilespmem:s7+$0x1400]  }
0x1bc: {  	v4 =	vld [tilespmem:s0+$0x1400]  }
0x1bd: {  	v5 =	vld [tilespmem:s10+$0x1400]  }
0x1be: {  	v6 =	vld [tilespmem:s11+$0x1400]  }
0x1bf: {  	v7 =	vld [tilespmem:s12+$0x1400]  }
0x1c0: {  	v8 =	vld [tilespmem:s13+$0x1400]  }
0x1c1: {  	v3 =	vmax.f32 v4, v3;
	v4 =	vld [tilespmem:s14+$0x1400]  }
0x1c2: {  	v3 =	vmax.f32 v3, v5;
	v5 =	vld [tilespmem:s15+$0x1400]  }
0x1c3: {  	v3 =	vmax.f32 v3, v6;
	v6 =	vld [tilespmem:s0+$0x1C00]  }
0x1c4: {  	v3 =	vmax.f32 v3, v7  }
0x1c5: {  	v3 =	vmax.f32 v3, v8  }
0x1c6: {  	v3 =	vmax.f32 v3, v4  }
.Ltmp2:
0x1c7: {  	v3 =	vmax.f32 v3, v5;
	(pc) =	sbr.rel @p1 .LBB2_3-.Ltmp2, $4  }
0x1c8: {  	v3 =	vmax.f32 v3, v6  }
0x1c9: {  	[tilespmem:s1+$0xA400] =	vst v3  }
0x1ca: {  	v3 =	vld [tilespmem:s0+$0x1410]  }
0x1cb: {  	v4 =	vld [tilespmem:s7+$0x1410]  }
0x1cc: {  	v5 =	vld [tilespmem:s10+$0x1410]  }
0x1cd: {  	v6 =	vld [tilespmem:s11+$0x1410]  }
0x1ce: {  	v7 =	vld [tilespmem:s12+$0x1410]  }
0x1cf: {  	v8 =	vld [tilespmem:s13+$0x1410]  }
0x1d0: {  	v45 =	vld [tilespmem:s14+$0x1410];
	v3 =	vmax.f32 v3, v4  }
0x1d1: {  	v46 =	vld [tilespmem:s15+$0x1410];
	v3 =	vmax.f32 v3, v5  }
0x1d2: {  	v47 =	vld [tilespmem:s0+$0x1C10];
	v3 =	vmax.f32 v3, v6  }
0x1d3: {  	v3 =	vmax.f32 v3, v7  }
0x1d4: {  	v3 =	vmax.f32 v3, v8  }
0x1d5: {  	v3 =	vmax.f32 v3, v45  }
0x1d6: {  	v3 =	vmax.f32 v3, v46  }
0x1d7: {  	v3 =	vmax.f32 v3, v47  }
0x1d8: {  	[tilespmem:s1+$0xA410] =	vst v3  }
0x1d9: {  	v3 =	vld [tilespmem:s0+$0x1420]  }
0x1da: {  	v48 =	vld [tilespmem:s7+$0x1420]  }
0x1db: {  	v49 =	vld [tilespmem:s10+$0x1420]  }
0x1dc: {  	v50 =	vld [tilespmem:s11+$0x1420]  }
0x1dd: {  	v51 =	vld [tilespmem:s12+$0x1420]  }
0x1de: {  	v52 =	vld [tilespmem:s13+$0x1420]  }
0x1df: {  	v53 =	vld [tilespmem:s14+$0x1420];
	v3 =	vmax.f32 v3, v48  }
0x1e0: {  	v54 =	vld [tilespmem:s15+$0x1420];
	v3 =	vmax.f32 v3, v49  }
0x1e1: {  	v55 =	vld [tilespmem:s0+$0x1C20];
	v3 =	vmax.f32 v3, v50  }
0x1e2: {  	v3 =	vmax.f32 v3, v51  }
0x1e3: {  	v3 =	vmax.f32 v3, v52  }
0x1e4: {  	v3 =	vmax.f32 v3, v53  }
0x1e5: {  	v3 =	vmax.f32 v3, v54  }
0x1e6: {  	v3 =	vmax.f32 v3, v55  }
0x1e7: {  	[tilespmem:s1+$0xA420] =	vst v3  }
0x1e8: {  	v3 =	vld [tilespmem:s0+$0x1430]  }
0x1e9: {  	v56 =	vld [tilespmem:s7+$0x1430]  }
0x1ea: {  	v57 =	vld [tilespmem:s10+$0x1430]  }
0x1eb: {  	v58 =	vld [tilespmem:s11+$0x1430]  }
0x1ec: {  	v59 =	vld [tilespmem:s12+$0x1430]  }
0x1ed: {  	v60 =	vld [tilespmem:s13+$0x1430]  }
0x1ee: {  	v61 =	vld [tilespmem:s14+$0x1430];
	v3 =	vmax.f32 v3, v56  }
0x1ef: {  	v62 =	vld [tilespmem:s15+$0x1430];
	v3 =	vmax.f32 v3, v57  }
0x1f0: {  	v63 =	vld [tilespmem:s0+$0x1C30];
	v3 =	vmax.f32 v3, v58  }
0x1f1: {  	v3 =	vmax.f32 v3, v59  }
0x1f2: {  	p1 =	sne.s32 s4, $0xF;
	v3 =	vmax.f32 v3, v60  }
.Ltmp3:
0x1f3: {  	v3 =	vmax.f32 v3, v61;
	(pc) =	sbr.rel @p1 .LBB2_6-.Ltmp3, $4  }
0x1f4: {  	v3 =	vmax.f32 v3, v62  }
0x1f5: {  	s20 =	sshll.u32 s4, $0x9;
	v3 =	vmax.f32 v3, v63  }
0x1f6: {  	s7 =	sadd.s32 s20, s5;
	[tilespmem:s1+$0xA430] =	vst v3  }
0x1f7: {  	[hbm4b:s7+s2] =	stream.linear.scatter [tilespmem:s28], [sflag:$0x3], $0x800, $0x38;
	[tilespmem:$0xB000] =	vst v63  }
.Ltmp4:
0x1f8: {  	(pc) =	sbr.rel .LBB2_7-.Ltmp4, $4  }
0x1f9: {  	_ = 	snop  }
0x1fa: {  	_ =	swait.ge [sflag:s29], $0x4800  }
0x1fb: {  	[sflag:s29] =	ssyncset.done $0x0  }
0x1fc: {  	[sflag:s29] =	ssyncadd.s32 $0xFFFFB800  }
.LBB2_6:
0x1fd: {  	s0 =	sshrl.u32 s6, $0x2  }
0x1fe: {  	v3 =	vld [tilespmem:s0+$0x100];
	_ =	sdelay $0x4  }
0x1ff: {  	v4 =	vshll.u32 v3, $0x1  }
0x200: {  	v3 =	vand.u32 $0x7, v3;
	v4 =	vand.u32 $0xFFFFFFF0, v4  }
0x201: {  	v3 =	vor.u32 v3, v4  }
0x202: {  	v4 =	vperm.xlane v3, v0;
	_ =	sdelay $0x1  }
0x203: {  	v3 =	vperm.xlane v3, v2;
	v4 =	vadd.s32 v1, v4;
	_ =	sdelay $0x1  }
0x204: {  	v3 =	vadd.s32 v1, v3;
	_ =	sdelay $0x1  }
0x205: {  	s1 =	simm.s32 $0x1000  }
0x206: {  	[tilespmem:s1], [sflag:$0x1] =	stream.indirect_vreg.gather [hbm4b:s3+s2], $0x80, v4, vm0, $0xb8;
	[tilespmem:$0xB000] =	vst v63  }
0x207: {  	s13 =	simm.s32 $0x1800  }
0x208: {  	[tilespmem:s13], [sflag:$0x1] =	stream.indirect_vreg.gather [hbm4b:s3+s2], $0x80, v3, vm0, $0xb8;
	[tilespmem:$0xB000] =	vst v63  }
0x209: {  	v3 =	vld [tilespmem:s0+$0x110];
	_ =	sdelay $0x4  }
0x20a: {  	v60 =	vshll.u32 v3, $0x1  }
0x20b: {  	v3 =	vand.u32 $0x7, v3;
	v4 =	vand.u32 $0xFFFFFFF0, v60  }
0x20c: {  	v3 =	vor.u32 v3, v4  }
0x20d: {  	v4 =	vperm.xlane v3, v0;
	_ =	sdelay $0x1  }
0x20e: {  	v3 =	vperm.xlane v3, v2;
	v4 =	vadd.s32 v1, v4;
	_ =	sdelay $0x1  }
0x20f: {  	v3 =	vadd.s32 v1, v3;
	_ =	sdelay $0x1  }
0x210: {  	s14 =	simm.s32 $0x2000  }
0x211: {  	[tilespmem:s14], [sflag:$0x1] =	stream.indirect_vreg.gather [hbm4b:s3+s2], $0x80, v4, vm0, $0xb8;
	[tilespmem:$0xB000] =	vst v63  }
0x212: {  	s15 =	simm.s32 $0x2800  }
0x213: {  	[tilespmem:s15], [sflag:$0x1] =	stream.indirect_vreg.gather [hbm4b:s3+s2], $0x80, v3, vm0, $0xb8;
	[tilespmem:$0xB000] =	vst v63  }
0x214: {  	v3 =	vld [tilespmem:s0+$0x120];
	_ =	sdelay $0x4  }
0x215: {  	v61 =	vshll.u32 v3, $0x1  }
0x216: {  	v3 =	vand.u32 $0x7, v3;
	v4 =	vand.u32 $0xFFFFFFF0, v61  }
0x217: {  	v3 =	vor.u32 v3, v4  }
0x218: {  	v4 =	vperm.xlane v3, v0;
	_ =	sdelay $0x1  }
0x219: {  	v3 =	vperm.xlane v3, v2;
	v4 =	vadd.s32 v1, v4;
	_ =	sdelay $0x1  }
0x21a: {  	v3 =	vadd.s32 v1, v3;
	_ =	sdelay $0x1  }
0x21b: {  	s16 =	simm.s32 $0x3000  }
0x21c: {  	[tilespmem:s16], [sflag:$0x1] =	stream.indirect_vreg.gather [hbm4b:s3+s2], $0x80, v4, vm0, $0xb8;
	[tilespmem:$0xB000] =	vst v63  }
0x21d: {  	s17 =	simm.s32 $0x3800  }
0x21e: {  	[tilespmem:s17], [sflag:$0x1] =	stream.indirect_vreg.gather [hbm4b:s3+s2], $0x80, v3, vm0, $0xb8;
	[tilespmem:$0xB000] =	vst v63  }
0x21f: {  	v3 =	vld [tilespmem:s0+$0x130];
	_ =	sdelay $0x4  }
0x220: {  	v62 =	vshll.u32 v3, $0x1  }
0x221: {  	v3 =	vand.u32 $0x7, v3;
	v4 =	vand.u32 $0xFFFFFFF0, v62  }
0x222: {  	v3 =	vor.u32 v3, v4  }
0x223: {  	v4 =	vperm.xlane v3, v0;
	_ =	sdelay $0x1  }
0x224: {  	v3 =	vperm.xlane v3, v2;
	v4 =	vadd.s32 v1, v4;
	_ =	sdelay $0x1  }
0x225: {  	v3 =	vadd.s32 v1, v3;
	_ =	sdelay $0x1  }
0x226: {  	s18 =	simm.s32 $0x4000  }
0x227: {  	[tilespmem:s18], [sflag:$0x1] =	stream.indirect_vreg.gather [hbm4b:s3+s2], $0x80, v4, vm0, $0xb8;
	[tilespmem:$0xB000] =	vst v63  }
0x228: {  	s19 =	simm.s32 $0x4800  }
0x229: {  	[tilespmem:s19], [sflag:$0x1] =	stream.indirect_vreg.gather [hbm4b:s3+s2], $0x80, v3, vm0, $0xb8;
	[tilespmem:$0xB000] =	vst v63  }
0x22a: {  	v3 =	vld.msk [tilespmem:s0+$0x140], $0xff;
	_ =	sdelay $0x4  }
0x22b: {  	v63 =	vshll.u32 v3, $0x1  }
0x22c: {  	v3 =	vand.u32 $0x7, v3;
	v4 =	vand.u32 $0xFFFFFFF0, v63  }
0x22d: {  	v3 =	vor.u32 v3, v4  }
0x22e: {  	v3 =	vperm.xlane v3, v0;
	_ =	sdelay $0x1  }
0x22f: {  	v3 =	vadd.s32 v1, v3;
	_ =	sdelay $0x3  }
.Ltmp5:
0x230: {  	s20 =	simm.s32 $0x5000;
	(pc) =	sbr.rel @p0 .LBB2_8-.Ltmp5, $4  }
0x231: {  	[tilespmem:s20], [sflag:$0x1] =	stream.indirect_vreg.gather [hbm4b:s3+s2], $0x80, v3, vm0, $0xb8;
	[tilespmem:$0xB000] =	vst v63  }
0x232: {  	_ =	swait.ge [sflag:s29], $0x4800  }
0x233: {  	[sflag:s29] =	ssyncset.done $0x0  }
0x234: {  	[sflag:s29] =	ssyncadd.s32 $0xFFFFB800  }
.LBB2_7:
0x235: {  	_ =	swait.ge [sflag:s30], $0x800  }
0x236: {  	[sflag:s30] =	ssyncset.done $0x0  }
0x237: {  	[sflag:s30] =	ssyncadd.s32 $0xFFFFF800  }
.LBB2_8:
0x238: {  	s0 =	simm.s32 $0x100  }
0x239: {  	s1 =	simm.s32 $0x80;
	s9 =	simm.s32 $0x0;
	s10 =	simm.s32 $0x380  }
0x23a: {  	s8 =	simm.s32 $0x280;
	s18 =	simm.s32 $0x200;
	s11 =	simm.s32 $0x100  }
0x23b: {  	s14 =	simm.s32 $0x500;
	s13 =	simm.s32 $0x200;
	s15 =	simm.s32 $0x400  }
0x23c: {  	s16 =	simm.s32 $0x300;
	s17 =	simm.s32 $0x180;
	s0 =	sand.u32 $0x7800, s0  }
0x23d: {  	s1 =	sand.u32 $0x380, s1;
	s11 =	sand.u32 $0x380, s11;
	s12 =	sand.u32 $0x3FFFF800, s9  }
0x23e: {  	s19 =	sand.u32 $0x7800, s16;
	s0 =	sor.u32 s1, s0;
	s1 =	sand.u32 $0x7800, s18  }
0x23f: {  	s20 =	sand.u32 $0x380, s17;
	s11 =	sor.u32 s11, s1;
	s1 =	sadd.s32 $0x0, s12;
	v3 =	vld [tilespmem:s0+$0x5800]  }
0x240: {  	s15 =	sand.u32 $0x7800, s15;
	s13 =	sand.u32 $0x380, s13;
	s14 =	sand.u32 $0x7800, s14;
	v4 =	vld [tilespmem:s1+$0x5800]  }
0x241: {  	s8 =	sand.u32 $0x380, s8;
	s16 =	simm.s32 $0x600;
	s12 =	sor.u32 s20, s19;
	v5 =	vld [tilespmem:s11+$0x5800]  }
0x242: {  	s17 =	simm.s32 $0x300;
	s13 =	sor.u32 s13, s15;
	s14 =	sor.u32 s8, s14;
	v6 =	vld [tilespmem:s12+$0x5800]  }
0x243: {  	s8 =	sand.u32 $0x7800, s16;
	s15 =	sand.u32 $0x380, s17;
	s18 =	simm.s32 $0x700;
	v7 =	vld [tilespmem:s13+$0x5800]  }
0x244: {  	v8 =	vld [tilespmem:s14+$0x5800];
	s15 =	sor.u32 s15, s8;
	s19 =	sand.u32 $0x7800, s18;
	s20 =	sand.u32 $0x380, s10  }
0x245: {  	s16 =	sor.u32 s20, s19;
	v3 =	vmax.f32 v4, v3;
	v4 =	vld [tilespmem:s15+$0x5800]  }
0x246: {  	v3 =	vmax.f32 v3, v5;
	v5 =	vld [tilespmem:s16+$0x5800]  }
0x247: {  	v3 =	vmax.f32 v3, v6;
	v6 =	vld [tilespmem:s1+$0x6000]  }
0x248: {  	v3 =	vmax.f32 v3, v7  }
0x249: {  	v3 =	vmax.f32 v3, v8  }
0x24a: {  	v3 =	vmax.f32 v3, v4  }
0x24b: {  	v3 =	vmax.f32 v3, v5  }
0x24c: {  	s8 =	simm.s32 $0x0;
	v3 =	vmax.f32 v3, v6  }
0x24d: {  	[tilespmem:s8+$0xA800] =	vst v3  }
0x24e: {  	v3 =	vld [tilespmem:s1+$0x5810]  }
0x24f: {  	v4 =	vld [tilespmem:s0+$0x5810]  }
0x250: {  	v5 =	vld [tilespmem:s11+$0x5810]  }
0x251: {  	v6 =	vld [tilespmem:s12+$0x5810]  }
0x252: {  	v7 =	vld [tilespmem:s13+$0x5810]  }
0x253: {  	v56 =	vld [tilespmem:s14+$0x5810]  }
0x254: {  	v3 =	vmax.f32 v3, v4;
	v4 =	vld [tilespmem:s15+$0x5810]  }
0x255: {  	v3 =	vmax.f32 v3, v5;
	v5 =	vld [tilespmem:s16+$0x5810]  }
0x256: {  	v3 =	vmax.f32 v3, v6;
	v6 =	vld [tilespmem:s1+$0x6010]  }
0x257: {  	v3 =	vmax.f32 v3, v7  }
0x258: {  	v3 =	vmax.f32 v3, v56  }
0x259: {  	v3 =	vmax.f32 v3, v4  }
0x25a: {  	v3 =	vmax.f32 v3, v5  }
0x25b: {  	v3 =	vmax.f32 v3, v6  }
0x25c: {  	[tilespmem:s8+$0xA810] =	vst v3  }
0x25d: {  	v3 =	vld [tilespmem:s1+$0x5820]  }
0x25e: {  	v4 =	vld [tilespmem:s0+$0x5820]  }
0x25f: {  	v5 =	vld [tilespmem:s11+$0x5820]  }
0x260: {  	v6 =	vld [tilespmem:s12+$0x5820]  }
0x261: {  	v7 =	vld [tilespmem:s13+$0x5820]  }
0x262: {  	v57 =	vld [tilespmem:s14+$0x5820]  }
0x263: {  	v3 =	vmax.f32 v3, v4;
	v4 =	vld [tilespmem:s15+$0x5820]  }
0x264: {  	v3 =	vmax.f32 v3, v5;
	v5 =	vld [tilespmem:s16+$0x5820]  }
0x265: {  	v3 =	vmax.f32 v3, v6;
	v6 =	vld [tilespmem:s1+$0x6020]  }
0x266: {  	v3 =	vmax.f32 v3, v7  }
0x267: {  	v3 =	vmax.f32 v3, v57  }
0x268: {  	v3 =	vmax.f32 v3, v4  }
0x269: {  	v3 =	vmax.f32 v3, v5  }
0x26a: {  	v3 =	vmax.f32 v3, v6  }
0x26b: {  	[tilespmem:s8+$0xA820] =	vst v3  }
0x26c: {  	v3 =	vld [tilespmem:s1+$0x5830]  }
0x26d: {  	v4 =	vld [tilespmem:s0+$0x5830]  }
0x26e: {  	v5 =	vld [tilespmem:s11+$0x5830]  }
0x26f: {  	v6 =	vld [tilespmem:s12+$0x5830]  }
0x270: {  	v7 =	vld [tilespmem:s13+$0x5830]  }
0x271: {  	v58 =	vld [tilespmem:s14+$0x5830]  }
0x272: {  	v3 =	vmax.f32 v3, v4;
	v4 =	vld [tilespmem:s15+$0x5830]  }
0x273: {  	v3 =	vmax.f32 v3, v5;
	v5 =	vld [tilespmem:s16+$0x5830]  }
0x274: {  	v3 =	vmax.f32 v3, v6;
	v6 =	vld [tilespmem:s1+$0x6030]  }
0x275: {  	v3 =	vmax.f32 v3, v7  }
0x276: {  	v3 =	vmax.f32 v3, v58  }
0x277: {  	v3 =	vmax.f32 v3, v4  }
0x278: {  	v3 =	vmax.f32 v3, v5  }
0x279: {  	v3 =	vmax.f32 v3, v6  }
0x27a: {  	[tilespmem:s8+$0xA830] =	vst v3  }
0x27b: {  	v3 =	vld [tilespmem:s1+$0x5840]  }
0x27c: {  	v4 =	vld [tilespmem:s0+$0x5840]  }
0x27d: {  	v5 =	vld [tilespmem:s11+$0x5840]  }
0x27e: {  	v6 =	vld [tilespmem:s12+$0x5840]  }
0x27f: {  	v7 =	vld [tilespmem:s13+$0x5840]  }
0x280: {  	v59 =	vld [tilespmem:s14+$0x5840]  }
0x281: {  	v3 =	vmax.f32 v3, v4;
	v4 =	vld [tilespmem:s15+$0x5840]  }
0x282: {  	v3 =	vmax.f32 v3, v5;
	v5 =	vld [tilespmem:s16+$0x5840]  }
0x283: {  	v3 =	vmax.f32 v3, v6;
	v6 =	vld [tilespmem:s1+$0x6040]  }
0x284: {  	v3 =	vmax.f32 v3, v7  }
0x285: {  	v3 =	vmax.f32 v3, v59  }
0x286: {  	v3 =	vmax.f32 v3, v4  }
0x287: {  	v3 =	vmax.f32 v3, v5  }
0x288: {  	v3 =	vmax.f32 v3, v6  }
0x289: {  	[tilespmem:s8+$0xA840] =	vst v3  }
0x28a: {  	v3 =	vld [tilespmem:s1+$0x5850]  }
0x28b: {  	v4 =	vld [tilespmem:s0+$0x5850]  }
0x28c: {  	v5 =	vld [tilespmem:s11+$0x5850]  }
0x28d: {  	v6 =	vld [tilespmem:s12+$0x5850]  }
0x28e: {  	v7 =	vld [tilespmem:s13+$0x5850]  }
0x28f: {  	v60 =	vld [tilespmem:s14+$0x5850]  }
0x290: {  	v3 =	vmax.f32 v3, v4;
	v4 =	vld [tilespmem:s15+$0x5850]  }
0x291: {  	v3 =	vmax.f32 v3, v5;
	v5 =	vld [tilespmem:s16+$0x5850]  }
0x292: {  	v3 =	vmax.f32 v3, v6;
	v6 =	vld [tilespmem:s1+$0x6050]  }
0x293: {  	v3 =	vmax.f32 v3, v7  }
0x294: {  	v3 =	vmax.f32 v3, v60  }
0x295: {  	v3 =	vmax.f32 v3, v4  }
0x296: {  	v3 =	vmax.f32 v3, v5  }
0x297: {  	v3 =	vmax.f32 v3, v6  }
0x298: {  	[tilespmem:s8+$0xA850] =	vst v3  }
0x299: {  	v3 =	vld [tilespmem:s1+$0x5860]  }
0x29a: {  	v4 =	vld [tilespmem:s0+$0x5860]  }
0x29b: {  	v5 =	vld [tilespmem:s11+$0x5860]  }
0x29c: {  	v6 =	vld [tilespmem:s12+$0x5860]  }
0x29d: {  	v7 =	vld [tilespmem:s13+$0x5860]  }
0x29e: {  	v61 =	vld [tilespmem:s14+$0x5860]  }
0x29f: {  	v3 =	vmax.f32 v3, v4;
	v4 =	vld [tilespmem:s15+$0x5860]  }
0x2a0: {  	v3 =	vmax.f32 v3, v5;
	v5 =	vld [tilespmem:s16+$0x5860]  }
0x2a1: {  	v3 =	vmax.f32 v3, v6;
	v6 =	vld [tilespmem:s1+$0x6060]  }
0x2a2: {  	v3 =	vmax.f32 v3, v7  }
0x2a3: {  	v3 =	vmax.f32 v3, v61  }
0x2a4: {  	v3 =	vmax.f32 v3, v4  }
0x2a5: {  	v3 =	vmax.f32 v3, v5  }
0x2a6: {  	v3 =	vmax.f32 v3, v6  }
0x2a7: {  	[tilespmem:s8+$0xA860] =	vst v3  }
0x2a8: {  	v3 =	vld [tilespmem:s0+$0x5870]  }
0x2a9: {  	v4 =	vld [tilespmem:s1+$0x5870]  }
0x2aa: {  	v5 =	vld [tilespmem:s11+$0x5870]  }
0x2ab: {  	v6 =	vld [tilespmem:s12+$0x5870]  }
0x2ac: {  	v7 =	vld [tilespmem:s13+$0x5870]  }
0x2ad: {  	v62 =	vld [tilespmem:s14+$0x5870]  }
0x2ae: {  	v3 =	vmax.f32 v4, v3;
	v4 =	vld [tilespmem:s15+$0x5870]  }
0x2af: {  	v3 =	vmax.f32 v3, v5;
	v5 =	vld [tilespmem:s16+$0x5870]  }
0x2b0: {  	v3 =	vmax.f32 v3, v6;
	v6 =	vld [tilespmem:s1+$0x6070]  }
0x2b1: {  	v3 =	vmax.f32 v3, v7  }
0x2b2: {  	v3 =	vmax.f32 v3, v62  }
0x2b3: {  	v3 =	vmax.f32 v3, v4  }
0x2b4: {  	v3 =	vmax.f32 v3, v5  }
0x2b5: {  	v3 =	vmax.f32 v3, v6  }
0x2b6: {  	[tilespmem:s8+$0xA870] =	vst v3  }
0x2b7: {  	v3 =	vld [tilespmem:s0+$0x5C00]  }
0x2b8: {  	v4 =	vld [tilespmem:s1+$0x5C00]  }
0x2b9: {  	v5 =	vld [tilespmem:s11+$0x5C00]  }
0x2ba: {  	v6 =	vld [tilespmem:s12+$0x5C00]  }
0x2bb: {  	v7 =	vld [tilespmem:s13+$0x5C00]  }
0x2bc: {  	v63 =	vld [tilespmem:s14+$0x5C00]  }
0x2bd: {  	v3 =	vmax.f32 v4, v3;
	v4 =	vld [tilespmem:s15+$0x5C00]  }
0x2be: {  	v3 =	vmax.f32 v3, v5;
	v5 =	vld [tilespmem:s16+$0x5C00]  }
0x2bf: {  	v3 =	vmax.f32 v3, v6;
	v6 =	vld [tilespmem:s1+$0x6400]  }
0x2c0: {  	v3 =	vmax.f32 v3, v7  }
0x2c1: {  	v3 =	vmax.f32 v3, v63  }
0x2c2: {  	v3 =	vmax.f32 v3, v4  }
0x2c3: {  	v3 =	vmax.f32 v3, v5  }
0x2c4: {  	v3 =	vmax.f32 v3, v6  }
0x2c5: {  	[tilespmem:s8+$0xAC00] =	vst v3  }
0x2c6: {  	v3 =	vld [tilespmem:s1+$0x5C10]  }
0x2c7: {  	s17 =	simm.s32 $0x200;
	v4 =	vld [tilespmem:s0+$0x5C10]  }
.LBB2_9:
0x2c8: {  	p0 =	sne.s32 s17, $0xE00;
	v5 =	vld [tilespmem:s11+$0x5C10];
	s9 =	sadd.s32 $0x900, s9;
	s10 =	sadd.s32 $0x480, s10  }
0x2c9: {  	s18 =	smov.u32 s17;
	s17 =	sadd.s32 $0x200, s17;
	v6 =	vld [tilespmem:s12+$0x5C10]  }
0x2ca: {  	v7 =	vld [tilespmem:s13+$0x5C10]  }
0x2cb: {  	v8 =	vld [tilespmem:s14+$0x5C10]  }
0x2cc: {  	v3 =	vmax.f32 v3, v4;
	v4 =	vld [tilespmem:s15+$0x5C10]  }
0x2cd: {  	v3 =	vmax.f32 v3, v5;
	v5 =	vld [tilespmem:s16+$0x5C10]  }
0x2ce: {  	v3 =	vmax.f32 v3, v6;
	v6 =	vld [tilespmem:s1+$0x6410]  }
0x2cf: {  	v3 =	vmax.f32 v3, v7  }
0x2d0: {  	v3 =	vmax.f32 v3, v8  }
0x2d1: {  	v3 =	vmax.f32 v3, v4  }
0x2d2: {  	v3 =	vmax.f32 v3, v5  }
0x2d3: {  	s19 =	sadd.s32 $0x100, s9;
	s20 =	sadd.s32 $0xFFFFFD00, s10;
	v3 =	vmax.f32 v3, v6  }
0x2d4: {  	s19 =	sand.u32 $0x7800, s19;
	s20 =	sand.u32 $0x380, s20;
	[tilespmem:s8+$0xAC10] =	vst v3  }
0x2d5: {  	s19 =	sor.u32 s20, s19;
	v3 =	vld [tilespmem:s1+$0x5C20]  }
0x2d6: {  	v4 =	vld [tilespmem:s0+$0x5C20]  }
0x2d7: {  	v5 =	vld [tilespmem:s11+$0x5C20]  }
0x2d8: {  	v6 =	vld [tilespmem:s12+$0x5C20]  }
0x2d9: {  	v7 =	vld [tilespmem:s13+$0x5C20]  }
0x2da: {  	v8 =	vld [tilespmem:s14+$0x5C20]  }
0x2db: {  	v3 =	vmax.f32 v3, v4;
	v4 =	vld [tilespmem:s15+$0x5C20]  }
0x2dc: {  	v3 =	vmax.f32 v3, v5;
	v5 =	vld [tilespmem:s16+$0x5C20]  }
0x2dd: {  	v3 =	vmax.f32 v3, v6;
	v6 =	vld [tilespmem:s1+$0x6420]  }
0x2de: {  	v3 =	vmax.f32 v3, v7  }
0x2df: {  	v3 =	vmax.f32 v3, v8  }
0x2e0: {  	v3 =	vmax.f32 v3, v4  }
0x2e1: {  	v3 =	vmax.f32 v3, v5  }
0x2e2: {  	v3 =	vmax.f32 v3, v6  }
0x2e3: {  	[tilespmem:s8+$0xAC20] =	vst v3  }
0x2e4: {  	v3 =	vld [tilespmem:s1+$0x5C30]  }
0x2e5: {  	v4 =	vld [tilespmem:s0+$0x5C30];
	s0 =	smov.u32 s19  }
0x2e6: {  	v5 =	vld [tilespmem:s11+$0x5C30]  }
0x2e7: {  	v6 =	vld [tilespmem:s12+$0x5C30]  }
0x2e8: {  	v7 =	vld [tilespmem:s13+$0x5C30]  }
0x2e9: {  	v8 =	vld [tilespmem:s14+$0x5C30]  }
0x2ea: {  	v3 =	vmax.f32 v3, v4;
	v4 =	vld [tilespmem:s15+$0x5C30]  }
0x2eb: {  	v3 =	vmax.f32 v3, v5;
	v5 =	vld [tilespmem:s16+$0x5C30]  }
0x2ec: {  	v3 =	vmax.f32 v3, v6;
	v6 =	vld [tilespmem:s1+$0x6430]  }
0x2ed: {  	v3 =	vmax.f32 v3, v7  }
0x2ee: {  	v3 =	vmax.f32 v3, v8  }
0x2ef: {  	s14 =	sadd.s32 $0xFFFFFF00, s10;
	v3 =	vmax.f32 v3, v4  }
0x2f0: {  	s11 =	sadd.s32 $0xFFFFFD80, s10;
	s15 =	sadd.s32 $0x500, s9;
	s1 =	sadd.s32 $0x200, s9;
	v3 =	vmax.f32 v3, v5  }
0x2f1: {  	s11 =	sand.u32 $0x380, s11;
	s13 =	sadd.s32 $0xFFFFFE80, s10;
	s1 =	sand.u32 $0x7800, s1;
	v3 =	vmax.f32 v3, v6  }
0x2f2: {  	s12 =	sand.u32 $0x3FFFF800, s9;
	s16 =	sadd.s32 $0x400, s9;
	s11 =	sor.u32 s11, s1;
	[tilespmem:s8+$0xAC30] =	vst v3  }
0x2f3: {  	s19 =	sadd.s32 $0xFFFFFE00, s10;
	s8 =	sshra.s32 s18, $0x2;
	s18 =	sadd.s32 $0x300, s9;
	v3 =	vld [tilespmem:s11+$0x5800]  }
0x2f4: {  	s1 =	sadd.s32 s8, s12;
	s12 =	sand.u32 $0x7800, s18;
	s18 =	sand.u32 $0x380, s19;
	v4 =	vld [tilespmem:s0+$0x5800]  }
0x2f5: {  	s13 =	sand.u32 $0x380, s13;
	s16 =	sand.u32 $0x7800, s16;
	s12 =	sor.u32 s18, s12;
	v5 =	vld [tilespmem:s1+$0x5800]  }
0x2f6: {  	s14 =	sand.u32 $0x380, s14;
	s15 =	sand.u32 $0x7800, s15;
	s13 =	sor.u32 s13, s16;
	v6 =	vld [tilespmem:s12+$0x5800]  }
0x2f7: {  	s14 =	sor.u32 s14, s15;
	s15 =	sadd.s32 $0x600, s9;
	s16 =	sadd.s32 $0xFFFFFF80, s10;
	v7 =	vld [tilespmem:s13+$0x5800]  }
0x2f8: {  	s15 =	sand.u32 $0x7800, s15;
	s16 =	sand.u32 $0x380, s16;
	s18 =	sadd.s32 $0x700, s9;
	v8 =	vld [tilespmem:s14+$0x5800]  }
0x2f9: {  	s15 =	sor.u32 s16, s15;
	s16 =	sand.u32 $0x7800, s18;
	s18 =	sand.u32 $0x380, s10  }
0x2fa: {  	s16 =	sor.u32 s18, s16;
	v4 =	vmax.f32 v5, v4;
	v5 =	vld [tilespmem:s15+$0x5800]  }
0x2fb: {  	v3 =	vmax.f32 v4, v3;
	v4 =	vld [tilespmem:s16+$0x5800]  }
0x2fc: {  	v3 =	vmax.f32 v3, v6;
	v6 =	vld [tilespmem:s1+$0x6000]  }
0x2fd: {  	v3 =	vmax.f32 v3, v7  }
0x2fe: {  	v3 =	vmax.f32 v3, v8  }
0x2ff: {  	v3 =	vmax.f32 v3, v5  }
0x300: {  	v3 =	vmax.f32 v3, v4  }
0x301: {  	v3 =	vmax.f32 v3, v6  }
0x302: {  	[tilespmem:s8+$0xA800] =	vst v3  }
0x303: {  	v3 =	vld [tilespmem:s1+$0x5810]  }
0x304: {  	v4 =	vld [tilespmem:s0+$0x5810]  }
0x305: {  	v5 =	vld [tilespmem:s11+$0x5810]  }
0x306: {  	v6 =	vld [tilespmem:s12+$0x5810]  }
0x307: {  	v7 =	vld [tilespmem:s13+$0x5810]  }
0x308: {  	v8 =	vld [tilespmem:s14+$0x5810]  }
0x309: {  	v3 =	vmax.f32 v3, v4;
	v4 =	vld [tilespmem:s15+$0x5810]  }
0x30a: {  	v3 =	vmax.f32 v3, v5;
	v5 =	vld [tilespmem:s16+$0x5810]  }
0x30b: {  	v3 =	vmax.f32 v3, v6;
	v6 =	vld [tilespmem:s1+$0x6010]  }
0x30c: {  	v3 =	vmax.f32 v3, v7  }
0x30d: {  	v3 =	vmax.f32 v3, v8  }
0x30e: {  	v3 =	vmax.f32 v3, v4  }
0x30f: {  	v3 =	vmax.f32 v3, v5  }
0x310: {  	v3 =	vmax.f32 v3, v6  }
0x311: {  	[tilespmem:s8+$0xA810] =	vst v3  }
0x312: {  	v3 =	vld [tilespmem:s1+$0x5820]  }
0x313: {  	v4 =	vld [tilespmem:s0+$0x5820]  }
0x314: {  	v5 =	vld [tilespmem:s11+$0x5820]  }
0x315: {  	v6 =	vld [tilespmem:s12+$0x5820]  }
0x316: {  	v7 =	vld [tilespmem:s13+$0x5820]  }
0x317: {  	v8 =	vld [tilespmem:s14+$0x5820]  }
0x318: {  	v3 =	vmax.f32 v3, v4;
	v4 =	vld [tilespmem:s15+$0x5820]  }
0x319: {  	v3 =	vmax.f32 v3, v5;
	v5 =	vld [tilespmem:s16+$0x5820]  }
0x31a: {  	v3 =	vmax.f32 v3, v6;
	v6 =	vld [tilespmem:s1+$0x6020]  }
0x31b: {  	v3 =	vmax.f32 v3, v7  }
0x31c: {  	v3 =	vmax.f32 v3, v8  }
0x31d: {  	v3 =	vmax.f32 v3, v4  }
0x31e: {  	v3 =	vmax.f32 v3, v5  }
0x31f: {  	v3 =	vmax.f32 v3, v6  }
0x320: {  	[tilespmem:s8+$0xA820] =	vst v3  }
0x321: {  	v3 =	vld [tilespmem:s1+$0x5830]  }
0x322: {  	v4 =	vld [tilespmem:s0+$0x5830]  }
0x323: {  	v5 =	vld [tilespmem:s11+$0x5830]  }
0x324: {  	v6 =	vld [tilespmem:s12+$0x5830]  }
0x325: {  	v7 =	vld [tilespmem:s13+$0x5830]  }
0x326: {  	v8 =	vld [tilespmem:s14+$0x5830]  }
0x327: {  	v3 =	vmax.f32 v3, v4;
	v4 =	vld [tilespmem:s15+$0x5830]  }
0x328: {  	v3 =	vmax.f32 v3, v5;
	v5 =	vld [tilespmem:s16+$0x5830]  }
0x329: {  	v3 =	vmax.f32 v3, v6;
	v6 =	vld [tilespmem:s1+$0x6030]  }
0x32a: {  	v3 =	vmax.f32 v3, v7  }
0x32b: {  	v3 =	vmax.f32 v3, v8  }
0x32c: {  	v3 =	vmax.f32 v3, v4  }
0x32d: {  	v3 =	vmax.f32 v3, v5  }
0x32e: {  	v3 =	vmax.f32 v3, v6  }
0x32f: {  	[tilespmem:s8+$0xA830] =	vst v3  }
0x330: {  	v3 =	vld [tilespmem:s1+$0x5840]  }
0x331: {  	v4 =	vld [tilespmem:s0+$0x5840]  }
0x332: {  	v5 =	vld [tilespmem:s11+$0x5840]  }
0x333: {  	v6 =	vld [tilespmem:s12+$0x5840]  }
0x334: {  	v7 =	vld [tilespmem:s13+$0x5840]  }
0x335: {  	v8 =	vld [tilespmem:s14+$0x5840]  }
0x336: {  	v3 =	vmax.f32 v3, v4;
	v4 =	vld [tilespmem:s15+$0x5840]  }
0x337: {  	v3 =	vmax.f32 v3, v5;
	v5 =	vld [tilespmem:s16+$0x5840]  }
0x338: {  	v3 =	vmax.f32 v3, v6;
	v6 =	vld [tilespmem:s1+$0x6040]  }
0x339: {  	v3 =	vmax.f32 v3, v7  }
0x33a: {  	v3 =	vmax.f32 v3, v8  }
0x33b: {  	v3 =	vmax.f32 v3, v4  }
0x33c: {  	v3 =	vmax.f32 v3, v5  }
0x33d: {  	v3 =	vmax.f32 v3, v6  }
0x33e: {  	[tilespmem:s8+$0xA840] =	vst v3  }
0x33f: {  	v3 =	vld [tilespmem:s1+$0x5850]  }
0x340: {  	v4 =	vld [tilespmem:s0+$0x5850]  }
0x341: {  	v5 =	vld [tilespmem:s11+$0x5850]  }
0x342: {  	v6 =	vld [tilespmem:s12+$0x5850]  }
0x343: {  	v7 =	vld [tilespmem:s13+$0x5850]  }
0x344: {  	v8 =	vld [tilespmem:s14+$0x5850]  }
0x345: {  	v3 =	vmax.f32 v3, v4;
	v4 =	vld [tilespmem:s15+$0x5850]  }
0x346: {  	v3 =	vmax.f32 v3, v5;
	v5 =	vld [tilespmem:s16+$0x5850]  }
0x347: {  	v3 =	vmax.f32 v3, v6;
	v6 =	vld [tilespmem:s1+$0x6050]  }
0x348: {  	v3 =	vmax.f32 v3, v7  }
0x349: {  	v3 =	vmax.f32 v3, v8  }
0x34a: {  	v3 =	vmax.f32 v3, v4  }
0x34b: {  	v3 =	vmax.f32 v3, v5  }
0x34c: {  	v3 =	vmax.f32 v3, v6  }
0x34d: {  	[tilespmem:s8+$0xA850] =	vst v3  }
0x34e: {  	v3 =	vld [tilespmem:s1+$0x5860]  }
0x34f: {  	v4 =	vld [tilespmem:s0+$0x5860]  }
0x350: {  	v5 =	vld [tilespmem:s11+$0x5860]  }
0x351: {  	v6 =	vld [tilespmem:s12+$0x5860]  }
0x352: {  	v7 =	vld [tilespmem:s13+$0x5860]  }
0x353: {  	v8 =	vld [tilespmem:s14+$0x5860]  }
0x354: {  	v3 =	vmax.f32 v3, v4;
	v4 =	vld [tilespmem:s15+$0x5860]  }
0x355: {  	v3 =	vmax.f32 v3, v5;
	v5 =	vld [tilespmem:s16+$0x5860]  }
0x356: {  	v3 =	vmax.f32 v3, v6;
	v6 =	vld [tilespmem:s1+$0x6060]  }
0x357: {  	v3 =	vmax.f32 v3, v7  }
0x358: {  	v3 =	vmax.f32 v3, v8  }
0x359: {  	v3 =	vmax.f32 v3, v4  }
0x35a: {  	v3 =	vmax.f32 v3, v5  }
0x35b: {  	v3 =	vmax.f32 v3, v6  }
0x35c: {  	[tilespmem:s8+$0xA860] =	vst v3  }
0x35d: {  	v3 =	vld [tilespmem:s0+$0x5870]  }
0x35e: {  	v4 =	vld [tilespmem:s1+$0x5870]  }
0x35f: {  	v5 =	vld [tilespmem:s11+$0x5870]  }
0x360: {  	v6 =	vld [tilespmem:s12+$0x5870]  }
0x361: {  	v7 =	vld [tilespmem:s13+$0x5870]  }
0x362: {  	v8 =	vld [tilespmem:s14+$0x5870]  }
0x363: {  	v3 =	vmax.f32 v4, v3;
	v4 =	vld [tilespmem:s15+$0x5870]  }
0x364: {  	v3 =	vmax.f32 v3, v5;
	v5 =	vld [tilespmem:s16+$0x5870]  }
0x365: {  	v3 =	vmax.f32 v3, v6;
	v6 =	vld [tilespmem:s1+$0x6070]  }
0x366: {  	v3 =	vmax.f32 v3, v7  }
0x367: {  	v3 =	vmax.f32 v3, v8  }
0x368: {  	v3 =	vmax.f32 v3, v4  }
0x369: {  	v3 =	vmax.f32 v3, v5  }
0x36a: {  	v3 =	vmax.f32 v3, v6  }
0x36b: {  	[tilespmem:s8+$0xA870] =	vst v3  }
0x36c: {  	v3 =	vld [tilespmem:s0+$0x5C00]  }
0x36d: {  	v4 =	vld [tilespmem:s1+$0x5C00]  }
0x36e: {  	v5 =	vld [tilespmem:s11+$0x5C00]  }
0x36f: {  	v6 =	vld [tilespmem:s12+$0x5C00]  }
0x370: {  	v7 =	vld [tilespmem:s13+$0x5C00]  }
0x371: {  	v8 =	vld [tilespmem:s14+$0x5C00]  }
0x372: {  	v3 =	vmax.f32 v4, v3;
	v4 =	vld [tilespmem:s15+$0x5C00]  }
0x373: {  	v3 =	vmax.f32 v3, v5;
	v5 =	vld [tilespmem:s16+$0x5C00]  }
0x374: {  	v3 =	vmax.f32 v3, v6;
	v6 =	vld [tilespmem:s1+$0x6400]  }
0x375: {  	v3 =	vmax.f32 v3, v7  }
0x376: {  	v3 =	vmax.f32 v3, v8  }
0x377: {  	v3 =	vmax.f32 v3, v4  }
.Ltmp6:
0x378: {  	v3 =	vmax.f32 v3, v5;
	(pc) =	sbr.rel @p0 .LBB2_9-.Ltmp6, $4  }
0x379: {  	v3 =	vmax.f32 v3, v6  }
0x37a: {  	[tilespmem:s8+$0xAC00] =	vst v3  }
0x37b: {  	v3 =	vld [tilespmem:s1+$0x5C10]  }
0x37c: {  	v4 =	vld [tilespmem:s0+$0x5C10]  }
0x37d: {  	v5 =	vld [tilespmem:s11+$0x5C10]  }
0x37e: {  	v6 =	vld [tilespmem:s12+$0x5C10]  }
0x37f: {  	v7 =	vld [tilespmem:s13+$0x5C10]  }
0x380: {  	v8 =	vld [tilespmem:s14+$0x5C10]  }
0x381: {  	v45 =	vld [tilespmem:s15+$0x5C10];
	v3 =	vmax.f32 v3, v4  }
0x382: {  	v46 =	vld [tilespmem:s16+$0x5C10];
	v3 =	vmax.f32 v3, v5  }
0x383: {  	v47 =	vld [tilespmem:s1+$0x6410];
	v3 =	vmax.f32 v3, v6  }
0x384: {  	v3 =	vmax.f32 v3, v7  }
0x385: {  	v3 =	vmax.f32 v3, v8  }
0x386: {  	v3 =	vmax.f32 v3, v45  }
0x387: {  	v3 =	vmax.f32 v3, v46  }
0x388: {  	v3 =	vmax.f32 v3, v47  }
0x389: {  	[tilespmem:s8+$0xAC10] =	vst v3  }
0x38a: {  	v3 =	vld [tilespmem:s1+$0x5C20]  }
0x38b: {  	v48 =	vld [tilespmem:s0+$0x5C20]  }
0x38c: {  	v49 =	vld [tilespmem:s11+$0x5C20]  }
0x38d: {  	v50 =	vld [tilespmem:s12+$0x5C20]  }
0x38e: {  	v51 =	vld [tilespmem:s13+$0x5C20]  }
0x38f: {  	v52 =	vld [tilespmem:s14+$0x5C20]  }
0x390: {  	v53 =	vld [tilespmem:s15+$0x5C20];
	v3 =	vmax.f32 v3, v48  }
0x391: {  	v54 =	vld [tilespmem:s16+$0x5C20];
	v3 =	vmax.f32 v3, v49  }
0x392: {  	v55 =	vld [tilespmem:s1+$0x6420];
	v3 =	vmax.f32 v3, v50  }
0x393: {  	v3 =	vmax.f32 v3, v51  }
0x394: {  	v3 =	vmax.f32 v3, v52  }
0x395: {  	v3 =	vmax.f32 v3, v53  }
0x396: {  	v3 =	vmax.f32 v3, v54  }
0x397: {  	v3 =	vmax.f32 v3, v55  }
0x398: {  	[tilespmem:s8+$0xAC20] =	vst v3  }
0x399: {  	v3 =	vld [tilespmem:s1+$0x5C30]  }
0x39a: {  	v56 =	vld [tilespmem:s0+$0x5C30]  }
0x39b: {  	v57 =	vld [tilespmem:s11+$0x5C30]  }
0x39c: {  	v58 =	vld [tilespmem:s12+$0x5C30]  }
0x39d: {  	v59 =	vld [tilespmem:s13+$0x5C30]  }
0x39e: {  	v60 =	vld [tilespmem:s14+$0x5C30]  }
0x39f: {  	v61 =	vld [tilespmem:s15+$0x5C30];
	v3 =	vmax.f32 v3, v56  }
0x3a0: {  	v62 =	vld [tilespmem:s16+$0x5C30];
	v3 =	vmax.f32 v3, v57  }
0x3a1: {  	v63 =	vld [tilespmem:s1+$0x6430];
	v3 =	vmax.f32 v3, v58  }
0x3a2: {  	v3 =	vmax.f32 v3, v59  }
0x3a3: {  	p0 =	seq.s32 s4, $0xF;
	v3 =	vmax.f32 v3, v60  }
.Ltmp7:
0x3a4: {  	v3 =	vmax.f32 v3, v61;
	(pc) =	sbr.rel @p0 .LBB2_12-.Ltmp7, $4  }
0x3a5: {  	v3 =	vmax.f32 v3, v62  }
0x3a6: {  	v3 =	vmax.f32 v3, v63  }
0x3a7: {  	s20 =	sadd.s32 $0x100, s7;
	[tilespmem:s8+$0xAC30] =	vst v3  }
0x3a8: {  	[hbm4b:s20+s2] =	stream.linear.scatter [tilespmem:s31], [sflag:$0x4], $0x800, $0x38;
	[tilespmem:$0xB000] =	vst v63  }
0x3a9: {  	s0 =	sshrl.u32 s6, $0x2  }
0x3aa: {  	v3 =	vld [tilespmem:s0+$0x180];
	_ =	sdelay $0x4  }
0x3ab: {  	v4 =	vshll.u32 v3, $0x1  }
0x3ac: {  	v3 =	vand.u32 $0x7, v3;
	v4 =	vand.u32 $0xFFFFFFF0, v4  }
0x3ad: {  	v3 =	vor.u32 v3, v4  }
0x3ae: {  	v4 =	vperm.xlane v3, v0;
	_ =	sdelay $0x1  }
0x3af: {  	v3 =	vperm.xlane v3, v2;
	v4 =	vadd.s32 v1, v4;
	_ =	sdelay $0x1  }
0x3b0: {  	v3 =	vadd.s32 v1, v3;
	_ =	sdelay $0x1  }
0x3b1: {  	s1 =	simm.s32 $0x5800  }
0x3b2: {  	[tilespmem:s1], [sflag:$0x2] =	stream.indirect_vreg.gather [hbm4b:s3+s2], $0x80, v4, vm0, $0xb8;
	[tilespmem:$0xB000] =	vst v63  }
0x3b3: {  	s18 =	simm.s32 $0x6000  }
0x3b4: {  	[tilespmem:s18], [sflag:$0x2] =	stream.indirect_vreg.gather [hbm4b:s3+s2], $0x80, v3, vm0, $0xb8;
	[tilespmem:$0xB000] =	vst v63  }
0x3b5: {  	v3 =	vld [tilespmem:s0+$0x190];
	_ =	sdelay $0x4  }
0x3b6: {  	v60 =	vshll.u32 v3, $0x1  }
0x3b7: {  	v3 =	vand.u32 $0x7, v3;
	v4 =	vand.u32 $0xFFFFFFF0, v60  }
0x3b8: {  	v3 =	vor.u32 v3, v4  }
0x3b9: {  	v4 =	vperm.xlane v3, v0;
	_ =	sdelay $0x1  }
0x3ba: {  	v3 =	vperm.xlane v3, v2;
	v4 =	vadd.s32 v1, v4;
	_ =	sdelay $0x1  }
0x3bb: {  	v3 =	vadd.s32 v1, v3;
	_ =	sdelay $0x1  }
0x3bc: {  	s19 =	simm.s32 $0x6800  }
0x3bd: {  	[tilespmem:s19], [sflag:$0x2] =	stream.indirect_vreg.gather [hbm4b:s3+s2], $0x80, v4, vm0, $0xb8;
	[tilespmem:$0xB000] =	vst v63  }
0x3be: {  	s20 =	simm.s32 $0x7000  }
0x3bf: {  	[tilespmem:s20], [sflag:$0x2] =	stream.indirect_vreg.gather [hbm4b:s3+s2], $0x80, v3, vm0, $0xb8;
	[tilespmem:$0xB000] =	vst v63  }
0x3c0: {  	v3 =	vld [tilespmem:s0+$0x1A0];
	_ =	sdelay $0x4  }
0x3c1: {  	v61 =	vshll.u32 v3, $0x1  }
0x3c2: {  	v3 =	vand.u32 $0x7, v3;
	v4 =	vand.u32 $0xFFFFFFF0, v61  }
0x3c3: {  	v3 =	vor.u32 v3, v4  }
0x3c4: {  	v4 =	vperm.xlane v3, v0;
	_ =	sdelay $0x1  }
0x3c5: {  	v3 =	vperm.xlane v3, v2;
	v4 =	vadd.s32 v1, v4;
	_ =	sdelay $0x1  }
0x3c6: {  	v3 =	vadd.s32 v1, v3;
	_ =	sdelay $0x2  }
0x3c7: {  	[tilespmem:s21], [sflag:$0x2] =	stream.indirect_vreg.gather [hbm4b:s3+s2], $0x80, v4, vm0, $0xb8;
	[tilespmem:$0xB000] =	vst v63  }
0x3c8: {  	_ = 	snop  }
0x3c9: {  	[tilespmem:s22], [sflag:$0x2] =	stream.indirect_vreg.gather [hbm4b:s3+s2], $0x80, v3, vm0, $0xb8;
	[tilespmem:$0xB000] =	vst v63  }
0x3ca: {  	v3 =	vld [tilespmem:s0+$0x1B0];
	_ =	sdelay $0x4  }
0x3cb: {  	v62 =	vshll.u32 v3, $0x1  }
0x3cc: {  	v3 =	vand.u32 $0x7, v3;
	v4 =	vand.u32 $0xFFFFFFF0, v62  }
0x3cd: {  	v3 =	vor.u32 v3, v4  }
0x3ce: {  	v4 =	vperm.xlane v3, v0;
	_ =	sdelay $0x1  }
0x3cf: {  	v3 =	vperm.xlane v3, v2;
	v4 =	vadd.s32 v1, v4;
	_ =	sdelay $0x1  }
0x3d0: {  	v3 =	vadd.s32 v1, v3;
	_ =	sdelay $0x2  }
0x3d1: {  	[tilespmem:s23], [sflag:$0x2] =	stream.indirect_vreg.gather [hbm4b:s3+s2], $0x80, v4, vm0, $0xb8;
	[tilespmem:$0xB000] =	vst v63  }
0x3d2: {  	_ = 	snop  }
0x3d3: {  	[tilespmem:s24], [sflag:$0x2] =	stream.indirect_vreg.gather [hbm4b:s3+s2], $0x80, v3, vm0, $0xb8;
	[tilespmem:$0xB000] =	vst v63  }
0x3d4: {  	v3 =	vld.msk [tilespmem:s0+$0x1C0], $0xff;
	_ =	sdelay $0x4  }
0x3d5: {  	v63 =	vshll.u32 v3, $0x1  }
0x3d6: {  	v3 =	vand.u32 $0x7, v3;
	v4 =	vand.u32 $0xFFFFFFF0, v63  }
0x3d7: {  	v3 =	vor.u32 v3, v4  }
0x3d8: {  	v3 =	vperm.xlane v3, v0;
	_ =	sdelay $0x1  }
0x3d9: {  	v3 =	vadd.s32 v1, v3  }
.Ltmp8:
0x3da: {  	_ = 	snop;
	(pc) =	sbr.rel .LBB2_2-.Ltmp8, $3  }
0x3db: {  	_ =	sdelay $0x1  }
0x3dc: {  	s4 =	sadd.s32 $0x1, s4  }
0x3dd: {  	[tilespmem:s25], [sflag:$0x2] =	stream.indirect_vreg.gather [hbm4b:s3+s2], $0x80, v3, vm0, $0xb8;
	[tilespmem:$0xB000] =	vst v63  }
.LBB2_13:
0x3de: {  	_ =	sfence.sel $0x180000  }
0x3df: {  	[bflag:$0x0] =	sbarrier.arrive $0xFFFF  }
0x3e0: {  	_ =	strace $0x90000047  }
0x3e1: {  	s0 =	stileid.u32;
	[bflag:$0x2] =	sbarrier.arrive $0xFFFF  }
0x3e2: {  	p0 =	sne.s32 s0, $0x0;
	s0 =	rddreg [dreg:$0x2]  }
0x3e3: {  	s0 =	sadd.s32 @!p0 $0x100000, s0  }
0x3e4: {  	[sflag:s0] =	ssyncadd.tile.s32 @!p0 $0x1;
	_ =	shalt  }
.Lfunc_end2:
_tile_overlayer_lowered:
.L_overlay_start_2:
0x3e5: {  	(tag) =	ssettag $0x2  }
0x3e6: {  	s0 =	rddreg [dreg:$0x0];
	s2 =	stileid.u32  }
0x3e7: {  	s1 =	rddreg [dreg:$0x1];
	p0 =	sne.s32 s2, $0x0  }
0x3e8: {  	s3 =	rddreg [dreg:$0x2];
	[bflag:$0x3] =	sbarrier.arrive $0xFFFF;
	s2 =	simm.s32 @!p0 $0x1C05  }
0x3e9: {  	[timem:s3], [sflag:s2] =	dma.local @!p0 [hbm:s0], s1  }
0x3ea: {  	s0 =	simm.s32 @!p0 $0x5  }
0x3eb: {  	_ =	swait.ge @!p0 [sflag:s0], s1  }
0x3ec: {  	s1 =	ssub.s32 @!p0 $0x0, s1;
	[sflag:s0] =	ssyncset.done @!p0 $0x0  }
0x3ed: {  	[sflag:s0] =	ssyncadd.s32 @!p0 s1  }
0x3ee: {  	[bflag:$0x3] =	sbarrier.arrive $0xFFFF  }
0x3ef: {  	_ =	shalt  }

</sc_bundles>
